<compile_context>
chip_gen: v7x
topology: tpu7x:2x2x1
jax: 0.10.2.dev20260603
libtpu: 0.0.44.dev20260713+nightly
codegen_flags: <defaults>
</compile_context>

<pallas_src>
import functools

import jax
import jax.numpy as jnp
from jax import lax
from jax.experimental import pallas as pl
from jax.experimental.pallas import tpu as pltpu
from jax.experimental.pallas import tpu_sc as plsc

U, W, NUM_CATS, B = 16, 16, 100000, 4096
R = U * W
NC, NS = 2, 16
NW = NC * NS
RPW = R // NW
P1 = 49920
P2 = 99968
SZ0 = P1
SZ1 = P2 - P1
TAIL = NUM_CATS - P2
NSTEP = RPW * 2


def _sc_gather(A2d, A_tail, assignment):
  mesh = plsc.VectorSubcoreMesh(core_axis_name="c", subcore_axis_name="s")

  @functools.partial(
      pl.kernel,
      out_type=jax.ShapeDtypeStruct((R, B), jnp.float32),
      mesh=mesh,
      scratch_types=[
          pltpu.VMEM((B,), jnp.int32),
          pltpu.VMEM((SZ1 + TAIL,), jnp.float32),
          pltpu.VMEM((SZ1 + TAIL,), jnp.float32),
          pltpu.VMEM((RPW, TAIL), jnp.float32),
          pltpu.VMEM((B,), jnp.float32),
          pltpu.VMEM((B,), jnp.float32),
          pltpu.SemaphoreType.DMA,
          pltpu.SemaphoreType.DMA,
          pltpu.SemaphoreType.DMA,
          pltpu.SemaphoreType.DMA,
      ],
      compiler_params=pltpu.CompilerParams(needs_layout_passes=False),
  )
  def gather_kernel(a_hbm, atail_hbm, asg_hbm, g_hbm, asg_v, buf0, buf1,
                    tail_v, grow0, grow1, sem0, sem1, wsem0, wsem1):
    wid = lax.axis_index("c") * NS + lax.axis_index("s")
    row0 = wid * RPW
    bufs = [buf0, buf1]
    sems = [sem0, sem1]
    grows = [grow0, grow1]
    wsems = [wsem0, wsem1]

    def fire(s):
      p = s % 2
      row = row0 + s // 2
      if s % 2 == 0:
        src = a_hbm.at[row].at[pl.ds(0, SZ0)]
        dst = bufs[p].at[pl.ds(0, SZ0)]
      else:
        src = a_hbm.at[row].at[pl.ds(P1, SZ1)]
        dst = bufs[p].at[pl.ds(0, SZ1)]
      return pltpu.async_copy(src, dst, sems[p])

    descs = [fire(0), fire(1)]
    pltpu.sync_copy(asg_hbm, asg_v)
    pltpu.sync_copy(atail_hbm.at[pl.ds(row0, RPW)], tail_v)
    wdescs = {}
    for s in range(NSTEP):
      descs[s].wait()
      half = s % 2
      row = s // 2
      buf = bufs[half]
      grow_v = grows[row % 2]
      if half == 0 and row >= 2:
        wdescs[row - 2].wait()
      if half == 1:
        buf[pl.ds(SZ1, 16)] = tail_v[s // 2, pl.ds(0, 16)]
        buf[pl.ds(SZ1 + 16, 16)] = tail_v[s // 2, pl.ds(16, 16)]

      def body(i, _, half=half, buf=buf, grow_v=grow_v):
        for j in range(4):
          off = i * 64 + j * 16
          a = asg_v[pl.ds(off, 16)]
          if half == 0:
            m = a < P1
            grow_v[pl.ds(off, 16)] = plsc.load_gather(buf, [a], mask=m)
          else:
            m1 = a >= P1
            g = plsc.load_gather(buf, [a - P1], mask=m1)
            grow_v[pl.ds(off, 16)] = jnp.where(m1, g, grow_v[pl.ds(off, 16)])
        return 0

      lax.fori_loop(0, B // 64, body, 0)
      if s + 2 < NSTEP:
        descs.append(fire(s + 2))
      if half == 1:
        wdescs[row] = pltpu.async_copy(
            grow_v, g_hbm.at[row0 + row], wsems[row % 2]
        )
    wdescs[RPW - 2].wait()
    wdescs[RPW - 1].wait()

  return gather_kernel(A2d, A_tail, assignment)


def _tc_expand(G3):
  UB = 2

  def body(g_ref, o_ref):
    for k in range(UB):
      g = g_ref[k]
      o_ref[k] = g[:, None, :] + g[None, :, :]

  return pl.pallas_call(
      body,
      grid=(U // UB,),
      in_specs=[pl.BlockSpec((UB, W, B), lambda u: (u, 0, 0))],
      out_specs=pl.BlockSpec((UB, W, W, B), lambda u: (u, 0, 0, 0)),
      out_shape=jax.ShapeDtypeStruct((U, W, W, B), jnp.float32),
  )(G3)


@jax.jit
def kernel(A, assignment):
  A2d = A.reshape(R, NUM_CATS)
  A_tail = A2d[:, P2:]
  G = _sc_gather(A2d, A_tail, assignment)
  return _tc_expand(G.reshape(U, W, B))

# --- scband reference (transcript-rebuilt; emitter-appended) ---
"""Pipeline reference for scband-inception-positive-input-block-71940702208174 (READ-ONLY COPY).

The authoritative reference and input builder live on the scoring server;
editing this copy changes nothing except your own understanding.
"""

import jax, jax.numpy as jnp
import numpy as np

U, W, NUM_CATS, B = 16, 16, 100000, 4096

def setup_inputs(seed: int = 0) -> dict:
    key = jax.random.key(seed)
    k1, k2 = jax.random.split(key)
    A = jax.random.normal(k1, (U, W, NUM_CATS), dtype=jnp.float32)
    assignment = jax.random.randint(k2, (B,), 0, NUM_CATS, dtype=jnp.int32)
    return {"A": A, "assignment": assignment}

def reference(A, assignment):
    # InceptionPositiveInputBlock.forward: gather category slices from the
    # log-parameter table A (shape (U, W, num_cats)) at `assignment` indices,
    # then form the pairwise broadcast sum over the two W axes.
    # A[:, None, :, assignment] -> (U, 1, W, B); A[:, :, None, assignment] -> (U, W, 1, B)
    # result -> (U, W, W, B)
    return A[:, None, :, assignment] + A[:, :, None, assignment]

if __name__ == "__main__":
    import jax
    _d = setup_inputs()
    print(jax.jit(kernel)(*tuple(_d.values())))

</pallas_src>

<mosaic_0001>
#map = affine_map<(d0, d1) -> (0, 0)>
#map1 = affine_map<(d0, d1) -> (0)>
module attributes {stable_mosaic.version = 14 : i64} {
  func.func @gather_kernel(%arg0: i32, %arg1: i32, %arg2: memref<256x100000xf32, #tpu.memory_space<hbm>>, %arg3: memref<256x32xf32, #tpu.memory_space<hbm>>, %arg4: memref<4096xi32, #tpu.memory_space<hbm>>, %arg5: memref<256x4096xf32, #tpu.memory_space<hbm>>, %arg6: memref<4096xi32, #tpu.memory_space<vmem>>, %arg7: memref<50080xf32, #tpu.memory_space<vmem>>, %arg8: memref<50080xf32, #tpu.memory_space<vmem>>, %arg9: memref<8x32xf32, #tpu.memory_space<vmem>>, %arg10: memref<4096xf32, #tpu.memory_space<vmem>>, %arg11: memref<4096xf32, #tpu.memory_space<vmem>>, %arg12: memref<!tpu.dma_semaphore, #tpu.memory_space<semaphore_mem>>, %arg13: memref<!tpu.dma_semaphore, #tpu.memory_space<semaphore_mem>>, %arg14: memref<!tpu.dma_semaphore, #tpu.memory_space<semaphore_mem>>, %arg15: memref<!tpu.dma_semaphore, #tpu.memory_space<semaphore_mem>>) attributes {dimension_semantics = [#tpu.dimension_semantics<core_parallel>, #tpu.dimension_semantics<subcore_parallel>], iteration_bounds = array<i64: 2, 16>, scalar_prefetch = 0 : i64, scratch_operands = 10 : i64, tpu.core_type = #tpu.core_type<sc_vector_subcore>, window_params = [{transform_indices = #map}, {transform_indices = #map}, {transform_indices = #map1}, {transform_indices = #map}]} {
    %mul3A = arith.constant 16 : i32
    %mul3A_0 = arith.muli %arg0, %mul3A : i32
    %add3A = arith.addi %mul3A_0, %arg1 : i32
    %mul3A_1 = arith.constant 8 : i32
    %mul3A_2 = arith.muli %add3A, %mul3A_1 : i32
    %add3A_3 = arith.constant 0 : i32
    %add3A_4 = arith.addi %mul3A_2, %add3A_3 : i32
    %dma_start3A = arith.constant 0 : i32
    %dma_start3A_5 = tpu.memref_slice %arg7[%dma_start3A] : memref<50080xf32, #tpu.memory_space<vmem>> -> memref<49920xf32, #tpu.memory_space<vmem>>
    %dma_start3A_6 = arith.constant 0 : i32
    %dma_start3A_7 = tpu.memref_slice %arg2[%add3A_4, %dma_start3A_6] : memref<256x100000xf32, #tpu.memory_space<hbm>> -> memref<1x100000xf32, #tpu.memory_space<hbm>>
    %dma_start3A_8 = tpu.memref_squeeze %dma_start3A_7 : memref<1x100000xf32, #tpu.memory_space<hbm>> -> memref<100000xf32, #tpu.memory_space<hbm>>
    %dma_start3A_9 = arith.constant 0 : i32
    %dma_start3A_10 = tpu.memref_slice %dma_start3A_8[%dma_start3A_9] : memref<100000xf32, #tpu.memory_space<hbm>> -> memref<49920xf32, #tpu.memory_space<hbm>>
    %dma_start3A_11 = arith.constant 0 : i32
    %dma_start3A_12 = tpu.memref_slice %arg7[%dma_start3A_11] : memref<50080xf32, #tpu.memory_space<vmem>> -> memref<49920xf32, #tpu.memory_space<vmem>>
    %dma_start3A_13 = arith.constant 0 : i32
    %dma_start3A_14 = tpu.memref_slice %arg2[%add3A_4, %dma_start3A_13] : memref<256x100000xf32, #tpu.memory_space<hbm>> -> memref<1x100000xf32, #tpu.memory_space<hbm>>
    %dma_start3A_15 = tpu.memref_squeeze %dma_start3A_14 : memref<1x100000xf32, #tpu.memory_space<hbm>> -> memref<100000xf32, #tpu.memory_space<hbm>>
    %dma_start3A_16 = arith.constant 0 : i32
    %dma_start3A_17 = tpu.memref_slice %dma_start3A_15[%dma_start3A_16] : memref<100000xf32, #tpu.memory_space<hbm>> -> memref<49920xf32, #tpu.memory_space<hbm>>
    tpu.enqueue_dma source(%dma_start3A_17 : memref<49920xf32, #tpu.memory_space<hbm>>) target(%dma_start3A_12 : memref<49920xf32, #tpu.memory_space<vmem>>) target_semaphore(%arg12 : memref<!tpu.dma_semaphore, #tpu.memory_space<semaphore_mem>>)
    %add3A_18 = arith.constant 0 : i32
    %add3A_19 = arith.addi %mul3A_2, %add3A_18 : i32
    %dma_start3A_20 = arith.constant 0 : i32
    %dma_start3A_21 = tpu.memref_slice %arg8[%dma_start3A_20] : memref<50080xf32, #tpu.memory_space<vmem>> -> memref<50048xf32, #tpu.memory_space<vmem>>
    %dma_start3A_22 = arith.constant 0 : i32
    %dma_start3A_23 = tpu.memref_slice %arg2[%add3A_19, %dma_start3A_22] : memref<256x100000xf32, #tpu.memory_space<hbm>> -> memref<1x100000xf32, #tpu.memory_space<hbm>>
    %dma_start3A_24 = tpu.memref_squeeze %dma_start3A_23 : memref<1x100000xf32, #tpu.memory_space<hbm>> -> memref<100000xf32, #tpu.memory_space<hbm>>
    %dma_start3A_25 = arith.constant 49920 : i32
    %dma_start3A_26 = tpu.memref_slice %dma_start3A_24[%dma_start3A_25] : memref<100000xf32, #tpu.memory_space<hbm>> -> memref<50048xf32, #tpu.memory_space<hbm>>
    %dma_start3A_27 = arith.constant 0 : i32
    %dma_start3A_28 = tpu.memref_slice %arg8[%dma_start3A_27] : memref<50080xf32, #tpu.memory_space<vmem>> -> memref<50048xf32, #tpu.memory_space<vmem>>
    %dma_start3A_29 = arith.constant 0 : i32
    %dma_start3A_30 = tpu.memref_slice %arg2[%add3A_19, %dma_start3A_29] : memref<256x100000xf32, #tpu.memory_space<hbm>> -> memref<1x100000xf32, #tpu.memory_space<hbm>>
    %dma_start3A_31 = tpu.memref_squeeze %dma_start3A_30 : memref<1x100000xf32, #tpu.memory_space<hbm>> -> memref<100000xf32, #tpu.memory_space<hbm>>
    %dma_start3A_32 = arith.constant 49920 : i32
    %dma_start3A_33 = tpu.memref_slice %dma_start3A_31[%dma_start3A_32] : memref<100000xf32, #tpu.memory_space<hbm>> -> memref<50048xf32, #tpu.memory_space<hbm>>
    tpu.enqueue_dma source(%dma_start3A_33 : memref<50048xf32, #tpu.memory_space<hbm>>) target(%dma_start3A_28 : memref<50048xf32, #tpu.memory_space<vmem>>) target_semaphore(%arg13 : memref<!tpu.dma_semaphore, #tpu.memory_space<semaphore_mem>>)
    "tpu.region"() ({
      %run_scoped3A = tpu.sem_alloc : memref<!tpu.dma_semaphore, #tpu.memory_space<semaphore_mem>>
      tpu.enqueue_dma source(%arg4 : memref<4096xi32, #tpu.memory_space<hbm>>) target(%arg6 : memref<4096xi32, #tpu.memory_space<vmem>>) target_semaphore(%run_scoped3A : memref<!tpu.dma_semaphore, #tpu.memory_space<semaphore_mem>>)
      tpu.wait_dma2 semaphore(%run_scoped3A : memref<!tpu.dma_semaphore, #tpu.memory_space<semaphore_mem>>) src(%arg4 : memref<4096xi32, #tpu.memory_space<hbm>>) dst(%arg6 : memref<4096xi32, #tpu.memory_space<vmem>>)
      tpu.yield
    }) : () -> ()
    "tpu.region"() ({
      %run_scoped3A = tpu.sem_alloc : memref<!tpu.dma_semaphore, #tpu.memory_space<semaphore_mem>>
      %dma_start3A_798 = arith.constant 0 : i32
      %dma_start3A_799 = tpu.memref_slice %arg3[%mul3A_2, %dma_start3A_798] : memref<256x32xf32, #tpu.memory_space<hbm>> -> memref<8x32xf32, #tpu.memory_space<hbm>>
      %dma_start3A_800 = arith.constant 0 : i32
      %dma_start3A_801 = tpu.memref_slice %arg3[%mul3A_2, %dma_start3A_800] : memref<256x32xf32, #tpu.memory_space<hbm>> -> memref<8x32xf32, #tpu.memory_space<hbm>>
      tpu.enqueue_dma source(%dma_start3A_801 : memref<8x32xf32, #tpu.memory_space<hbm>>) target(%arg9 : memref<8x32xf32, #tpu.memory_space<vmem>>) target_semaphore(%run_scoped3A : memref<!tpu.dma_semaphore, #tpu.memory_space<semaphore_mem>>)
      %dma_wait3A_802 = arith.constant 0 : i32
      %dma_wait3A_803 = tpu.memref_slice %arg3[%mul3A_2, %dma_wait3A_802] : memref<256x32xf32, #tpu.memory_space<hbm>> -> memref<8x32xf32, #tpu.memory_space<hbm>>
      %dma_wait3A_804 = arith.constant 0 : i32
      %dma_wait3A_805 = tpu.memref_slice %arg3[%mul3A_2, %dma_wait3A_804] : memref<256x32xf32, #tpu.memory_space<hbm>> -> memref<8x32xf32, #tpu.memory_space<hbm>>
      tpu.wait_dma2 semaphore(%run_scoped3A : memref<!tpu.dma_semaphore, #tpu.memory_space<semaphore_mem>>) src(%dma_wait3A_805 : memref<8x32xf32, #tpu.memory_space<hbm>>) dst(%arg9 : memref<8x32xf32, #tpu.memory_space<vmem>>)
      tpu.yield
    }) : () -> ()
    %dma_wait3A = arith.constant 0 : i32
    %dma_wait3A_34 = tpu.memref_slice %arg7[%dma_wait3A] : memref<50080xf32, #tpu.memory_space<vmem>> -> memref<49920xf32, #tpu.memory_space<vmem>>
    %dma_wait3A_35 = arith.constant 0 : i32
    %dma_wait3A_36 = tpu.memref_slice %arg2[%add3A_4, %dma_wait3A_35] : memref<256x100000xf32, #tpu.memory_space<hbm>> -> memref<1x100000xf32, #tpu.memory_space<hbm>>
    %dma_wait3A_37 = tpu.memref_squeeze %dma_wait3A_36 : memref<1x100000xf32, #tpu.memory_space<hbm>> -> memref<100000xf32, #tpu.memory_space<hbm>>
    %dma_wait3A_38 = arith.constant 0 : i32
    %dma_wait3A_39 = tpu.memref_slice %dma_wait3A_37[%dma_wait3A_38] : memref<100000xf32, #tpu.memory_space<hbm>> -> memref<49920xf32, #tpu.memory_space<hbm>>
    %dma_wait3A_40 = arith.constant 0 : i32
    %dma_wait3A_41 = tpu.memref_slice %arg7[%dma_wait3A_40] : memref<50080xf32, #tpu.memory_space<vmem>> -> memref<49920xf32, #tpu.memory_space<vmem>>
    %dma_wait3A_42 = arith.constant 0 : i32
    %dma_wait3A_43 = tpu.memref_slice %arg2[%add3A_4, %dma_wait3A_42] : memref<256x100000xf32, #tpu.memory_space<hbm>> -> memref<1x100000xf32, #tpu.memory_space<hbm>>
    %dma_wait3A_44 = tpu.memref_squeeze %dma_wait3A_43 : memref<1x100000xf32, #tpu.memory_space<hbm>> -> memref<100000xf32, #tpu.memory_space<hbm>>
    %dma_wait3A_45 = arith.constant 0 : i32
    %dma_wait3A_46 = tpu.memref_slice %dma_wait3A_44[%dma_wait3A_45] : memref<100000xf32, #tpu.memory_space<hbm>> -> memref<49920xf32, #tpu.memory_space<hbm>>
    tpu.wait_dma2 semaphore(%arg12 : memref<!tpu.dma_semaphore, #tpu.memory_space<semaphore_mem>>) src(%dma_wait3A_46 : memref<49920xf32, #tpu.memory_space<hbm>>) dst(%dma_wait3A_41 : memref<49920xf32, #tpu.memory_space<vmem>>)
    %scan3A = arith.constant 0 : i32
    %scan3A_47 = arith.constant 0 : i32
    %scan3A_48 = arith.constant 64 : i32
    %scan3A_49 = arith.addi %scan3A_47, %scan3A_48 : i32
    %scan3A_50 = arith.constant 1 : i32
    %scan3A_51 = scf.for %scan3A_798 = %scan3A_47 to %scan3A_49 step %scan3A_50 iter_args(%scan3A_799 = %scan3A) -> (i32)  : i32 {
      %mul3A_800 = arith.constant 64 : i32
      %mul3A_801 = arith.muli %scan3A_798, %mul3A_800 : i32
      %add3A_802 = arith.constant 0 : i32
      %add3A_803 = arith.addi %mul3A_801, %add3A_802 : i32
      %get3A_804 = arith.index_cast %add3A_803 : i32 to index
      %get3A_805 = tpu.vector_load %arg6[%get3A_804] {strides = array<i32>} : memref<4096xi32, #tpu.memory_space<vmem>>, vector<16xi32>,
      %lt3A = arith.constant 49920 : i32
      %lt3A_806 = vector.broadcast %lt3A : i32 to vector<16xi32>
      %lt3A_807 = arith.cmpi slt, %get3A_805, %lt3A_806 : vector<16xi32>
      %gather3A = tpu.vector_load_idx %arg7[%get3A_805] masked %lt3A_807 : memref<50080xf32, #tpu.memory_space<vmem>>[vector<16xi32>], vector<16xf32>, vector<16xi1>
      %swap3A_808 = arith.index_cast %add3A_803 : i32 to index
      %swap3A_809 = tpu.vector_load %arg10[%swap3A_808] {strides = array<i32>} : memref<4096xf32, #tpu.memory_space<vmem>>, vector<16xf32>,
      tpu.vector_store %arg10[%swap3A_808], %gather3A {strides = array<i32>} : memref<4096xf32, #tpu.memory_space<vmem>>, vector<16xf32>,
      %mul3A_810 = arith.constant 64 : i32
      %mul3A_811 = arith.muli %scan3A_798, %mul3A_810 : i32
      %add3A_812 = arith.constant 16 : i32
      %add3A_813 = arith.addi %mul3A_811, %add3A_812 : i32
      %get3A_814 = arith.index_cast %add3A_813 : i32 to index
      %get3A_815 = tpu.vector_load %arg6[%get3A_814] {strides = array<i32>} : memref<4096xi32, #tpu.memory_space<vmem>>, vector<16xi32>,
      %lt3A_816 = arith.constant 49920 : i32
      %lt3A_817 = vector.broadcast %lt3A_816 : i32 to vector<16xi32>
      %lt3A_818 = arith.cmpi slt, %get3A_815, %lt3A_817 : vector<16xi32>
      %gather3A_819 = tpu.vector_load_idx %arg7[%get3A_815] masked %lt3A_818 : memref<50080xf32, #tpu.memory_space<vmem>>[vector<16xi32>], vector<16xf32>, vector<16xi1>
      %swap3A_820 = arith.index_cast %add3A_813 : i32 to index
      %swap3A_821 = tpu.vector_load %arg10[%swap3A_820] {strides = array<i32>} : memref<4096xf32, #tpu.memory_space<vmem>>, vector<16xf32>,
      tpu.vector_store %arg10[%swap3A_820], %gather3A_819 {strides = array<i32>} : memref<4096xf32, #tpu.memory_space<vmem>>, vector<16xf32>,
      %mul3A_822 = arith.constant 64 : i32
      %mul3A_823 = arith.muli %scan3A_798, %mul3A_822 : i32
      %add3A_824 = arith.constant 32 : i32
      %add3A_825 = arith.addi %mul3A_823, %add3A_824 : i32
      %get3A_826 = arith.index_cast %add3A_825 : i32 to index
      %get3A_827 = tpu.vector_load %arg6[%get3A_826] {strides = array<i32>} : memref<4096xi32, #tpu.memory_space<vmem>>, vector<16xi32>,
      %lt3A_828 = arith.constant 49920 : i32
      %lt3A_829 = vector.broadcast %lt3A_828 : i32 to vector<16xi32>
      %lt3A_830 = arith.cmpi slt, %get3A_827, %lt3A_829 : vector<16xi32>
      %gather3A_831 = tpu.vector_load_idx %arg7[%get3A_827] masked %lt3A_830 : memref<50080xf32, #tpu.memory_space<vmem>>[vector<16xi32>], vector<16xf32>, vector<16xi1>
      %swap3A_832 = arith.index_cast %add3A_825 : i32 to index
      %swap3A_833 = tpu.vector_load %arg10[%swap3A_832] {strides = array<i32>} : memref<4096xf32, #tpu.memory_space<vmem>>, vector<16xf32>,
      tpu.vector_store %arg10[%swap3A_832], %gather3A_831 {strides = array<i32>} : memref<4096xf32, #tpu.memory_space<vmem>>, vector<16xf32>,
      %mul3A_834 = arith.constant 64 : i32
      %mul3A_835 = arith.muli %scan3A_798, %mul3A_834 : i32
      %add3A_836 = arith.constant 48 : i32
      %add3A_837 = arith.addi %mul3A_835, %add3A_836 : i32
      %get3A_838 = arith.index_cast %add3A_837 : i32 to index
      %get3A_839 = tpu.vector_load %arg6[%get3A_838] {strides = array<i32>} : memref<4096xi32, #tpu.memory_space<vmem>>, vector<16xi32>,
      %lt3A_840 = arith.constant 49920 : i32
      %lt3A_841 = vector.broadcast %lt3A_840 : i32 to vector<16xi32>
      %lt3A_842 = arith.cmpi slt, %get3A_839, %lt3A_841 : vector<16xi32>
      %gather3A_843 = tpu.vector_load_idx %arg7[%get3A_839] masked %lt3A_842 : memref<50080xf32, #tpu.memory_space<vmem>>[vector<16xi32>], vector<16xf32>, vector<16xi1>
      %swap3A_844 = arith.index_cast %add3A_837 : i32 to index
      %swap3A_845 = tpu.vector_load %arg10[%swap3A_844] {strides = array<i32>} : memref<4096xf32, #tpu.memory_space<vmem>>, vector<16xf32>,
      tpu.vector_store %arg10[%swap3A_844], %gather3A_843 {strides = array<i32>} : memref<4096xf32, #tpu.memory_space<vmem>>, vector<16xf32>,
      %scan3A_846 = arith.constant 0 : i32
      scf.yield %scan3A_846 : i32
    }
    %scan3A_52 = arith.constant 64 : i32
    %add3A_53 = arith.constant 1 : i32
    %add3A_54 = arith.addi %mul3A_2, %add3A_53 : i32
    %dma_start3A_55 = arith.constant 0 : i32
    %dma_start3A_56 = tpu.memref_slice %arg7[%dma_start3A_55] : memref<50080xf32, #tpu.memory_space<vmem>> -> memref<49920xf32, #tpu.memory_space<vmem>>
    %dma_start3A_57 = arith.constant 0 : i32
    %dma_start3A_58 = tpu.memref_slice %arg2[%add3A_54, %dma_start3A_57] : memref<256x100000xf32, #tpu.memory_space<hbm>> -> memref<1x100000xf32, #tpu.memory_space<hbm>>
    %dma_start3A_59 = tpu.memref_squeeze %dma_start3A_58 : memref<1x100000xf32, #tpu.memory_space<hbm>> -> memref<100000xf32, #tpu.memory_space<hbm>>
    %dma_start3A_60 = arith.constant 0 : i32
    %dma_start3A_61 = tpu.memref_slice %dma_start3A_59[%dma_start3A_60] : memref<100000xf32, #tpu.memory_space<hbm>> -> memref<49920xf32, #tpu.memory_space<hbm>>
    %dma_start3A_62 = arith.constant 0 : i32
    %dma_start3A_63 = tpu.memref_slice %arg7[%dma_start3A_62] : memref<50080xf32, #tpu.memory_space<vmem>> -> memref<49920xf32, #tpu.memory_space<vmem>>
    %dma_start3A_64 = arith.constant 0 : i32
    %dma_start3A_65 = tpu.memref_slice %arg2[%add3A_54, %dma_start3A_64] : memref<256x100000xf32, #tpu.memory_space<hbm>> -> memref<1x100000xf32, #tpu.memory_space<hbm>>
    %dma_start3A_66 = tpu.memref_squeeze %dma_start3A_65 : memref<1x100000xf32, #tpu.memory_space<hbm>> -> memref<100000xf32, #tpu.memory_space<hbm>>
    %dma_start3A_67 = arith.constant 0 : i32
    %dma_start3A_68 = tpu.memref_slice %dma_start3A_66[%dma_start3A_67] : memref<100000xf32, #tpu.memory_space<hbm>> -> memref<49920xf32, #tpu.memory_space<hbm>>
    tpu.enqueue_dma source(%dma_start3A_68 : memref<49920xf32, #tpu.memory_space<hbm>>) target(%dma_start3A_63 : memref<49920xf32, #tpu.memory_space<vmem>>) target_semaphore(%arg12 : memref<!tpu.dma_semaphore, #tpu.memory_space<semaphore_mem>>)
    %dma_wait3A_69 = arith.constant 0 : i32
    %dma_wait3A_70 = tpu.memref_slice %arg8[%dma_wait3A_69] : memref<50080xf32, #tpu.memory_space<vmem>> -> memref<50048xf32, #tpu.memory_space<vmem>>
    %dma_wait3A_71 = arith.constant 0 : i32
    %dma_wait3A_72 = tpu.memref_slice %arg2[%add3A_19, %dma_wait3A_71] : memref<256x100000xf32, #tpu.memory_space<hbm>> -> memref<1x100000xf32, #tpu.memory_space<hbm>>
    %dma_wait3A_73 = tpu.memref_squeeze %dma_wait3A_72 : memref<1x100000xf32, #tpu.memory_space<hbm>> -> memref<100000xf32, #tpu.memory_space<hbm>>
    %dma_wait3A_74 = arith.constant 49920 : i32
    %dma_wait3A_75 = tpu.memref_slice %dma_wait3A_73[%dma_wait3A_74] : memref<100000xf32, #tpu.memory_space<hbm>> -> memref<50048xf32, #tpu.memory_space<hbm>>
    %dma_wait3A_76 = arith.constant 0 : i32
    %dma_wait3A_77 = tpu.memref_slice %arg8[%dma_wait3A_76] : memref<50080xf32, #tpu.memory_space<vmem>> -> memref<50048xf32, #tpu.memory_space<vmem>>
    %dma_wait3A_78 = arith.constant 0 : i32
    %dma_wait3A_79 = tpu.memref_slice %arg2[%add3A_19, %dma_wait3A_78] : memref<256x100000xf32, #tpu.memory_space<hbm>> -> memref<1x100000xf32, #tpu.memory_space<hbm>>
    %dma_wait3A_80 = tpu.memref_squeeze %dma_wait3A_79 : memref<1x100000xf32, #tpu.memory_space<hbm>> -> memref<100000xf32, #tpu.memory_space<hbm>>
    %dma_wait3A_81 = arith.constant 49920 : i32
    %dma_wait3A_82 = tpu.memref_slice %dma_wait3A_80[%dma_wait3A_81] : memref<100000xf32, #tpu.memory_space<hbm>> -> memref<50048xf32, #tpu.memory_space<hbm>>
    tpu.wait_dma2 semaphore(%arg13 : memref<!tpu.dma_semaphore, #tpu.memory_space<semaphore_mem>>) src(%dma_wait3A_82 : memref<50048xf32, #tpu.memory_space<hbm>>) dst(%dma_wait3A_77 : memref<50048xf32, #tpu.memory_space<vmem>>)
    %get3A = arith.constant 0 : i32
    %get3A_83 = arith.index_cast %get3A : i32 to index
    %get3A_84 = arith.constant 0 : index
    %get3A_85 = tpu.vector_load %arg9[%get3A_83, %get3A_84] {strides = array<i32>} : memref<8x32xf32, #tpu.memory_space<vmem>>, vector<16xf32>,
    %swap3A = arith.constant 50048 : index
    %swap3A_86 = tpu.vector_load %arg8[%swap3A] {strides = array<i32>} : memref<50080xf32, #tpu.memory_space<vmem>>, vector<16xf32>,
    tpu.vector_store %arg8[%swap3A], %get3A_85 {strides = array<i32>} : memref<50080xf32, #tpu.memory_space<vmem>>, vector<16xf32>,
    %get3A_87 = arith.constant 0 : i32
    %get3A_88 = arith.index_cast %get3A_87 : i32 to index
    %get3A_89 = arith.constant 16 : index
    %get3A_90 = tpu.vector_load %arg9[%get3A_88, %get3A_89] {strides = array<i32>} : memref<8x32xf32, #tpu.memory_space<vmem>>, vector<16xf32>,
    %swap3A_91 = arith.constant 50064 : index
    %swap3A_92 = tpu.vector_load %arg8[%swap3A_91] {strides = array<i32>} : memref<50080xf32, #tpu.memory_space<vmem>>, vector<16xf32>,
    tpu.vector_store %arg8[%swap3A_91], %get3A_90 {strides = array<i32>} : memref<50080xf32, #tpu.memory_space<vmem>>, vector<16xf32>,
    %scan3A_93 = arith.constant 0 : i32
    %scan3A_94 = arith.constant 0 : i32
    %scan3A_95 = arith.constant 64 : i32
    %scan3A_96 = arith.addi %scan3A_94, %scan3A_95 : i32
    %scan3A_97 = arith.constant 1 : i32
    %scan3A_98 = scf.for %scan3A_798 = %scan3A_94 to %scan3A_96 step %scan3A_97 iter_args(%scan3A_799 = %scan3A_93) -> (i32)  : i32 {
      %mul3A_800 = arith.constant 64 : i32
      %mul3A_801 = arith.muli %scan3A_798, %mul3A_800 : i32
      %add3A_802 = arith.constant 0 : i32
      %add3A_803 = arith.addi %mul3A_801, %add3A_802 : i32
      %get3A_804 = arith.index_cast %add3A_803 : i32 to index
      %get3A_805 = tpu.vector_load %arg6[%get3A_804] {strides = array<i32>} : memref<4096xi32, #tpu.memory_space<vmem>>, vector<16xi32>,
      %ge3A = arith.constant 49920 : i32
      %ge3A_806 = vector.broadcast %ge3A : i32 to vector<16xi32>
      %ge3A_807 = arith.cmpi sge, %get3A_805, %ge3A_806 : vector<16xi32>
      %sub3A = arith.constant 49920 : i32
      %sub3A_808 = vector.broadcast %sub3A : i32 to vector<16xi32>
      %sub3A_809 = arith.subi %get3A_805, %sub3A_808 : vector<16xi32>
      %gather3A = tpu.vector_load_idx %arg8[%sub3A_809] masked %ge3A_807 : memref<50080xf32, #tpu.memory_space<vmem>>[vector<16xi32>], vector<16xf32>, vector<16xi1>
      %get3A_810 = arith.index_cast %add3A_803 : i32 to index
      %get3A_811 = tpu.vector_load %arg10[%get3A_810] {strides = array<i32>} : memref<4096xf32, #tpu.memory_space<vmem>>, vector<16xf32>,
      %select_n3A = arith.select %ge3A_807, %gather3A, %get3A_811 : vector<16xi1>, vector<16xf32>
      %swap3A_812 = arith.index_cast %add3A_803 : i32 to index
      %swap3A_813 = tpu.vector_load %arg10[%swap3A_812] {strides = array<i32>} : memref<4096xf32, #tpu.memory_space<vmem>>, vector<16xf32>,
      tpu.vector_store %arg10[%swap3A_812], %select_n3A {strides = array<i32>} : memref<4096xf32, #tpu.memory_space<vmem>>, vector<16xf32>,
      %mul3A_814 = arith.constant 64 : i32
      %mul3A_815 = arith.muli %scan3A_798, %mul3A_814 : i32
      %add3A_816 = arith.constant 16 : i32
      %add3A_817 = arith.addi %mul3A_815, %add3A_816 : i32
      %get3A_818 = arith.index_cast %add3A_817 : i32 to index
      %get3A_819 = tpu.vector_load %arg6[%get3A_818] {strides = array<i32>} : memref<4096xi32, #tpu.memory_space<vmem>>, vector<16xi32>,
      %ge3A_820 = arith.constant 49920 : i32
      %ge3A_821 = vector.broadcast %ge3A_820 : i32 to vector<16xi32>
      %ge3A_822 = arith.cmpi sge, %get3A_819, %ge3A_821 : vector<16xi32>
      %sub3A_823 = arith.constant 49920 : i32
      %sub3A_824 = vector.broadcast %sub3A_823 : i32 to vector<16xi32>
      %sub3A_825 = arith.subi %get3A_819, %sub3A_824 : vector<16xi32>
      %gather3A_826 = tpu.vector_load_idx %arg8[%sub3A_825] masked %ge3A_822 : memref<50080xf32, #tpu.memory_space<vmem>>[vector<16xi32>], vector<16xf32>, vector<16xi1>
      %get3A_827 = arith.index_cast %add3A_817 : i32 to index
      %get3A_828 = tpu.vector_load %arg10[%get3A_827] {strides = array<i32>} : memref<4096xf32, #tpu.memory_space<vmem>>, vector<16xf32>,
      %select_n3A_829 = arith.select %ge3A_822, %gather3A_826, %get3A_828 : vector<16xi1>, vector<16xf32>
      %swap3A_830 = arith.index_cast %add3A_817 : i32 to index
      %swap3A_831 = tpu.vector_load %arg10[%swap3A_830] {strides = array<i32>} : memref<4096xf32, #tpu.memory_space<vmem>>, vector<16xf32>,
      tpu.vector_store %arg10[%swap3A_830], %select_n3A_829 {strides = array<i32>} : memref<4096xf32, #tpu.memory_space<vmem>>, vector<16xf32>,
      %mul3A_832 = arith.constant 64 : i32
      %mul3A_833 = arith.muli %scan3A_798, %mul3A_832 : i32
      %add3A_834 = arith.constant 32 : i32
      %add3A_835 = arith.addi %mul3A_833, %add3A_834 : i32
      %get3A_836 = arith.index_cast %add3A_835 : i32 to index
      %get3A_837 = tpu.vector_load %arg6[%get3A_836] {strides = array<i32>} : memref<4096xi32, #tpu.memory_space<vmem>>, vector<16xi32>,
      %ge3A_838 = arith.constant 49920 : i32
      %ge3A_839 = vector.broadcast %ge3A_838 : i32 to vector<16xi32>
      %ge3A_840 = arith.cmpi sge, %get3A_837, %ge3A_839 : vector<16xi32>
      %sub3A_841 = arith.constant 49920 : i32
      %sub3A_842 = vector.broadcast %sub3A_841 : i32 to vector<16xi32>
      %sub3A_843 = arith.subi %get3A_837, %sub3A_842 : vector<16xi32>
      %gather3A_844 = tpu.vector_load_idx %arg8[%sub3A_843] masked %ge3A_840 : memref<50080xf32, #tpu.memory_space<vmem>>[vector<16xi32>], vector<16xf32>, vector<16xi1>
      %get3A_845 = arith.index_cast %add3A_835 : i32 to index
      %get3A_846 = tpu.vector_load %arg10[%get3A_845] {strides = array<i32>} : memref<4096xf32, #tpu.memory_space<vmem>>, vector<16xf32>,
      %select_n3A_847 = arith.select %ge3A_840, %gather3A_844, %get3A_846 : vector<16xi1>, vector<16xf32>
      %swap3A_848 = arith.index_cast %add3A_835 : i32 to index
      %swap3A_849 = tpu.vector_load %arg10[%swap3A_848] {strides = array<i32>} : memref<4096xf32, #tpu.memory_space<vmem>>, vector<16xf32>,
      tpu.vector_store %arg10[%swap3A_848], %select_n3A_847 {strides = array<i32>} : memref<4096xf32, #tpu.memory_space<vmem>>, vector<16xf32>,
      %mul3A_850 = arith.constant 64 : i32
      %mul3A_851 = arith.muli %scan3A_798, %mul3A_850 : i32
      %add3A_852 = arith.constant 48 : i32
      %add3A_853 = arith.addi %mul3A_851, %add3A_852 : i32
      %get3A_854 = arith.index_cast %add3A_853 : i32 to index
      %get3A_855 = tpu.vector_load %arg6[%get3A_854] {strides = array<i32>} : memref<4096xi32, #tpu.memory_space<vmem>>, vector<16xi32>,
      %ge3A_856 = arith.constant 49920 : i32
      %ge3A_857 = vector.broadcast %ge3A_856 : i32 to vector<16xi32>
      %ge3A_858 = arith.cmpi sge, %get3A_855, %ge3A_857 : vector<16xi32>
      %sub3A_859 = arith.constant 49920 : i32
      %sub3A_860 = vector.broadcast %sub3A_859 : i32 to vector<16xi32>
      %sub3A_861 = arith.subi %get3A_855, %sub3A_860 : vector<16xi32>
      %gather3A_862 = tpu.vector_load_idx %arg8[%sub3A_861] masked %ge3A_858 : memref<50080xf32, #tpu.memory_space<vmem>>[vector<16xi32>], vector<16xf32>, vector<16xi1>
      %get3A_863 = arith.index_cast %add3A_853 : i32 to index
      %get3A_864 = tpu.vector_load %arg10[%get3A_863] {strides = array<i32>} : memref<4096xf32, #tpu.memory_space<vmem>>, vector<16xf32>,
      %select_n3A_865 = arith.select %ge3A_858, %gather3A_862, %get3A_864 : vector<16xi1>, vector<16xf32>
      %swap3A_866 = arith.index_cast %add3A_853 : i32 to index
      %swap3A_867 = tpu.vector_load %arg10[%swap3A_866] {strides = array<i32>} : memref<4096xf32, #tpu.memory_space<vmem>>, vector<16xf32>,
      tpu.vector_store %arg10[%swap3A_866], %select_n3A_865 {strides = array<i32>} : memref<4096xf32, #tpu.memory_space<vmem>>, vector<16xf32>,
      %scan3A_868 = arith.constant 0 : i32
      scf.yield %scan3A_868 : i32
    }
    %scan3A_99 = arith.constant 64 : i32
    %add3A_100 = arith.constant 1 : i32
    %add3A_101 = arith.addi %mul3A_2, %add3A_100 : i32
    %dma_start3A_102 = arith.constant 0 : i32
    %dma_start3A_103 = tpu.memref_slice %arg8[%dma_start3A_102] : memref<50080xf32, #tpu.memory_space<vmem>> -> memref<50048xf32, #tpu.memory_space<vmem>>
    %dma_start3A_104 = arith.constant 0 : i32
    %dma_start3A_105 = tpu.memref_slice %arg2[%add3A_101, %dma_start3A_104] : memref<256x100000xf32, #tpu.memory_space<hbm>> -> memref<1x100000xf32, #tpu.memory_space<hbm>>
    %dma_start3A_106 = tpu.memref_squeeze %dma_start3A_105 : memref<1x100000xf32, #tpu.memory_space<hbm>> -> memref<100000xf32, #tpu.memory_space<hbm>>
    %dma_start3A_107 = arith.constant 49920 : i32
    %dma_start3A_108 = tpu.memref_slice %dma_start3A_106[%dma_start3A_107] : memref<100000xf32, #tpu.memory_space<hbm>> -> memref<50048xf32, #tpu.memory_space<hbm>>
    %dma_start3A_109 = arith.constant 0 : i32
    %dma_start3A_110 = tpu.memref_slice %arg8[%dma_start3A_109] : memref<50080xf32, #tpu.memory_space<vmem>> -> memref<50048xf32, #tpu.memory_space<vmem>>
    %dma_start3A_111 = arith.constant 0 : i32
    %dma_start3A_112 = tpu.memref_slice %arg2[%add3A_101, %dma_start3A_111] : memref<256x100000xf32, #tpu.memory_space<hbm>> -> memref<1x100000xf32, #tpu.memory_space<hbm>>
    %dma_start3A_113 = tpu.memref_squeeze %dma_start3A_112 : memref<1x100000xf32, #tpu.memory_space<hbm>> -> memref<100000xf32, #tpu.memory_space<hbm>>
    %dma_start3A_114 = arith.constant 49920 : i32
    %dma_start3A_115 = tpu.memref_slice %dma_start3A_113[%dma_start3A_114] : memref<100000xf32, #tpu.memory_space<hbm>> -> memref<50048xf32, #tpu.memory_space<hbm>>
    tpu.enqueue_dma source(%dma_start3A_115 : memref<50048xf32, #tpu.memory_space<hbm>>) target(%dma_start3A_110 : memref<50048xf32, #tpu.memory_space<vmem>>) target_semaphore(%arg13 : memref<!tpu.dma_semaphore, #tpu.memory_space<semaphore_mem>>)
    %add3A_116 = arith.constant 0 : i32
    %add3A_117 = arith.addi %mul3A_2, %add3A_116 : i32
    %dma_start3A_118 = arith.constant 0 : i32
    %dma_start3A_119 = tpu.memref_slice %arg5[%add3A_117, %dma_start3A_118] : memref<256x4096xf32, #tpu.memory_space<hbm>> -> memref<1x4096xf32, #tpu.memory_space<hbm>>
    %dma_start3A_120 = tpu.memref_squeeze %dma_start3A_119 : memref<1x4096xf32, #tpu.memory_space<hbm>> -> memref<4096xf32, #tpu.memory_space<hbm>>
    %dma_start3A_121 = arith.constant 0 : i32
    %dma_start3A_122 = tpu.memref_slice %arg5[%add3A_117, %dma_start3A_121] : memref<256x4096xf32, #tpu.memory_space<hbm>> -> memref<1x4096xf32, #tpu.memory_space<hbm>>
    %dma_start3A_123 = tpu.memref_squeeze %dma_start3A_122 : memref<1x4096xf32, #tpu.memory_space<hbm>> -> memref<4096xf32, #tpu.memory_space<hbm>>
    tpu.enqueue_dma source(%arg10 : memref<4096xf32, #tpu.memory_space<vmem>>) target(%dma_start3A_123 : memref<4096xf32, #tpu.memory_space<hbm>>) target_semaphore(%arg14 : memref<!tpu.dma_semaphore, #tpu.memory_space<semaphore_mem>>)
    %dma_wait3A_124 = arith.constant 0 : i32
    %dma_wait3A_125 = tpu.memref_slice %arg7[%dma_wait3A_124] : memref<50080xf32, #tpu.memory_space<vmem>> -> memref<49920xf32, #tpu.memory_space<vmem>>
    %dma_wait3A_126 = arith.constant 0 : i32
    %dma_wait3A_127 = tpu.memref_slice %arg2[%add3A_54, %dma_wait3A_126] : memref<256x100000xf32, #tpu.memory_space<hbm>> -> memref<1x100000xf32, #tpu.memory_space<hbm>>
    %dma_wait3A_128 = tpu.memref_squeeze %dma_wait3A_127 : memref<1x100000xf32, #tpu.memory_space<hbm>> -> memref<100000xf32, #tpu.memory_space<hbm>>
    %dma_wait3A_129 = arith.constant 0 : i32
    %dma_wait3A_130 = tpu.memref_slice %dma_wait3A_128[%dma_wait3A_129] : memref<100000xf32, #tpu.memory_space<hbm>> -> memref<49920xf32, #tpu.memory_space<hbm>>
    %dma_wait3A_131 = arith.constant 0 : i32
    %dma_wait3A_132 = tpu.memref_slice %arg7[%dma_wait3A_131] : memref<50080xf32, #tpu.memory_space<vmem>> -> memref<49920xf32, #tpu.memory_space<vmem>>
    %dma_wait3A_133 = arith.constant 0 : i32
    %dma_wait3A_134 = tpu.memref_slice %arg2[%add3A_54, %dma_wait3A_133] : memref<256x100000xf32, #tpu.memory_space<hbm>> -> memref<1x100000xf32, #tpu.memory_space<hbm>>
    %dma_wait3A_135 = tpu.memref_squeeze %dma_wait3A_134 : memref<1x100000xf32, #tpu.memory_space<hbm>> -> memref<100000xf32, #tpu.memory_space<hbm>>
    %dma_wait3A_136 = arith.constant 0 : i32
    %dma_wait3A_137 = tpu.memref_slice %dma_wait3A_135[%dma_wait3A_136] : memref<100000xf32, #tpu.memory_space<hbm>> -> memref<49920xf32, #tpu.memory_space<hbm>>
    tpu.wait_dma2 semaphore(%arg12 : memref<!tpu.dma_semaphore, #tpu.memory_space<semaphore_mem>>) src(%dma_wait3A_137 : memref<49920xf32, #tpu.memory_space<hbm>>) dst(%dma_wait3A_132 : memref<49920xf32, #tpu.memory_space<vmem>>)
    %scan3A_138 = arith.constant 0 : i32
    %scan3A_139 = arith.constant 0 : i32
    %scan3A_140 = arith.constant 64 : i32
    %scan3A_141 = arith.addi %scan3A_139, %scan3A_140 : i32
    %scan3A_142 = arith.constant 1 : i32
    %scan3A_143 = scf.for %scan3A_798 = %scan3A_139 to %scan3A_141 step %scan3A_142 iter_args(%scan3A_799 = %scan3A_138) -> (i32)  : i32 {
      %mul3A_800 = arith.constant 64 : i32
      %mul3A_801 = arith.muli %scan3A_798, %mul3A_800 : i32
      %add3A_802 = arith.constant 0 : i32
      %add3A_803 = arith.addi %mul3A_801, %add3A_802 : i32
      %get3A_804 = arith.index_cast %add3A_803 : i32 to index
      %get3A_805 = tpu.vector_load %arg6[%get3A_804] {strides = array<i32>} : memref<4096xi32, #tpu.memory_space<vmem>>, vector<16xi32>,
      %lt3A = arith.constant 49920 : i32
      %lt3A_806 = vector.broadcast %lt3A : i32 to vector<16xi32>
      %lt3A_807 = arith.cmpi slt, %get3A_805, %lt3A_806 : vector<16xi32>
      %gather3A = tpu.vector_load_idx %arg7[%get3A_805] masked %lt3A_807 : memref<50080xf32, #tpu.memory_space<vmem>>[vector<16xi32>], vector<16xf32>, vector<16xi1>
      %swap3A_808 = arith.index_cast %add3A_803 : i32 to index
      %swap3A_809 = tpu.vector_load %arg11[%swap3A_808] {strides = array<i32>} : memref<4096xf32, #tpu.memory_space<vmem>>, vector<16xf32>,
      tpu.vector_store %arg11[%swap3A_808], %gather3A {strides = array<i32>} : memref<4096xf32, #tpu.memory_space<vmem>>, vector<16xf32>,
      %mul3A_810 = arith.constant 64 : i32
      %mul3A_811 = arith.muli %scan3A_798, %mul3A_810 : i32
      %add3A_812 = arith.constant 16 : i32
      %add3A_813 = arith.addi %mul3A_811, %add3A_812 : i32
      %get3A_814 = arith.index_cast %add3A_813 : i32 to index
      %get3A_815 = tpu.vector_load %arg6[%get3A_814] {strides = array<i32>} : memref<4096xi32, #tpu.memory_space<vmem>>, vector<16xi32>,
      %lt3A_816 = arith.constant 49920 : i32
      %lt3A_817 = vector.broadcast %lt3A_816 : i32 to vector<16xi32>
      %lt3A_818 = arith.cmpi slt, %get3A_815, %lt3A_817 : vector<16xi32>
      %gather3A_819 = tpu.vector_load_idx %arg7[%get3A_815] masked %lt3A_818 : memref<50080xf32, #tpu.memory_space<vmem>>[vector<16xi32>], vector<16xf32>, vector<16xi1>
      %swap3A_820 = arith.index_cast %add3A_813 : i32 to index
      %swap3A_821 = tpu.vector_load %arg11[%swap3A_820] {strides = array<i32>} : memref<4096xf32, #tpu.memory_space<vmem>>, vector<16xf32>,
      tpu.vector_store %arg11[%swap3A_820], %gather3A_819 {strides = array<i32>} : memref<4096xf32, #tpu.memory_space<vmem>>, vector<16xf32>,
      %mul3A_822 = arith.constant 64 : i32
      %mul3A_823 = arith.muli %scan3A_798, %mul3A_822 : i32
      %add3A_824 = arith.constant 32 : i32
      %add3A_825 = arith.addi %mul3A_823, %add3A_824 : i32
      %get3A_826 = arith.index_cast %add3A_825 : i32 to index
      %get3A_827 = tpu.vector_load %arg6[%get3A_826] {strides = array<i32>} : memref<4096xi32, #tpu.memory_space<vmem>>, vector<16xi32>,
      %lt3A_828 = arith.constant 49920 : i32
      %lt3A_829 = vector.broadcast %lt3A_828 : i32 to vector<16xi32>
      %lt3A_830 = arith.cmpi slt, %get3A_827, %lt3A_829 : vector<16xi32>
      %gather3A_831 = tpu.vector_load_idx %arg7[%get3A_827] masked %lt3A_830 : memref<50080xf32, #tpu.memory_space<vmem>>[vector<16xi32>], vector<16xf32>, vector<16xi1>
      %swap3A_832 = arith.index_cast %add3A_825 : i32 to index
      %swap3A_833 = tpu.vector_load %arg11[%swap3A_832] {strides = array<i32>} : memref<4096xf32, #tpu.memory_space<vmem>>, vector<16xf32>,
      tpu.vector_store %arg11[%swap3A_832], %gather3A_831 {strides = array<i32>} : memref<4096xf32, #tpu.memory_space<vmem>>, vector<16xf32>,
      %mul3A_834 = arith.constant 64 : i32
      %mul3A_835 = arith.muli %scan3A_798, %mul3A_834 : i32
      %add3A_836 = arith.constant 48 : i32
      %add3A_837 = arith.addi %mul3A_835, %add3A_836 : i32
      %get3A_838 = arith.index_cast %add3A_837 : i32 to index
      %get3A_839 = tpu.vector_load %arg6[%get3A_838] {strides = array<i32>} : memref<4096xi32, #tpu.memory_space<vmem>>, vector<16xi32>,
      %lt3A_840 = arith.constant 49920 : i32
      %lt3A_841 = vector.broadcast %lt3A_840 : i32 to vector<16xi32>
      %lt3A_842 = arith.cmpi slt, %get3A_839, %lt3A_841 : vector<16xi32>
      %gather3A_843 = tpu.vector_load_idx %arg7[%get3A_839] masked %lt3A_842 : memref<50080xf32, #tpu.memory_space<vmem>>[vector<16xi32>], vector<16xf32>, vector<16xi1>
      %swap3A_844 = arith.index_cast %add3A_837 : i32 to index
      %swap3A_845 = tpu.vector_load %arg11[%swap3A_844] {strides = array<i32>} : memref<4096xf32, #tpu.memory_space<vmem>>, vector<16xf32>,
      tpu.vector_store %arg11[%swap3A_844], %gather3A_843 {strides = array<i32>} : memref<4096xf32, #tpu.memory_space<vmem>>, vector<16xf32>,
      %scan3A_846 = arith.constant 0 : i32
      scf.yield %scan3A_846 : i32
    }
    %scan3A_144 = arith.constant 64 : i32
    %add3A_145 = arith.constant 2 : i32
    %add3A_146 = arith.addi %mul3A_2, %add3A_145 : i32
    %dma_start3A_147 = arith.constant 0 : i32
    %dma_start3A_148 = tpu.memref_slice %arg7[%dma_start3A_147] : memref<50080xf32, #tpu.memory_space<vmem>> -> memref<49920xf32, #tpu.memory_space<vmem>>
    %dma_start3A_149 = arith.constant 0 : i32
    %dma_start3A_150 = tpu.memref_slice %arg2[%add3A_146, %dma_start3A_149] : memref<256x100000xf32, #tpu.memory_space<hbm>> -> memref<1x100000xf32, #tpu.memory_space<hbm>>
    %dma_start3A_151 = tpu.memref_squeeze %dma_start3A_150 : memref<1x100000xf32, #tpu.memory_space<hbm>> -> memref<100000xf32, #tpu.memory_space<hbm>>
    %dma_start3A_152 = arith.constant 0 : i32
    %dma_start3A_153 = tpu.memref_slice %dma_start3A_151[%dma_start3A_152] : memref<100000xf32, #tpu.memory_space<hbm>> -> memref<49920xf32, #tpu.memory_space<hbm>>
    %dma_start3A_154 = arith.constant 0 : i32
    %dma_start3A_155 = tpu.memref_slice %arg7[%dma_start3A_154] : memref<50080xf32, #tpu.memory_space<vmem>> -> memref<49920xf32, #tpu.memory_space<vmem>>
    %dma_start3A_156 = arith.constant 0 : i32
    %dma_start3A_157 = tpu.memref_slice %arg2[%add3A_146, %dma_start3A_156] : memref<256x100000xf32, #tpu.memory_space<hbm>> -> memref<1x100000xf32, #tpu.memory_space<hbm>>
    %dma_start3A_158 = tpu.memref_squeeze %dma_start3A_157 : memref<1x100000xf32, #tpu.memory_space<hbm>> -> memref<100000xf32, #tpu.memory_space<hbm>>
    %dma_start3A_159 = arith.constant 0 : i32
    %dma_start3A_160 = tpu.memref_slice %dma_start3A_158[%dma_start3A_159] : memref<100000xf32, #tpu.memory_space<hbm>> -> memref<49920xf32, #tpu.memory_space<hbm>>
    tpu.enqueue_dma source(%dma_start3A_160 : memref<49920xf32, #tpu.memory_space<hbm>>) target(%dma_start3A_155 : memref<49920xf32, #tpu.memory_space<vmem>>) target_semaphore(%arg12 : memref<!tpu.dma_semaphore, #tpu.memory_space<semaphore_mem>>)
    %dma_wait3A_161 = arith.constant 0 : i32
    %dma_wait3A_162 = tpu.memref_slice %arg8[%dma_wait3A_161] : memref<50080xf32, #tpu.memory_space<vmem>> -> memref<50048xf32, #tpu.memory_space<vmem>>
    %dma_wait3A_163 = arith.constant 0 : i32
    %dma_wait3A_164 = tpu.memref_slice %arg2[%add3A_101, %dma_wait3A_163] : memref<256x100000xf32, #tpu.memory_space<hbm>> -> memref<1x100000xf32, #tpu.memory_space<hbm>>
    %dma_wait3A_165 = tpu.memref_squeeze %dma_wait3A_164 : memref<1x100000xf32, #tpu.memory_space<hbm>> -> memref<100000xf32, #tpu.memory_space<hbm>>
    %dma_wait3A_166 = arith.constant 49920 : i32
    %dma_wait3A_167 = tpu.memref_slice %dma_wait3A_165[%dma_wait3A_166] : memref<100000xf32, #tpu.memory_space<hbm>> -> memref<50048xf32, #tpu.memory_space<hbm>>
    %dma_wait3A_168 = arith.constant 0 : i32
    %dma_wait3A_169 = tpu.memref_slice %arg8[%dma_wait3A_168] : memref<50080xf32, #tpu.memory_space<vmem>> -> memref<50048xf32, #tpu.memory_space<vmem>>
    %dma_wait3A_170 = arith.constant 0 : i32
    %dma_wait3A_171 = tpu.memref_slice %arg2[%add3A_101, %dma_wait3A_170] : memref<256x100000xf32, #tpu.memory_space<hbm>> -> memref<1x100000xf32, #tpu.memory_space<hbm>>
    %dma_wait3A_172 = tpu.memref_squeeze %dma_wait3A_171 : memref<1x100000xf32, #tpu.memory_space<hbm>> -> memref<100000xf32, #tpu.memory_space<hbm>>
    %dma_wait3A_173 = arith.constant 49920 : i32
    %dma_wait3A_174 = tpu.memref_slice %dma_wait3A_172[%dma_wait3A_173] : memref<100000xf32, #tpu.memory_space<hbm>> -> memref<50048xf32, #tpu.memory_space<hbm>>
    tpu.wait_dma2 semaphore(%arg13 : memref<!tpu.dma_semaphore, #tpu.memory_space<semaphore_mem>>) src(%dma_wait3A_174 : memref<50048xf32, #tpu.memory_space<hbm>>) dst(%dma_wait3A_169 : memref<50048xf32, #tpu.memory_space<vmem>>)
    %get3A_175 = arith.constant 1 : i32
    %get3A_176 = arith.index_cast %get3A_175 : i32 to index
    %get3A_177 = arith.constant 0 : index
    %get3A_178 = tpu.vector_load %arg9[%get3A_176, %get3A_177] {strides = array<i32>} : memref<8x32xf32, #tpu.memory_space<vmem>>, vector<16xf32>,
    %swap3A_179 = arith.constant 50048 : index
    %swap3A_180 = tpu.vector_load %arg8[%swap3A_179] {strides = array<i32>} : memref<50080xf32, #tpu.memory_space<vmem>>, vector<16xf32>,
    tpu.vector_store %arg8[%swap3A_179], %get3A_178 {strides = array<i32>} : memref<50080xf32, #tpu.memory_space<vmem>>, vector<16xf32>,
    %get3A_181 = arith.constant 1 : i32
    %get3A_182 = arith.index_cast %get3A_181 : i32 to index
    %get3A_183 = arith.constant 16 : index
    %get3A_184 = tpu.vector_load %arg9[%get3A_182, %get3A_183] {strides = array<i32>} : memref<8x32xf32, #tpu.memory_space<vmem>>, vector<16xf32>,
    %swap3A_185 = arith.constant 50064 : index
    %swap3A_186 = tpu.vector_load %arg8[%swap3A_185] {strides = array<i32>} : memref<50080xf32, #tpu.memory_space<vmem>>, vector<16xf32>,
    tpu.vector_store %arg8[%swap3A_185], %get3A_184 {strides = array<i32>} : memref<50080xf32, #tpu.memory_space<vmem>>, vector<16xf32>,
    %scan3A_187 = arith.constant 0 : i32
    %scan3A_188 = arith.constant 0 : i32
    %scan3A_189 = arith.constant 64 : i32
    %scan3A_190 = arith.addi %scan3A_188, %scan3A_189 : i32
    %scan3A_191 = arith.constant 1 : i32
    %scan3A_192 = scf.for %scan3A_798 = %scan3A_188 to %scan3A_190 step %scan3A_191 iter_args(%scan3A_799 = %scan3A_187) -> (i32)  : i32 {
      %mul3A_800 = arith.constant 64 : i32
      %mul3A_801 = arith.muli %scan3A_798, %mul3A_800 : i32
      %add3A_802 = arith.constant 0 : i32
      %add3A_803 = arith.addi %mul3A_801, %add3A_802 : i32
      %get3A_804 = arith.index_cast %add3A_803 : i32 to index
      %get3A_805 = tpu.vector_load %arg6[%get3A_804] {strides = array<i32>} : memref<4096xi32, #tpu.memory_space<vmem>>, vector<16xi32>,
      %ge3A = arith.constant 49920 : i32
      %ge3A_806 = vector.broadcast %ge3A : i32 to vector<16xi32>
      %ge3A_807 = arith.cmpi sge, %get3A_805, %ge3A_806 : vector<16xi32>
      %sub3A = arith.constant 49920 : i32
      %sub3A_808 = vector.broadcast %sub3A : i32 to vector<16xi32>
      %sub3A_809 = arith.subi %get3A_805, %sub3A_808 : vector<16xi32>
      %gather3A = tpu.vector_load_idx %arg8[%sub3A_809] masked %ge3A_807 : memref<50080xf32, #tpu.memory_space<vmem>>[vector<16xi32>], vector<16xf32>, vector<16xi1>
      %get3A_810 = arith.index_cast %add3A_803 : i32 to index
      %get3A_811 = tpu.vector_load %arg11[%get3A_810] {strides = array<i32>} : memref<4096xf32, #tpu.memory_space<vmem>>, vector<16xf32>,
      %select_n3A = arith.select %ge3A_807, %gather3A, %get3A_811 : vector<16xi1>, vector<16xf32>
      %swap3A_812 = arith.index_cast %add3A_803 : i32 to index
      %swap3A_813 = tpu.vector_load %arg11[%swap3A_812] {strides = array<i32>} : memref<4096xf32, #tpu.memory_space<vmem>>, vector<16xf32>,
      tpu.vector_store %arg11[%swap3A_812], %select_n3A {strides = array<i32>} : memref<4096xf32, #tpu.memory_space<vmem>>, vector<16xf32>,
      %mul3A_814 = arith.constant 64 : i32
      %mul3A_815 = arith.muli %scan3A_798, %mul3A_814 : i32
      %add3A_816 = arith.constant 16 : i32
      %add3A_817 = arith.addi %mul3A_815, %add3A_816 : i32
      %get3A_818 = arith.index_cast %add3A_817 : i32 to index
      %get3A_819 = tpu.vector_load %arg6[%get3A_818] {strides = array<i32>} : memref<4096xi32, #tpu.memory_space<vmem>>, vector<16xi32>,
      %ge3A_820 = arith.constant 49920 : i32
      %ge3A_821 = vector.broadcast %ge3A_820 : i32 to vector<16xi32>
      %ge3A_822 = arith.cmpi sge, %get3A_819, %ge3A_821 : vector<16xi32>
      %sub3A_823 = arith.constant 49920 : i32
      %sub3A_824 = vector.broadcast %sub3A_823 : i32 to vector<16xi32>
      %sub3A_825 = arith.subi %get3A_819, %sub3A_824 : vector<16xi32>
      %gather3A_826 = tpu.vector_load_idx %arg8[%sub3A_825] masked %ge3A_822 : memref<50080xf32, #tpu.memory_space<vmem>>[vector<16xi32>], vector<16xf32>, vector<16xi1>
      %get3A_827 = arith.index_cast %add3A_817 : i32 to index
      %get3A_828 = tpu.vector_load %arg11[%get3A_827] {strides = array<i32>} : memref<4096xf32, #tpu.memory_space<vmem>>, vector<16xf32>,
      %select_n3A_829 = arith.select %ge3A_822, %gather3A_826, %get3A_828 : vector<16xi1>, vector<16xf32>
      %swap3A_830 = arith.index_cast %add3A_817 : i32 to index
      %swap3A_831 = tpu.vector_load %arg11[%swap3A_830] {strides = array<i32>} : memref<4096xf32, #tpu.memory_space<vmem>>, vector<16xf32>,
      tpu.vector_store %arg11[%swap3A_830], %select_n3A_829 {strides = array<i32>} : memref<4096xf32, #tpu.memory_space<vmem>>, vector<16xf32>,
      %mul3A_832 = arith.constant 64 : i32
      %mul3A_833 = arith.muli %scan3A_798, %mul3A_832 : i32
      %add3A_834 = arith.constant 32 : i32
      %add3A_835 = arith.addi %mul3A_833, %add3A_834 : i32
      %get3A_836 = arith.index_cast %add3A_835 : i32 to index
      %get3A_837 = tpu.vector_load %arg6[%get3A_836] {strides = array<i32>} : memref<4096xi32, #tpu.memory_space<vmem>>, vector<16xi32>,
      %ge3A_838 = arith.constant 49920 : i32
      %ge3A_839 = vector.broadcast %ge3A_838 : i32 to vector<16xi32>
      %ge3A_840 = arith.cmpi sge, %get3A_837, %ge3A_839 : vector<16xi32>
      %sub3A_841 = arith.constant 49920 : i32
      %sub3A_842 = vector.broadcast %sub3A_841 : i32 to vector<16xi32>
      %sub3A_843 = arith.subi %get3A_837, %sub3A_842 : vector<16xi32>
      %gather3A_844 = tpu.vector_load_idx %arg8[%sub3A_843] masked %ge3A_840 : memref<50080xf32, #tpu.memory_space<vmem>>[vector<16xi32>], vector<16xf32>, vector<16xi1>
      %get3A_845 = arith.index_cast %add3A_835 : i32 to index
      %get3A_846 = tpu.vector_load %arg11[%get3A_845] {strides = array<i32>} : memref<4096xf32, #tpu.memory_space<vmem>>, vector<16xf32>,
      %select_n3A_847 = arith.select %ge3A_840, %gather3A_844, %get3A_846 : vector<16xi1>, vector<16xf32>
      %swap3A_848 = arith.index_cast %add3A_835 : i32 to index
      %swap3A_849 = tpu.vector_load %arg11[%swap3A_848] {strides = array<i32>} : memref<4096xf32, #tpu.memory_space<vmem>>, vector<16xf32>,
      tpu.vector_store %arg11[%swap3A_848], %select_n3A_847 {strides = array<i32>} : memref<4096xf32, #tpu.memory_space<vmem>>, vector<16xf32>,
      %mul3A_850 = arith.constant 64 : i32
      %mul3A_851 = arith.muli %scan3A_798, %mul3A_850 : i32
      %add3A_852 = arith.constant 48 : i32
      %add3A_853 = arith.addi %mul3A_851, %add3A_852 : i32
      %get3A_854 = arith.index_cast %add3A_853 : i32 to index
      %get3A_855 = tpu.vector_load %arg6[%get3A_854] {strides = array<i32>} : memref<4096xi32, #tpu.memory_space<vmem>>, vector<16xi32>,
      %ge3A_856 = arith.constant 49920 : i32
      %ge3A_857 = vector.broadcast %ge3A_856 : i32 to vector<16xi32>
      %ge3A_858 = arith.cmpi sge, %get3A_855, %ge3A_857 : vector<16xi32>
      %sub3A_859 = arith.constant 49920 : i32
      %sub3A_860 = vector.broadcast %sub3A_859 : i32 to vector<16xi32>
      %sub3A_861 = arith.subi %get3A_855, %sub3A_860 : vector<16xi32>
      %gather3A_862 = tpu.vector_load_idx %arg8[%sub3A_861] masked %ge3A_858 : memref<50080xf32, #tpu.memory_space<vmem>>[vector<16xi32>], vector<16xf32>, vector<16xi1>
      %get3A_863 = arith.index_cast %add3A_853 : i32 to index
      %get3A_864 = tpu.vector_load %arg11[%get3A_863] {strides = array<i32>} : memref<4096xf32, #tpu.memory_space<vmem>>, vector<16xf32>,
      %select_n3A_865 = arith.select %ge3A_858, %gather3A_862, %get3A_864 : vector<16xi1>, vector<16xf32>
      %swap3A_866 = arith.index_cast %add3A_853 : i32 to index
      %swap3A_867 = tpu.vector_load %arg11[%swap3A_866] {strides = array<i32>} : memref<4096xf32, #tpu.memory_space<vmem>>, vector<16xf32>,
      tpu.vector_store %arg11[%swap3A_866], %select_n3A_865 {strides = array<i32>} : memref<4096xf32, #tpu.memory_space<vmem>>, vector<16xf32>,
      %scan3A_868 = arith.constant 0 : i32
      scf.yield %scan3A_868 : i32
    }
    %scan3A_193 = arith.constant 64 : i32
    %add3A_194 = arith.constant 2 : i32
    %add3A_195 = arith.addi %mul3A_2, %add3A_194 : i32
    %dma_start3A_196 = arith.constant 0 : i32
    %dma_start3A_197 = tpu.memref_slice %arg8[%dma_start3A_196] : memref<50080xf32, #tpu.memory_space<vmem>> -> memref<50048xf32, #tpu.memory_space<vmem>>
    %dma_start3A_198 = arith.constant 0 : i32
    %dma_start3A_199 = tpu.memref_slice %arg2[%add3A_195, %dma_start3A_198] : memref<256x100000xf32, #tpu.memory_space<hbm>> -> memref<1x100000xf32, #tpu.memory_space<hbm>>
    %dma_start3A_200 = tpu.memref_squeeze %dma_start3A_199 : memref<1x100000xf32, #tpu.memory_space<hbm>> -> memref<100000xf32, #tpu.memory_space<hbm>>
    %dma_start3A_201 = arith.constant 49920 : i32
    %dma_start3A_202 = tpu.memref_slice %dma_start3A_200[%dma_start3A_201] : memref<100000xf32, #tpu.memory_space<hbm>> -> memref<50048xf32, #tpu.memory_space<hbm>>
    %dma_start3A_203 = arith.constant 0 : i32
    %dma_start3A_204 = tpu.memref_slice %arg8[%dma_start3A_203] : memref<50080xf32, #tpu.memory_space<vmem>> -> memref<50048xf32, #tpu.memory_space<vmem>>
    %dma_start3A_205 = arith.constant 0 : i32
    %dma_start3A_206 = tpu.memref_slice %arg2[%add3A_195, %dma_start3A_205] : memref<256x100000xf32, #tpu.memory_space<hbm>> -> memref<1x100000xf32, #tpu.memory_space<hbm>>
    %dma_start3A_207 = tpu.memref_squeeze %dma_start3A_206 : memref<1x100000xf32, #tpu.memory_space<hbm>> -> memref<100000xf32, #tpu.memory_space<hbm>>
    %dma_start3A_208 = arith.constant 49920 : i32
    %dma_start3A_209 = tpu.memref_slice %dma_start3A_207[%dma_start3A_208] : memref<100000xf32, #tpu.memory_space<hbm>> -> memref<50048xf32, #tpu.memory_space<hbm>>
    tpu.enqueue_dma source(%dma_start3A_209 : memref<50048xf32, #tpu.memory_space<hbm>>) target(%dma_start3A_204 : memref<50048xf32, #tpu.memory_space<vmem>>) target_semaphore(%arg13 : memref<!tpu.dma_semaphore, #tpu.memory_space<semaphore_mem>>)
    %add3A_210 = arith.constant 1 : i32
    %add3A_211 = arith.addi %mul3A_2, %add3A_210 : i32
    %dma_start3A_212 = arith.constant 0 : i32
    %dma_start3A_213 = tpu.memref_slice %arg5[%add3A_211, %dma_start3A_212] : memref<256x4096xf32, #tpu.memory_space<hbm>> -> memref<1x4096xf32, #tpu.memory_space<hbm>>
    %dma_start3A_214 = tpu.memref_squeeze %dma_start3A_213 : memref<1x4096xf32, #tpu.memory_space<hbm>> -> memref<4096xf32, #tpu.memory_space<hbm>>
    %dma_start3A_215 = arith.constant 0 : i32
    %dma_start3A_216 = tpu.memref_slice %arg5[%add3A_211, %dma_start3A_215] : memref<256x4096xf32, #tpu.memory_space<hbm>> -> memref<1x4096xf32, #tpu.memory_space<hbm>>
    %dma_start3A_217 = tpu.memref_squeeze %dma_start3A_216 : memref<1x4096xf32, #tpu.memory_space<hbm>> -> memref<4096xf32, #tpu.memory_space<hbm>>
    tpu.enqueue_dma source(%arg11 : memref<4096xf32, #tpu.memory_space<vmem>>) target(%dma_start3A_217 : memref<4096xf32, #tpu.memory_space<hbm>>) target_semaphore(%arg15 : memref<!tpu.dma_semaphore, #tpu.memory_space<semaphore_mem>>)
    %dma_wait3A_218 = arith.constant 0 : i32
    %dma_wait3A_219 = tpu.memref_slice %arg7[%dma_wait3A_218] : memref<50080xf32, #tpu.memory_space<vmem>> -> memref<49920xf32, #tpu.memory_space<vmem>>
    %dma_wait3A_220 = arith.constant 0 : i32
    %dma_wait3A_221 = tpu.memref_slice %arg2[%add3A_146, %dma_wait3A_220] : memref<256x100000xf32, #tpu.memory_space<hbm>> -> memref<1x100000xf32, #tpu.memory_space<hbm>>
    %dma_wait3A_222 = tpu.memref_squeeze %dma_wait3A_221 : memref<1x100000xf32, #tpu.memory_space<hbm>> -> memref<100000xf32, #tpu.memory_space<hbm>>
    %dma_wait3A_223 = arith.constant 0 : i32
    %dma_wait3A_224 = tpu.memref_slice %dma_wait3A_222[%dma_wait3A_223] : memref<100000xf32, #tpu.memory_space<hbm>> -> memref<49920xf32, #tpu.memory_space<hbm>>
    %dma_wait3A_225 = arith.constant 0 : i32
    %dma_wait3A_226 = tpu.memref_slice %arg7[%dma_wait3A_225] : memref<50080xf32, #tpu.memory_space<vmem>> -> memref<49920xf32, #tpu.memory_space<vmem>>
    %dma_wait3A_227 = arith.constant 0 : i32
    %dma_wait3A_228 = tpu.memref_slice %arg2[%add3A_146, %dma_wait3A_227] : memref<256x100000xf32, #tpu.memory_space<hbm>> -> memref<1x100000xf32, #tpu.memory_space<hbm>>
    %dma_wait3A_229 = tpu.memref_squeeze %dma_wait3A_228 : memref<1x100000xf32, #tpu.memory_space<hbm>> -> memref<100000xf32, #tpu.memory_space<hbm>>
    %dma_wait3A_230 = arith.constant 0 : i32
    %dma_wait3A_231 = tpu.memref_slice %dma_wait3A_229[%dma_wait3A_230] : memref<100000xf32, #tpu.memory_space<hbm>> -> memref<49920xf32, #tpu.memory_space<hbm>>
    tpu.wait_dma2 semaphore(%arg12 : memref<!tpu.dma_semaphore, #tpu.memory_space<semaphore_mem>>) src(%dma_wait3A_231 : memref<49920xf32, #tpu.memory_space<hbm>>) dst(%dma_wait3A_226 : memref<49920xf32, #tpu.memory_space<vmem>>)
    %dma_wait3A_232 = arith.constant 0 : i32
    %dma_wait3A_233 = tpu.memref_slice %arg5[%add3A_117, %dma_wait3A_232] : memref<256x4096xf32, #tpu.memory_space<hbm>> -> memref<1x4096xf32, #tpu.memory_space<hbm>>
    %dma_wait3A_234 = tpu.memref_squeeze %dma_wait3A_233 : memref<1x4096xf32, #tpu.memory_space<hbm>> -> memref<4096xf32, #tpu.memory_space<hbm>>
    %dma_wait3A_235 = arith.constant 0 : i32
    %dma_wait3A_236 = tpu.memref_slice %arg5[%add3A_117, %dma_wait3A_235] : memref<256x4096xf32, #tpu.memory_space<hbm>> -> memref<1x4096xf32, #tpu.memory_space<hbm>>
    %dma_wait3A_237 = tpu.memref_squeeze %dma_wait3A_236 : memref<1x4096xf32, #tpu.memory_space<hbm>> -> memref<4096xf32, #tpu.memory_space<hbm>>
    tpu.wait_dma2 semaphore(%arg14 : memref<!tpu.dma_semaphore, #tpu.memory_space<semaphore_mem>>) src(%arg10 : memref<4096xf32, #tpu.memory_space<vmem>>) dst(%dma_wait3A_237 : memref<4096xf32, #tpu.memory_space<hbm>>)
    %scan3A_238 = arith.constant 0 : i32
    %scan3A_239 = arith.constant 0 : i32
    %scan3A_240 = arith.constant 64 : i32
    %scan3A_241 = arith.addi %scan3A_239, %scan3A_240 : i32
    %scan3A_242 = arith.constant 1 : i32
    %scan3A_243 = scf.for %scan3A_798 = %scan3A_239 to %scan3A_241 step %scan3A_242 iter_args(%scan3A_799 = %scan3A_238) -> (i32)  : i32 {
      %mul3A_800 = arith.constant 64 : i32
      %mul3A_801 = arith.muli %scan3A_798, %mul3A_800 : i32
      %add3A_802 = arith.constant 0 : i32
      %add3A_803 = arith.addi %mul3A_801, %add3A_802 : i32
      %get3A_804 = arith.index_cast %add3A_803 : i32 to index
      %get3A_805 = tpu.vector_load %arg6[%get3A_804] {strides = array<i32>} : memref<4096xi32, #tpu.memory_space<vmem>>, vector<16xi32>,
      %lt3A = arith.constant 49920 : i32
      %lt3A_806 = vector.broadcast %lt3A : i32 to vector<16xi32>
      %lt3A_807 = arith.cmpi slt, %get3A_805, %lt3A_806 : vector<16xi32>
      %gather3A = tpu.vector_load_idx %arg7[%get3A_805] masked %lt3A_807 : memref<50080xf32, #tpu.memory_space<vmem>>[vector<16xi32>], vector<16xf32>, vector<16xi1>
      %swap3A_808 = arith.index_cast %add3A_803 : i32 to index
      %swap3A_809 = tpu.vector_load %arg10[%swap3A_808] {strides = array<i32>} : memref<4096xf32, #tpu.memory_space<vmem>>, vector<16xf32>,
      tpu.vector_store %arg10[%swap3A_808], %gather3A {strides = array<i32>} : memref<4096xf32, #tpu.memory_space<vmem>>, vector<16xf32>,
      %mul3A_810 = arith.constant 64 : i32
      %mul3A_811 = arith.muli %scan3A_798, %mul3A_810 : i32
      %add3A_812 = arith.constant 16 : i32
      %add3A_813 = arith.addi %mul3A_811, %add3A_812 : i32
      %get3A_814 = arith.index_cast %add3A_813 : i32 to index
      %get3A_815 = tpu.vector_load %arg6[%get3A_814] {strides = array<i32>} : memref<4096xi32, #tpu.memory_space<vmem>>, vector<16xi32>,
      %lt3A_816 = arith.constant 49920 : i32
      %lt3A_817 = vector.broadcast %lt3A_816 : i32 to vector<16xi32>
      %lt3A_818 = arith.cmpi slt, %get3A_815, %lt3A_817 : vector<16xi32>
      %gather3A_819 = tpu.vector_load_idx %arg7[%get3A_815] masked %lt3A_818 : memref<50080xf32, #tpu.memory_space<vmem>>[vector<16xi32>], vector<16xf32>, vector<16xi1>
      %swap3A_820 = arith.index_cast %add3A_813 : i32 to index
      %swap3A_821 = tpu.vector_load %arg10[%swap3A_820] {strides = array<i32>} : memref<4096xf32, #tpu.memory_space<vmem>>, vector<16xf32>,
      tpu.vector_store %arg10[%swap3A_820], %gather3A_819 {strides = array<i32>} : memref<4096xf32, #tpu.memory_space<vmem>>, vector<16xf32>,
      %mul3A_822 = arith.constant 64 : i32
      %mul3A_823 = arith.muli %scan3A_798, %mul3A_822 : i32
      %add3A_824 = arith.constant 32 : i32
      %add3A_825 = arith.addi %mul3A_823, %add3A_824 : i32
      %get3A_826 = arith.index_cast %add3A_825 : i32 to index
      %get3A_827 = tpu.vector_load %arg6[%get3A_826] {strides = array<i32>} : memref<4096xi32, #tpu.memory_space<vmem>>, vector<16xi32>,
      %lt3A_828 = arith.constant 49920 : i32
      %lt3A_829 = vector.broadcast %lt3A_828 : i32 to vector<16xi32>
      %lt3A_830 = arith.cmpi slt, %get3A_827, %lt3A_829 : vector<16xi32>
      %gather3A_831 = tpu.vector_load_idx %arg7[%get3A_827] masked %lt3A_830 : memref<50080xf32, #tpu.memory_space<vmem>>[vector<16xi32>], vector<16xf32>, vector<16xi1>
      %swap3A_832 = arith.index_cast %add3A_825 : i32 to index
      %swap3A_833 = tpu.vector_load %arg10[%swap3A_832] {strides = array<i32>} : memref<4096xf32, #tpu.memory_space<vmem>>, vector<16xf32>,
      tpu.vector_store %arg10[%swap3A_832], %gather3A_831 {strides = array<i32>} : memref<4096xf32, #tpu.memory_space<vmem>>, vector<16xf32>,
      %mul3A_834 = arith.constant 64 : i32
      %mul3A_835 = arith.muli %scan3A_798, %mul3A_834 : i32
      %add3A_836 = arith.constant 48 : i32
      %add3A_837 = arith.addi %mul3A_835, %add3A_836 : i32
      %get3A_838 = arith.index_cast %add3A_837 : i32 to index
      %get3A_839 = tpu.vector_load %arg6[%get3A_838] {strides = array<i32>} : memref<4096xi32, #tpu.memory_space<vmem>>, vector<16xi32>,
      %lt3A_840 = arith.constant 49920 : i32
      %lt3A_841 = vector.broadcast %lt3A_840 : i32 to vector<16xi32>
      %lt3A_842 = arith.cmpi slt, %get3A_839, %lt3A_841 : vector<16xi32>
      %gather3A_843 = tpu.vector_load_idx %arg7[%get3A_839] masked %lt3A_842 : memref<50080xf32, #tpu.memory_space<vmem>>[vector<16xi32>], vector<16xf32>, vector<16xi1>
      %swap3A_844 = arith.index_cast %add3A_837 : i32 to index
      %swap3A_845 = tpu.vector_load %arg10[%swap3A_844] {strides = array<i32>} : memref<4096xf32, #tpu.memory_space<vmem>>, vector<16xf32>,
      tpu.vector_store %arg10[%swap3A_844], %gather3A_843 {strides = array<i32>} : memref<4096xf32, #tpu.memory_space<vmem>>, vector<16xf32>,
      %scan3A_846 = arith.constant 0 : i32
      scf.yield %scan3A_846 : i32
    }
    %scan3A_244 = arith.constant 64 : i32
    %add3A_245 = arith.constant 3 : i32
    %add3A_246 = arith.addi %mul3A_2, %add3A_245 : i32
    %dma_start3A_247 = arith.constant 0 : i32
    %dma_start3A_248 = tpu.memref_slice %arg7[%dma_start3A_247] : memref<50080xf32, #tpu.memory_space<vmem>> -> memref<49920xf32, #tpu.memory_space<vmem>>
    %dma_start3A_249 = arith.constant 0 : i32
    %dma_start3A_250 = tpu.memref_slice %arg2[%add3A_246, %dma_start3A_249] : memref<256x100000xf32, #tpu.memory_space<hbm>> -> memref<1x100000xf32, #tpu.memory_space<hbm>>
    %dma_start3A_251 = tpu.memref_squeeze %dma_start3A_250 : memref<1x100000xf32, #tpu.memory_space<hbm>> -> memref<100000xf32, #tpu.memory_space<hbm>>
    %dma_start3A_252 = arith.constant 0 : i32
    %dma_start3A_253 = tpu.memref_slice %dma_start3A_251[%dma_start3A_252] : memref<100000xf32, #tpu.memory_space<hbm>> -> memref<49920xf32, #tpu.memory_space<hbm>>
    %dma_start3A_254 = arith.constant 0 : i32
    %dma_start3A_255 = tpu.memref_slice %arg7[%dma_start3A_254] : memref<50080xf32, #tpu.memory_space<vmem>> -> memref<49920xf32, #tpu.memory_space<vmem>>
    %dma_start3A_256 = arith.constant 0 : i32
    %dma_start3A_257 = tpu.memref_slice %arg2[%add3A_246, %dma_start3A_256] : memref<256x100000xf32, #tpu.memory_space<hbm>> -> memref<1x100000xf32, #tpu.memory_space<hbm>>
    %dma_start3A_258 = tpu.memref_squeeze %dma_start3A_257 : memref<1x100000xf32, #tpu.memory_space<hbm>> -> memref<100000xf32, #tpu.memory_space<hbm>>
    %dma_start3A_259 = arith.constant 0 : i32
    %dma_start3A_260 = tpu.memref_slice %dma_start3A_258[%dma_start3A_259] : memref<100000xf32, #tpu.memory_space<hbm>> -> memref<49920xf32, #tpu.memory_space<hbm>>
    tpu.enqueue_dma source(%dma_start3A_260 : memref<49920xf32, #tpu.memory_space<hbm>>) target(%dma_start3A_255 : memref<49920xf32, #tpu.memory_space<vmem>>) target_semaphore(%arg12 : memref<!tpu.dma_semaphore, #tpu.memory_space<semaphore_mem>>)
    %dma_wait3A_261 = arith.constant 0 : i32
    %dma_wait3A_262 = tpu.memref_slice %arg8[%dma_wait3A_261] : memref<50080xf32, #tpu.memory_space<vmem>> -> memref<50048xf32, #tpu.memory_space<vmem>>
    %dma_wait3A_263 = arith.constant 0 : i32
    %dma_wait3A_264 = tpu.memref_slice %arg2[%add3A_195, %dma_wait3A_263] : memref<256x100000xf32, #tpu.memory_space<hbm>> -> memref<1x100000xf32, #tpu.memory_space<hbm>>
    %dma_wait3A_265 = tpu.memref_squeeze %dma_wait3A_264 : memref<1x100000xf32, #tpu.memory_space<hbm>> -> memref<100000xf32, #tpu.memory_space<hbm>>
    %dma_wait3A_266 = arith.constant 49920 : i32
    %dma_wait3A_267 = tpu.memref_slice %dma_wait3A_265[%dma_wait3A_266] : memref<100000xf32, #tpu.memory_space<hbm>> -> memref<50048xf32, #tpu.memory_space<hbm>>
    %dma_wait3A_268 = arith.constant 0 : i32
    %dma_wait3A_269 = tpu.memref_slice %arg8[%dma_wait3A_268] : memref<50080xf32, #tpu.memory_space<vmem>> -> memref<50048xf32, #tpu.memory_space<vmem>>
    %dma_wait3A_270 = arith.constant 0 : i32
    %dma_wait3A_271 = tpu.memref_slice %arg2[%add3A_195, %dma_wait3A_270] : memref<256x100000xf32, #tpu.memory_space<hbm>> -> memref<1x100000xf32, #tpu.memory_space<hbm>>
    %dma_wait3A_272 = tpu.memref_squeeze %dma_wait3A_271 : memref<1x100000xf32, #tpu.memory_space<hbm>> -> memref<100000xf32, #tpu.memory_space<hbm>>
    %dma_wait3A_273 = arith.constant 49920 : i32
    %dma_wait3A_274 = tpu.memref_slice %dma_wait3A_272[%dma_wait3A_273] : memref<100000xf32, #tpu.memory_space<hbm>> -> memref<50048xf32, #tpu.memory_space<hbm>>
    tpu.wait_dma2 semaphore(%arg13 : memref<!tpu.dma_semaphore, #tpu.memory_space<semaphore_mem>>) src(%dma_wait3A_274 : memref<50048xf32, #tpu.memory_space<hbm>>) dst(%dma_wait3A_269 : memref<50048xf32, #tpu.memory_space<vmem>>)
    %get3A_275 = arith.constant 2 : i32
    %get3A_276 = arith.index_cast %get3A_275 : i32 to index
    %get3A_277 = arith.constant 0 : index
    %get3A_278 = tpu.vector_load %arg9[%get3A_276, %get3A_277] {strides = array<i32>} : memref<8x32xf32, #tpu.memory_space<vmem>>, vector<16xf32>,
    %swap3A_279 = arith.constant 50048 : index
    %swap3A_280 = tpu.vector_load %arg8[%swap3A_279] {strides = array<i32>} : memref<50080xf32, #tpu.memory_space<vmem>>, vector<16xf32>,
    tpu.vector_store %arg8[%swap3A_279], %get3A_278 {strides = array<i32>} : memref<50080xf32, #tpu.memory_space<vmem>>, vector<16xf32>,
    %get3A_281 = arith.constant 2 : i32
    %get3A_282 = arith.index_cast %get3A_281 : i32 to index
    %get3A_283 = arith.constant 16 : index
    %get3A_284 = tpu.vector_load %arg9[%get3A_282, %get3A_283] {strides = array<i32>} : memref<8x32xf32, #tpu.memory_space<vmem>>, vector<16xf32>,
    %swap3A_285 = arith.constant 50064 : index
    %swap3A_286 = tpu.vector_load %arg8[%swap3A_285] {strides = array<i32>} : memref<50080xf32, #tpu.memory_space<vmem>>, vector<16xf32>,
    tpu.vector_store %arg8[%swap3A_285], %get3A_284 {strides = array<i32>} : memref<50080xf32, #tpu.memory_space<vmem>>, vector<16xf32>,
    %scan3A_287 = arith.constant 0 : i32
    %scan3A_288 = arith.constant 0 : i32
    %scan3A_289 = arith.constant 64 : i32
    %scan3A_290 = arith.addi %scan3A_288, %scan3A_289 : i32
    %scan3A_291 = arith.constant 1 : i32
    %scan3A_292 = scf.for %scan3A_798 = %scan3A_288 to %scan3A_290 step %scan3A_291 iter_args(%scan3A_799 = %scan3A_287) -> (i32)  : i32 {
      %mul3A_800 = arith.constant 64 : i32
      %mul3A_801 = arith.muli %scan3A_798, %mul3A_800 : i32
      %add3A_802 = arith.constant 0 : i32
      %add3A_803 = arith.addi %mul3A_801, %add3A_802 : i32
      %get3A_804 = arith.index_cast %add3A_803 : i32 to index
      %get3A_805 = tpu.vector_load %arg6[%get3A_804] {strides = array<i32>} : memref<4096xi32, #tpu.memory_space<vmem>>, vector<16xi32>,
      %ge3A = arith.constant 49920 : i32
      %ge3A_806 = vector.broadcast %ge3A : i32 to vector<16xi32>
      %ge3A_807 = arith.cmpi sge, %get3A_805, %ge3A_806 : vector<16xi32>
      %sub3A = arith.constant 49920 : i32
      %sub3A_808 = vector.broadcast %sub3A : i32 to vector<16xi32>
      %sub3A_809 = arith.subi %get3A_805, %sub3A_808 : vector<16xi32>
      %gather3A = tpu.vector_load_idx %arg8[%sub3A_809] masked %ge3A_807 : memref<50080xf32, #tpu.memory_space<vmem>>[vector<16xi32>], vector<16xf32>, vector<16xi1>
      %get3A_810 = arith.index_cast %add3A_803 : i32 to index
      %get3A_811 = tpu.vector_load %arg10[%get3A_810] {strides = array<i32>} : memref<4096xf32, #tpu.memory_space<vmem>>, vector<16xf32>,
      %select_n3A = arith.select %ge3A_807, %gather3A, %get3A_811 : vector<16xi1>, vector<16xf32>
      %swap3A_812 = arith.index_cast %add3A_803 : i32 to index
      %swap3A_813 = tpu.vector_load %arg10[%swap3A_812] {strides = array<i32>} : memref<4096xf32, #tpu.memory_space<vmem>>, vector<16xf32>,
      tpu.vector_store %arg10[%swap3A_812], %select_n3A {strides = array<i32>} : memref<4096xf32, #tpu.memory_space<vmem>>, vector<16xf32>,
      %mul3A_814 = arith.constant 64 : i32
      %mul3A_815 = arith.muli %scan3A_798, %mul3A_814 : i32
      %add3A_816 = arith.constant 16 : i32
      %add3A_817 = arith.addi %mul3A_815, %add3A_816 : i32
      %get3A_818 = arith.index_cast %add3A_817 : i32 to index
      %get3A_819 = tpu.vector_load %arg6[%get3A_818] {strides = array<i32>} : memref<4096xi32, #tpu.memory_space<vmem>>, vector<16xi32>,
      %ge3A_820 = arith.constant 49920 : i32
      %ge3A_821 = vector.broadcast %ge3A_820 : i32 to vector<16xi32>
      %ge3A_822 = arith.cmpi sge, %get3A_819, %ge3A_821 : vector<16xi32>
      %sub3A_823 = arith.constant 49920 : i32
      %sub3A_824 = vector.broadcast %sub3A_823 : i32 to vector<16xi32>
      %sub3A_825 = arith.subi %get3A_819, %sub3A_824 : vector<16xi32>
      %gather3A_826 = tpu.vector_load_idx %arg8[%sub3A_825] masked %ge3A_822 : memref<50080xf32, #tpu.memory_space<vmem>>[vector<16xi32>], vector<16xf32>, vector<16xi1>
      %get3A_827 = arith.index_cast %add3A_817 : i32 to index
      %get3A_828 = tpu.vector_load %arg10[%get3A_827] {strides = array<i32>} : memref<4096xf32, #tpu.memory_space<vmem>>, vector<16xf32>,
      %select_n3A_829 = arith.select %ge3A_822, %gather3A_826, %get3A_828 : vector<16xi1>, vector<16xf32>
      %swap3A_830 = arith.index_cast %add3A_817 : i32 to index
      %swap3A_831 = tpu.vector_load %arg10[%swap3A_830] {strides = array<i32>} : memref<4096xf32, #tpu.memory_space<vmem>>, vector<16xf32>,
      tpu.vector_store %arg10[%swap3A_830], %select_n3A_829 {strides = array<i32>} : memref<4096xf32, #tpu.memory_space<vmem>>, vector<16xf32>,
      %mul3A_832 = arith.constant 64 : i32
      %mul3A_833 = arith.muli %scan3A_798, %mul3A_832 : i32
      %add3A_834 = arith.constant 32 : i32
      %add3A_835 = arith.addi %mul3A_833, %add3A_834 : i32
      %get3A_836 = arith.index_cast %add3A_835 : i32 to index
      %get3A_837 = tpu.vector_load %arg6[%get3A_836] {strides = array<i32>} : memref<4096xi32, #tpu.memory_space<vmem>>, vector<16xi32>,
      %ge3A_838 = arith.constant 49920 : i32
      %ge3A_839 = vector.broadcast %ge3A_838 : i32 to vector<16xi32>
      %ge3A_840 = arith.cmpi sge, %get3A_837, %ge3A_839 : vector<16xi32>
      %sub3A_841 = arith.constant 49920 : i32
      %sub3A_842 = vector.broadcast %sub3A_841 : i32 to vector<16xi32>
      %sub3A_843 = arith.subi %get3A_837, %sub3A_842 : vector<16xi32>
      %gather3A_844 = tpu.vector_load_idx %arg8[%sub3A_843] masked %ge3A_840 : memref<50080xf32, #tpu.memory_space<vmem>>[vector<16xi32>], vector<16xf32>, vector<16xi1>
      %get3A_845 = arith.index_cast %add3A_835 : i32 to index
      %get3A_846 = tpu.vector_load %arg10[%get3A_845] {strides = array<i32>} : memref<4096xf32, #tpu.memory_space<vmem>>, vector<16xf32>,
      %select_n3A_847 = arith.select %ge3A_840, %gather3A_844, %get3A_846 : vector<16xi1>, vector<16xf32>
      %swap3A_848 = arith.index_cast %add3A_835 : i32 to index
      %swap3A_849 = tpu.vector_load %arg10[%swap3A_848] {strides = array<i32>} : memref<4096xf32, #tpu.memory_space<vmem>>, vector<16xf32>,
      tpu.vector_store %arg10[%swap3A_848], %select_n3A_847 {strides = array<i32>} : memref<4096xf32, #tpu.memory_space<vmem>>, vector<16xf32>,
      %mul3A_850 = arith.constant 64 : i32
      %mul3A_851 = arith.muli %scan3A_798, %mul3A_850 : i32
      %add3A_852 = arith.constant 48 : i32
      %add3A_853 = arith.addi %mul3A_851, %add3A_852 : i32
      %get3A_854 = arith.index_cast %add3A_853 : i32 to index
      %get3A_855 = tpu.vector_load %arg6[%get3A_854] {strides = array<i32>} : memref<4096xi32, #tpu.memory_space<vmem>>, vector<16xi32>,
      %ge3A_856 = arith.constant 49920 : i32
      %ge3A_857 = vector.broadcast %ge3A_856 : i32 to vector<16xi32>
      %ge3A_858 = arith.cmpi sge, %get3A_855, %ge3A_857 : vector<16xi32>
      %sub3A_859 = arith.constant 49920 : i32
      %sub3A_860 = vector.broadcast %sub3A_859 : i32 to vector<16xi32>
      %sub3A_861 = arith.subi %get3A_855, %sub3A_860 : vector<16xi32>
      %gather3A_862 = tpu.vector_load_idx %arg8[%sub3A_861] masked %ge3A_858 : memref<50080xf32, #tpu.memory_space<vmem>>[vector<16xi32>], vector<16xf32>, vector<16xi1>
      %get3A_863 = arith.index_cast %add3A_853 : i32 to index
      %get3A_864 = tpu.vector_load %arg10[%get3A_863] {strides = array<i32>} : memref<4096xf32, #tpu.memory_space<vmem>>, vector<16xf32>,
      %select_n3A_865 = arith.select %ge3A_858, %gather3A_862, %get3A_864 : vector<16xi1>, vector<16xf32>
      %swap3A_866 = arith.index_cast %add3A_853 : i32 to index
      %swap3A_867 = tpu.vector_load %arg10[%swap3A_866] {strides = array<i32>} : memref<4096xf32, #tpu.memory_space<vmem>>, vector<16xf32>,
      tpu.vector_store %arg10[%swap3A_866], %select_n3A_865 {strides = array<i32>} : memref<4096xf32, #tpu.memory_space<vmem>>, vector<16xf32>,
      %scan3A_868 = arith.constant 0 : i32
      scf.yield %scan3A_868 : i32
    }
    %scan3A_293 = arith.constant 64 : i32
    %add3A_294 = arith.constant 3 : i32
    %add3A_295 = arith.addi %mul3A_2, %add3A_294 : i32
    %dma_start3A_296 = arith.constant 0 : i32
    %dma_start3A_297 = tpu.memref_slice %arg8[%dma_start3A_296] : memref<50080xf32, #tpu.memory_space<vmem>> -> memref<50048xf32, #tpu.memory_space<vmem>>
    %dma_start3A_298 = arith.constant 0 : i32
    %dma_start3A_299 = tpu.memref_slice %arg2[%add3A_295, %dma_start3A_298] : memref<256x100000xf32, #tpu.memory_space<hbm>> -> memref<1x100000xf32, #tpu.memory_space<hbm>>
    %dma_start3A_300 = tpu.memref_squeeze %dma_start3A_299 : memref<1x100000xf32, #tpu.memory_space<hbm>> -> memref<100000xf32, #tpu.memory_space<hbm>>
    %dma_start3A_301 = arith.constant 49920 : i32
    %dma_start3A_302 = tpu.memref_slice %dma_start3A_300[%dma_start3A_301] : memref<100000xf32, #tpu.memory_space<hbm>> -> memref<50048xf32, #tpu.memory_space<hbm>>
    %dma_start3A_303 = arith.constant 0 : i32
    %dma_start3A_304 = tpu.memref_slice %arg8[%dma_start3A_303] : memref<50080xf32, #tpu.memory_space<vmem>> -> memref<50048xf32, #tpu.memory_space<vmem>>
    %dma_start3A_305 = arith.constant 0 : i32
    %dma_start3A_306 = tpu.memref_slice %arg2[%add3A_295, %dma_start3A_305] : memref<256x100000xf32, #tpu.memory_space<hbm>> -> memref<1x100000xf32, #tpu.memory_space<hbm>>
    %dma_start3A_307 = tpu.memref_squeeze %dma_start3A_306 : memref<1x100000xf32, #tpu.memory_space<hbm>> -> memref<100000xf32, #tpu.memory_space<hbm>>
    %dma_start3A_308 = arith.constant 49920 : i32
    %dma_start3A_309 = tpu.memref_slice %dma_start3A_307[%dma_start3A_308] : memref<100000xf32, #tpu.memory_space<hbm>> -> memref<50048xf32, #tpu.memory_space<hbm>>
    tpu.enqueue_dma source(%dma_start3A_309 : memref<50048xf32, #tpu.memory_space<hbm>>) target(%dma_start3A_304 : memref<50048xf32, #tpu.memory_space<vmem>>) target_semaphore(%arg13 : memref<!tpu.dma_semaphore, #tpu.memory_space<semaphore_mem>>)
    %add3A_310 = arith.constant 2 : i32
    %add3A_311 = arith.addi %mul3A_2, %add3A_310 : i32
    %dma_start3A_312 = arith.constant 0 : i32
    %dma_start3A_313 = tpu.memref_slice %arg5[%add3A_311, %dma_start3A_312] : memref<256x4096xf32, #tpu.memory_space<hbm>> -> memref<1x4096xf32, #tpu.memory_space<hbm>>
    %dma_start3A_314 = tpu.memref_squeeze %dma_start3A_313 : memref<1x4096xf32, #tpu.memory_space<hbm>> -> memref<4096xf32, #tpu.memory_space<hbm>>
    %dma_start3A_315 = arith.constant 0 : i32
    %dma_start3A_316 = tpu.memref_slice %arg5[%add3A_311, %dma_start3A_315] : memref<256x4096xf32, #tpu.memory_space<hbm>> -> memref<1x4096xf32, #tpu.memory_space<hbm>>
    %dma_start3A_317 = tpu.memref_squeeze %dma_start3A_316 : memref<1x4096xf32, #tpu.memory_space<hbm>> -> memref<4096xf32, #tpu.memory_space<hbm>>
    tpu.enqueue_dma source(%arg10 : memref<4096xf32, #tpu.memory_space<vmem>>) target(%dma_start3A_317 : memref<4096xf32, #tpu.memory_space<hbm>>) target_semaphore(%arg14 : memref<!tpu.dma_semaphore, #tpu.memory_space<semaphore_mem>>)
    %dma_wait3A_318 = arith.constant 0 : i32
    %dma_wait3A_319 = tpu.memref_slice %arg7[%dma_wait3A_318] : memref<50080xf32, #tpu.memory_space<vmem>> -> memref<49920xf32, #tpu.memory_space<vmem>>
    %dma_wait3A_320 = arith.constant 0 : i32
    %dma_wait3A_321 = tpu.memref_slice %arg2[%add3A_246, %dma_wait3A_320] : memref<256x100000xf32, #tpu.memory_space<hbm>> -> memref<1x100000xf32, #tpu.memory_space<hbm>>
    %dma_wait3A_322 = tpu.memref_squeeze %dma_wait3A_321 : memref<1x100000xf32, #tpu.memory_space<hbm>> -> memref<100000xf32, #tpu.memory_space<hbm>>
    %dma_wait3A_323 = arith.constant 0 : i32
    %dma_wait3A_324 = tpu.memref_slice %dma_wait3A_322[%dma_wait3A_323] : memref<100000xf32, #tpu.memory_space<hbm>> -> memref<49920xf32, #tpu.memory_space<hbm>>
    %dma_wait3A_325 = arith.constant 0 : i32
    %dma_wait3A_326 = tpu.memref_slice %arg7[%dma_wait3A_325] : memref<50080xf32, #tpu.memory_space<vmem>> -> memref<49920xf32, #tpu.memory_space<vmem>>
    %dma_wait3A_327 = arith.constant 0 : i32
    %dma_wait3A_328 = tpu.memref_slice %arg2[%add3A_246, %dma_wait3A_327] : memref<256x100000xf32, #tpu.memory_space<hbm>> -> memref<1x100000xf32, #tpu.memory_space<hbm>>
    %dma_wait3A_329 = tpu.memref_squeeze %dma_wait3A_328 : memref<1x100000xf32, #tpu.memory_space<hbm>> -> memref<100000xf32, #tpu.memory_space<hbm>>
    %dma_wait3A_330 = arith.constant 0 : i32
    %dma_wait3A_331 = tpu.memref_slice %dma_wait3A_329[%dma_wait3A_330] : memref<100000xf32, #tpu.memory_space<hbm>> -> memref<49920xf32, #tpu.memory_space<hbm>>
    tpu.wait_dma2 semaphore(%arg12 : memref<!tpu.dma_semaphore, #tpu.memory_space<semaphore_mem>>) src(%dma_wait3A_331 : memref<49920xf32, #tpu.memory_space<hbm>>) dst(%dma_wait3A_326 : memref<49920xf32, #tpu.memory_space<vmem>>)
    %dma_wait3A_332 = arith.constant 0 : i32
    %dma_wait3A_333 = tpu.memref_slice %arg5[%add3A_211, %dma_wait3A_332] : memref<256x4096xf32, #tpu.memory_space<hbm>> -> memref<1x4096xf32, #tpu.memory_space<hbm>>
    %dma_wait3A_334 = tpu.memref_squeeze %dma_wait3A_333 : memref<1x4096xf32, #tpu.memory_space<hbm>> -> memref<4096xf32, #tpu.memory_space<hbm>>
    %dma_wait3A_335 = arith.constant 0 : i32
    %dma_wait3A_336 = tpu.memref_slice %arg5[%add3A_211, %dma_wait3A_335] : memref<256x4096xf32, #tpu.memory_space<hbm>> -> memref<1x4096xf32, #tpu.memory_space<hbm>>
    %dma_wait3A_337 = tpu.memref_squeeze %dma_wait3A_336 : memref<1x4096xf32, #tpu.memory_space<hbm>> -> memref<4096xf32, #tpu.memory_space<hbm>>
    tpu.wait_dma2 semaphore(%arg15 : memref<!tpu.dma_semaphore, #tpu.memory_space<semaphore_mem>>) src(%arg11 : memref<4096xf32, #tpu.memory_space<vmem>>) dst(%dma_wait3A_337 : memref<4096xf32, #tpu.memory_space<hbm>>)
    %scan3A_338 = arith.constant 0 : i32
    %scan3A_339 = arith.constant 0 : i32
    %scan3A_340 = arith.constant 64 : i32
    %scan3A_341 = arith.addi %scan3A_339, %scan3A_340 : i32
    %scan3A_342 = arith.constant 1 : i32
    %scan3A_343 = scf.for %scan3A_798 = %scan3A_339 to %scan3A_341 step %scan3A_342 iter_args(%scan3A_799 = %scan3A_338) -> (i32)  : i32 {
      %mul3A_800 = arith.constant 64 : i32
      %mul3A_801 = arith.muli %scan3A_798, %mul3A_800 : i32
      %add3A_802 = arith.constant 0 : i32
      %add3A_803 = arith.addi %mul3A_801, %add3A_802 : i32
      %get3A_804 = arith.index_cast %add3A_803 : i32 to index
      %get3A_805 = tpu.vector_load %arg6[%get3A_804] {strides = array<i32>} : memref<4096xi32, #tpu.memory_space<vmem>>, vector<16xi32>,
      %lt3A = arith.constant 49920 : i32
      %lt3A_806 = vector.broadcast %lt3A : i32 to vector<16xi32>
      %lt3A_807 = arith.cmpi slt, %get3A_805, %lt3A_806 : vector<16xi32>
      %gather3A = tpu.vector_load_idx %arg7[%get3A_805] masked %lt3A_807 : memref<50080xf32, #tpu.memory_space<vmem>>[vector<16xi32>], vector<16xf32>, vector<16xi1>
      %swap3A_808 = arith.index_cast %add3A_803 : i32 to index
      %swap3A_809 = tpu.vector_load %arg11[%swap3A_808] {strides = array<i32>} : memref<4096xf32, #tpu.memory_space<vmem>>, vector<16xf32>,
      tpu.vector_store %arg11[%swap3A_808], %gather3A {strides = array<i32>} : memref<4096xf32, #tpu.memory_space<vmem>>, vector<16xf32>,
      %mul3A_810 = arith.constant 64 : i32
      %mul3A_811 = arith.muli %scan3A_798, %mul3A_810 : i32
      %add3A_812 = arith.constant 16 : i32
      %add3A_813 = arith.addi %mul3A_811, %add3A_812 : i32
      %get3A_814 = arith.index_cast %add3A_813 : i32 to index
      %get3A_815 = tpu.vector_load %arg6[%get3A_814] {strides = array<i32>} : memref<4096xi32, #tpu.memory_space<vmem>>, vector<16xi32>,
      %lt3A_816 = arith.constant 49920 : i32
      %lt3A_817 = vector.broadcast %lt3A_816 : i32 to vector<16xi32>
      %lt3A_818 = arith.cmpi slt, %get3A_815, %lt3A_817 : vector<16xi32>
      %gather3A_819 = tpu.vector_load_idx %arg7[%get3A_815] masked %lt3A_818 : memref<50080xf32, #tpu.memory_space<vmem>>[vector<16xi32>], vector<16xf32>, vector<16xi1>
      %swap3A_820 = arith.index_cast %add3A_813 : i32 to index
      %swap3A_821 = tpu.vector_load %arg11[%swap3A_820] {strides = array<i32>} : memref<4096xf32, #tpu.memory_space<vmem>>, vector<16xf32>,
      tpu.vector_store %arg11[%swap3A_820], %gather3A_819 {strides = array<i32>} : memref<4096xf32, #tpu.memory_space<vmem>>, vector<16xf32>,
      %mul3A_822 = arith.constant 64 : i32
      %mul3A_823 = arith.muli %scan3A_798, %mul3A_822 : i32
      %add3A_824 = arith.constant 32 : i32
      %add3A_825 = arith.addi %mul3A_823, %add3A_824 : i32
      %get3A_826 = arith.index_cast %add3A_825 : i32 to index
      %get3A_827 = tpu.vector_load %arg6[%get3A_826] {strides = array<i32>} : memref<4096xi32, #tpu.memory_space<vmem>>, vector<16xi32>,
      %lt3A_828 = arith.constant 49920 : i32
      %lt3A_829 = vector.broadcast %lt3A_828 : i32 to vector<16xi32>
      %lt3A_830 = arith.cmpi slt, %get3A_827, %lt3A_829 : vector<16xi32>
      %gather3A_831 = tpu.vector_load_idx %arg7[%get3A_827] masked %lt3A_830 : memref<50080xf32, #tpu.memory_space<vmem>>[vector<16xi32>], vector<16xf32>, vector<16xi1>
      %swap3A_832 = arith.index_cast %add3A_825 : i32 to index
      %swap3A_833 = tpu.vector_load %arg11[%swap3A_832] {strides = array<i32>} : memref<4096xf32, #tpu.memory_space<vmem>>, vector<16xf32>,
      tpu.vector_store %arg11[%swap3A_832], %gather3A_831 {strides = array<i32>} : memref<4096xf32, #tpu.memory_space<vmem>>, vector<16xf32>,
      %mul3A_834 = arith.constant 64 : i32
      %mul3A_835 = arith.muli %scan3A_798, %mul3A_834 : i32
      %add3A_836 = arith.constant 48 : i32
      %add3A_837 = arith.addi %mul3A_835, %add3A_836 : i32
      %get3A_838 = arith.index_cast %add3A_837 : i32 to index
      %get3A_839 = tpu.vector_load %arg6[%get3A_838] {strides = array<i32>} : memref<4096xi32, #tpu.memory_space<vmem>>, vector<16xi32>,
      %lt3A_840 = arith.constant 49920 : i32
      %lt3A_841 = vector.broadcast %lt3A_840 : i32 to vector<16xi32>
      %lt3A_842 = arith.cmpi slt, %get3A_839, %lt3A_841 : vector<16xi32>
      %gather3A_843 = tpu.vector_load_idx %arg7[%get3A_839] masked %lt3A_842 : memref<50080xf32, #tpu.memory_space<vmem>>[vector<16xi32>], vector<16xf32>, vector<16xi1>
      %swap3A_844 = arith.index_cast %add3A_837 : i32 to index
      %swap3A_845 = tpu.vector_load %arg11[%swap3A_844] {strides = array<i32>} : memref<4096xf32, #tpu.memory_space<vmem>>, vector<16xf32>,
      tpu.vector_store %arg11[%swap3A_844], %gather3A_843 {strides = array<i32>} : memref<4096xf32, #tpu.memory_space<vmem>>, vector<16xf32>,
      %scan3A_846 = arith.constant 0 : i32
      scf.yield %scan3A_846 : i32
    }
    %scan3A_344 = arith.constant 64 : i32
    %add3A_345 = arith.constant 4 : i32
    %add3A_346 = arith.addi %mul3A_2, %add3A_345 : i32
    %dma_start3A_347 = arith.constant 0 : i32
    %dma_start3A_348 = tpu.memref_slice %arg7[%dma_start3A_347] : memref<50080xf32, #tpu.memory_space<vmem>> -> memref<49920xf32, #tpu.memory_space<vmem>>
    %dma_start3A_349 = arith.constant 0 : i32
    %dma_start3A_350 = tpu.memref_slice %arg2[%add3A_346, %dma_start3A_349] : memref<256x100000xf32, #tpu.memory_space<hbm>> -> memref<1x100000xf32, #tpu.memory_space<hbm>>
    %dma_start3A_351 = tpu.memref_squeeze %dma_start3A_350 : memref<1x100000xf32, #tpu.memory_space<hbm>> -> memref<100000xf32, #tpu.memory_space<hbm>>
    %dma_start3A_352 = arith.constant 0 : i32
    %dma_start3A_353 = tpu.memref_slice %dma_start3A_351[%dma_start3A_352] : memref<100000xf32, #tpu.memory_space<hbm>> -> memref<49920xf32, #tpu.memory_space<hbm>>
    %dma_start3A_354 = arith.constant 0 : i32
    %dma_start3A_355 = tpu.memref_slice %arg7[%dma_start3A_354] : memref<50080xf32, #tpu.memory_space<vmem>> -> memref<49920xf32, #tpu.memory_space<vmem>>
    %dma_start3A_356 = arith.constant 0 : i32
    %dma_start3A_357 = tpu.memref_slice %arg2[%add3A_346, %dma_start3A_356] : memref<256x100000xf32, #tpu.memory_space<hbm>> -> memref<1x100000xf32, #tpu.memory_space<hbm>>
    %dma_start3A_358 = tpu.memref_squeeze %dma_start3A_357 : memref<1x100000xf32, #tpu.memory_space<hbm>> -> memref<100000xf32, #tpu.memory_space<hbm>>
    %dma_start3A_359 = arith.constant 0 : i32
    %dma_start3A_360 = tpu.memref_slice %dma_start3A_358[%dma_start3A_359] : memref<100000xf32, #tpu.memory_space<hbm>> -> memref<49920xf32, #tpu.memory_space<hbm>>
    tpu.enqueue_dma source(%dma_start3A_360 : memref<49920xf32, #tpu.memory_space<hbm>>) target(%dma_start3A_355 : memref<49920xf32, #tpu.memory_space<vmem>>) target_semaphore(%arg12 : memref<!tpu.dma_semaphore, #tpu.memory_space<semaphore_mem>>)
    %dma_wait3A_361 = arith.constant 0 : i32
    %dma_wait3A_362 = tpu.memref_slice %arg8[%dma_wait3A_361] : memref<50080xf32, #tpu.memory_space<vmem>> -> memref<50048xf32, #tpu.memory_space<vmem>>
    %dma_wait3A_363 = arith.constant 0 : i32
    %dma_wait3A_364 = tpu.memref_slice %arg2[%add3A_295, %dma_wait3A_363] : memref<256x100000xf32, #tpu.memory_space<hbm>> -> memref<1x100000xf32, #tpu.memory_space<hbm>>
    %dma_wait3A_365 = tpu.memref_squeeze %dma_wait3A_364 : memref<1x100000xf32, #tpu.memory_space<hbm>> -> memref<100000xf32, #tpu.memory_space<hbm>>
    %dma_wait3A_366 = arith.constant 49920 : i32
    %dma_wait3A_367 = tpu.memref_slice %dma_wait3A_365[%dma_wait3A_366] : memref<100000xf32, #tpu.memory_space<hbm>> -> memref<50048xf32, #tpu.memory_space<hbm>>
    %dma_wait3A_368 = arith.constant 0 : i32
    %dma_wait3A_369 = tpu.memref_slice %arg8[%dma_wait3A_368] : memref<50080xf32, #tpu.memory_space<vmem>> -> memref<50048xf32, #tpu.memory_space<vmem>>
    %dma_wait3A_370 = arith.constant 0 : i32
    %dma_wait3A_371 = tpu.memref_slice %arg2[%add3A_295, %dma_wait3A_370] : memref<256x100000xf32, #tpu.memory_space<hbm>> -> memref<1x100000xf32, #tpu.memory_space<hbm>>
    %dma_wait3A_372 = tpu.memref_squeeze %dma_wait3A_371 : memref<1x100000xf32, #tpu.memory_space<hbm>> -> memref<100000xf32, #tpu.memory_space<hbm>>
    %dma_wait3A_373 = arith.constant 49920 : i32
    %dma_wait3A_374 = tpu.memref_slice %dma_wait3A_372[%dma_wait3A_373] : memref<100000xf32, #tpu.memory_space<hbm>> -> memref<50048xf32, #tpu.memory_space<hbm>>
    tpu.wait_dma2 semaphore(%arg13 : memref<!tpu.dma_semaphore, #tpu.memory_space<semaphore_mem>>) src(%dma_wait3A_374 : memref<50048xf32, #tpu.memory_space<hbm>>) dst(%dma_wait3A_369 : memref<50048xf32, #tpu.memory_space<vmem>>)
    %get3A_375 = arith.constant 3 : i32
    %get3A_376 = arith.index_cast %get3A_375 : i32 to index
    %get3A_377 = arith.constant 0 : index
    %get3A_378 = tpu.vector_load %arg9[%get3A_376, %get3A_377] {strides = array<i32>} : memref<8x32xf32, #tpu.memory_space<vmem>>, vector<16xf32>,
    %swap3A_379 = arith.constant 50048 : index
    %swap3A_380 = tpu.vector_load %arg8[%swap3A_379] {strides = array<i32>} : memref<50080xf32, #tpu.memory_space<vmem>>, vector<16xf32>,
    tpu.vector_store %arg8[%swap3A_379], %get3A_378 {strides = array<i32>} : memref<50080xf32, #tpu.memory_space<vmem>>, vector<16xf32>,
    %get3A_381 = arith.constant 3 : i32
    %get3A_382 = arith.index_cast %get3A_381 : i32 to index
    %get3A_383 = arith.constant 16 : index
    %get3A_384 = tpu.vector_load %arg9[%get3A_382, %get3A_383] {strides = array<i32>} : memref<8x32xf32, #tpu.memory_space<vmem>>, vector<16xf32>,
    %swap3A_385 = arith.constant 50064 : index
    %swap3A_386 = tpu.vector_load %arg8[%swap3A_385] {strides = array<i32>} : memref<50080xf32, #tpu.memory_space<vmem>>, vector<16xf32>,
    tpu.vector_store %arg8[%swap3A_385], %get3A_384 {strides = array<i32>} : memref<50080xf32, #tpu.memory_space<vmem>>, vector<16xf32>,
    %scan3A_387 = arith.constant 0 : i32
    %scan3A_388 = arith.constant 0 : i32
    %scan3A_389 = arith.constant 64 : i32
    %scan3A_390 = arith.addi %scan3A_388, %scan3A_389 : i32
    %scan3A_391 = arith.constant 1 : i32
    %scan3A_392 = scf.for %scan3A_798 = %scan3A_388 to %scan3A_390 step %scan3A_391 iter_args(%scan3A_799 = %scan3A_387) -> (i32)  : i32 {
      %mul3A_800 = arith.constant 64 : i32
      %mul3A_801 = arith.muli %scan3A_798, %mul3A_800 : i32
      %add3A_802 = arith.constant 0 : i32
      %add3A_803 = arith.addi %mul3A_801, %add3A_802 : i32
      %get3A_804 = arith.index_cast %add3A_803 : i32 to index
      %get3A_805 = tpu.vector_load %arg6[%get3A_804] {strides = array<i32>} : memref<4096xi32, #tpu.memory_space<vmem>>, vector<16xi32>,
      %ge3A = arith.constant 49920 : i32
      %ge3A_806 = vector.broadcast %ge3A : i32 to vector<16xi32>
      %ge3A_807 = arith.cmpi sge, %get3A_805, %ge3A_806 : vector<16xi32>
      %sub3A = arith.constant 49920 : i32
      %sub3A_808 = vector.broadcast %sub3A : i32 to vector<16xi32>
      %sub3A_809 = arith.subi %get3A_805, %sub3A_808 : vector<16xi32>
      %gather3A = tpu.vector_load_idx %arg8[%sub3A_809] masked %ge3A_807 : memref<50080xf32, #tpu.memory_space<vmem>>[vector<16xi32>], vector<16xf32>, vector<16xi1>
      %get3A_810 = arith.index_cast %add3A_803 : i32 to index
      %get3A_811 = tpu.vector_load %arg11[%get3A_810] {strides = array<i32>} : memref<4096xf32, #tpu.memory_space<vmem>>, vector<16xf32>,
      %select_n3A = arith.select %ge3A_807, %gather3A, %get3A_811 : vector<16xi1>, vector<16xf32>
      %swap3A_812 = arith.index_cast %add3A_803 : i32 to index
      %swap3A_813 = tpu.vector_load %arg11[%swap3A_812] {strides = array<i32>} : memref<4096xf32, #tpu.memory_space<vmem>>, vector<16xf32>,
      tpu.vector_store %arg11[%swap3A_812], %select_n3A {strides = array<i32>} : memref<4096xf32, #tpu.memory_space<vmem>>, vector<16xf32>,
      %mul3A_814 = arith.constant 64 : i32
      %mul3A_815 = arith.muli %scan3A_798, %mul3A_814 : i32
      %add3A_816 = arith.constant 16 : i32
      %add3A_817 = arith.addi %mul3A_815, %add3A_816 : i32
      %get3A_818 = arith.index_cast %add3A_817 : i32 to index
      %get3A_819 = tpu.vector_load %arg6[%get3A_818] {strides = array<i32>} : memref<4096xi32, #tpu.memory_space<vmem>>, vector<16xi32>,
      %ge3A_820 = arith.constant 49920 : i32
      %ge3A_821 = vector.broadcast %ge3A_820 : i32 to vector<16xi32>
      %ge3A_822 = arith.cmpi sge, %get3A_819, %ge3A_821 : vector<16xi32>
      %sub3A_823 = arith.constant 49920 : i32
      %sub3A_824 = vector.broadcast %sub3A_823 : i32 to vector<16xi32>
      %sub3A_825 = arith.subi %get3A_819, %sub3A_824 : vector<16xi32>
      %gather3A_826 = tpu.vector_load_idx %arg8[%sub3A_825] masked %ge3A_822 : memref<50080xf32, #tpu.memory_space<vmem>>[vector<16xi32>], vector<16xf32>, vector<16xi1>
      %get3A_827 = arith.index_cast %add3A_817 : i32 to index
      %get3A_828 = tpu.vector_load %arg11[%get3A_827] {strides = array<i32>} : memref<4096xf32, #tpu.memory_space<vmem>>, vector<16xf32>,
      %select_n3A_829 = arith.select %ge3A_822, %gather3A_826, %get3A_828 : vector<16xi1>, vector<16xf32>
      %swap3A_830 = arith.index_cast %add3A_817 : i32 to index
      %swap3A_831 = tpu.vector_load %arg11[%swap3A_830] {strides = array<i32>} : memref<4096xf32, #tpu.memory_space<vmem>>, vector<16xf32>,
      tpu.vector_store %arg11[%swap3A_830], %select_n3A_829 {strides = array<i32>} : memref<4096xf32, #tpu.memory_space<vmem>>, vector<16xf32>,
      %mul3A_832 = arith.constant 64 : i32
      %mul3A_833 = arith.muli %scan3A_798, %mul3A_832 : i32
      %add3A_834 = arith.constant 32 : i32
      %add3A_835 = arith.addi %mul3A_833, %add3A_834 : i32
      %get3A_836 = arith.index_cast %add3A_835 : i32 to index
      %get3A_837 = tpu.vector_load %arg6[%get3A_836] {strides = array<i32>} : memref<4096xi32, #tpu.memory_space<vmem>>, vector<16xi32>,
      %ge3A_838 = arith.constant 49920 : i32
      %ge3A_839 = vector.broadcast %ge3A_838 : i32 to vector<16xi32>
      %ge3A_840 = arith.cmpi sge, %get3A_837, %ge3A_839 : vector<16xi32>
      %sub3A_841 = arith.constant 49920 : i32
      %sub3A_842 = vector.broadcast %sub3A_841 : i32 to vector<16xi32>
      %sub3A_843 = arith.subi %get3A_837, %sub3A_842 : vector<16xi32>
      %gather3A_844 = tpu.vector_load_idx %arg8[%sub3A_843] masked %ge3A_840 : memref<50080xf32, #tpu.memory_space<vmem>>[vector<16xi32>], vector<16xf32>, vector<16xi1>
      %get3A_845 = arith.index_cast %add3A_835 : i32 to index
      %get3A_846 = tpu.vector_load %arg11[%get3A_845] {strides = array<i32>} : memref<4096xf32, #tpu.memory_space<vmem>>, vector<16xf32>,
      %select_n3A_847 = arith.select %ge3A_840, %gather3A_844, %get3A_846 : vector<16xi1>, vector<16xf32>
      %swap3A_848 = arith.index_cast %add3A_835 : i32 to index
      %swap3A_849 = tpu.vector_load %arg11[%swap3A_848] {strides = array<i32>} : memref<4096xf32, #tpu.memory_space<vmem>>, vector<16xf32>,
      tpu.vector_store %arg11[%swap3A_848], %select_n3A_847 {strides = array<i32>} : memref<4096xf32, #tpu.memory_space<vmem>>, vector<16xf32>,
      %mul3A_850 = arith.constant 64 : i32
      %mul3A_851 = arith.muli %scan3A_798, %mul3A_850 : i32
      %add3A_852 = arith.constant 48 : i32
      %add3A_853 = arith.addi %mul3A_851, %add3A_852 : i32
      %get3A_854 = arith.index_cast %add3A_853 : i32 to index
      %get3A_855 = tpu.vector_load %arg6[%get3A_854] {strides = array<i32>} : memref<4096xi32, #tpu.memory_space<vmem>>, vector<16xi32>,
      %ge3A_856 = arith.constant 49920 : i32
      %ge3A_857 = vector.broadcast %ge3A_856 : i32 to vector<16xi32>
      %ge3A_858 = arith.cmpi sge, %get3A_855, %ge3A_857 : vector<16xi32>
      %sub3A_859 = arith.constant 49920 : i32
      %sub3A_860 = vector.broadcast %sub3A_859 : i32 to vector<16xi32>
      %sub3A_861 = arith.subi %get3A_855, %sub3A_860 : vector<16xi32>
      %gather3A_862 = tpu.vector_load_idx %arg8[%sub3A_861] masked %ge3A_858 : memref<50080xf32, #tpu.memory_space<vmem>>[vector<16xi32>], vector<16xf32>, vector<16xi1>
      %get3A_863 = arith.index_cast %add3A_853 : i32 to index
      %get3A_864 = tpu.vector_load %arg11[%get3A_863] {strides = array<i32>} : memref<4096xf32, #tpu.memory_space<vmem>>, vector<16xf32>,
      %select_n3A_865 = arith.select %ge3A_858, %gather3A_862, %get3A_864 : vector<16xi1>, vector<16xf32>
      %swap3A_866 = arith.index_cast %add3A_853 : i32 to index
      %swap3A_867 = tpu.vector_load %arg11[%swap3A_866] {strides = array<i32>} : memref<4096xf32, #tpu.memory_space<vmem>>, vector<16xf32>,
      tpu.vector_store %arg11[%swap3A_866], %select_n3A_865 {strides = array<i32>} : memref<4096xf32, #tpu.memory_space<vmem>>, vector<16xf32>,
      %scan3A_868 = arith.constant 0 : i32
      scf.yield %scan3A_868 : i32
    }
    %scan3A_393 = arith.constant 64 : i32
    %add3A_394 = arith.constant 4 : i32
    %add3A_395 = arith.addi %mul3A_2, %add3A_394 : i32
    %dma_start3A_396 = arith.constant 0 : i32
    %dma_start3A_397 = tpu.memref_slice %arg8[%dma_start3A_396] : memref<50080xf32, #tpu.memory_space<vmem>> -> memref<50048xf32, #tpu.memory_space<vmem>>
    %dma_start3A_398 = arith.constant 0 : i32
    %dma_start3A_399 = tpu.memref_slice %arg2[%add3A_395, %dma_start3A_398] : memref<256x100000xf32, #tpu.memory_space<hbm>> -> memref<1x100000xf32, #tpu.memory_space<hbm>>
    %dma_start3A_400 = tpu.memref_squeeze %dma_start3A_399 : memref<1x100000xf32, #tpu.memory_space<hbm>> -> memref<100000xf32, #tpu.memory_space<hbm>>
    %dma_start3A_401 = arith.constant 49920 : i32
    %dma_start3A_402 = tpu.memref_slice %dma_start3A_400[%dma_start3A_401] : memref<100000xf32, #tpu.memory_space<hbm>> -> memref<50048xf32, #tpu.memory_space<hbm>>
    %dma_start3A_403 = arith.constant 0 : i32
    %dma_start3A_404 = tpu.memref_slice %arg8[%dma_start3A_403] : memref<50080xf32, #tpu.memory_space<vmem>> -> memref<50048xf32, #tpu.memory_space<vmem>>
    %dma_start3A_405 = arith.constant 0 : i32
    %dma_start3A_406 = tpu.memref_slice %arg2[%add3A_395, %dma_start3A_405] : memref<256x100000xf32, #tpu.memory_space<hbm>> -> memref<1x100000xf32, #tpu.memory_space<hbm>>
    %dma_start3A_407 = tpu.memref_squeeze %dma_start3A_406 : memref<1x100000xf32, #tpu.memory_space<hbm>> -> memref<100000xf32, #tpu.memory_space<hbm>>
    %dma_start3A_408 = arith.constant 49920 : i32
    %dma_start3A_409 = tpu.memref_slice %dma_start3A_407[%dma_start3A_408] : memref<100000xf32, #tpu.memory_space<hbm>> -> memref<50048xf32, #tpu.memory_space<hbm>>
    tpu.enqueue_dma source(%dma_start3A_409 : memref<50048xf32, #tpu.memory_space<hbm>>) target(%dma_start3A_404 : memref<50048xf32, #tpu.memory_space<vmem>>) target_semaphore(%arg13 : memref<!tpu.dma_semaphore, #tpu.memory_space<semaphore_mem>>)
    %add3A_410 = arith.constant 3 : i32
    %add3A_411 = arith.addi %mul3A_2, %add3A_410 : i32
    %dma_start3A_412 = arith.constant 0 : i32
    %dma_start3A_413 = tpu.memref_slice %arg5[%add3A_411, %dma_start3A_412] : memref<256x4096xf32, #tpu.memory_space<hbm>> -> memref<1x4096xf32, #tpu.memory_space<hbm>>
    %dma_start3A_414 = tpu.memref_squeeze %dma_start3A_413 : memref<1x4096xf32, #tpu.memory_space<hbm>> -> memref<4096xf32, #tpu.memory_space<hbm>>
    %dma_start3A_415 = arith.constant 0 : i32
    %dma_start3A_416 = tpu.memref_slice %arg5[%add3A_411, %dma_start3A_415] : memref<256x4096xf32, #tpu.memory_space<hbm>> -> memref<1x4096xf32, #tpu.memory_space<hbm>>
    %dma_start3A_417 = tpu.memref_squeeze %dma_start3A_416 : memref<1x4096xf32, #tpu.memory_space<hbm>> -> memref<4096xf32, #tpu.memory_space<hbm>>
    tpu.enqueue_dma source(%arg11 : memref<4096xf32, #tpu.memory_space<vmem>>) target(%dma_start3A_417 : memref<4096xf32, #tpu.memory_space<hbm>>) target_semaphore(%arg15 : memref<!tpu.dma_semaphore, #tpu.memory_space<semaphore_mem>>)
    %dma_wait3A_418 = arith.constant 0 : i32
    %dma_wait3A_419 = tpu.memref_slice %arg7[%dma_wait3A_418] : memref<50080xf32, #tpu.memory_space<vmem>> -> memref<49920xf32, #tpu.memory_space<vmem>>
    %dma_wait3A_420 = arith.constant 0 : i32
    %dma_wait3A_421 = tpu.memref_slice %arg2[%add3A_346, %dma_wait3A_420] : memref<256x100000xf32, #tpu.memory_space<hbm>> -> memref<1x100000xf32, #tpu.memory_space<hbm>>
    %dma_wait3A_422 = tpu.memref_squeeze %dma_wait3A_421 : memref<1x100000xf32, #tpu.memory_space<hbm>> -> memref<100000xf32, #tpu.memory_space<hbm>>
    %dma_wait3A_423 = arith.constant 0 : i32
    %dma_wait3A_424 = tpu.memref_slice %dma_wait3A_422[%dma_wait3A_423] : memref<100000xf32, #tpu.memory_space<hbm>> -> memref<49920xf32, #tpu.memory_space<hbm>>
    %dma_wait3A_425 = arith.constant 0 : i32
    %dma_wait3A_426 = tpu.memref_slice %arg7[%dma_wait3A_425] : memref<50080xf32, #tpu.memory_space<vmem>> -> memref<49920xf32, #tpu.memory_space<vmem>>
    %dma_wait3A_427 = arith.constant 0 : i32
    %dma_wait3A_428 = tpu.memref_slice %arg2[%add3A_346, %dma_wait3A_427] : memref<256x100000xf32, #tpu.memory_space<hbm>> -> memref<1x100000xf32, #tpu.memory_space<hbm>>
    %dma_wait3A_429 = tpu.memref_squeeze %dma_wait3A_428 : memref<1x100000xf32, #tpu.memory_space<hbm>> -> memref<100000xf32, #tpu.memory_space<hbm>>
    %dma_wait3A_430 = arith.constant 0 : i32
    %dma_wait3A_431 = tpu.memref_slice %dma_wait3A_429[%dma_wait3A_430] : memref<100000xf32, #tpu.memory_space<hbm>> -> memref<49920xf32, #tpu.memory_space<hbm>>
    tpu.wait_dma2 semaphore(%arg12 : memref<!tpu.dma_semaphore, #tpu.memory_space<semaphore_mem>>) src(%dma_wait3A_431 : memref<49920xf32, #tpu.memory_space<hbm>>) dst(%dma_wait3A_426 : memref<49920xf32, #tpu.memory_space<vmem>>)
    %dma_wait3A_432 = arith.constant 0 : i32
    %dma_wait3A_433 = tpu.memref_slice %arg5[%add3A_311, %dma_wait3A_432] : memref<256x4096xf32, #tpu.memory_space<hbm>> -> memref<1x4096xf32, #tpu.memory_space<hbm>>
    %dma_wait3A_434 = tpu.memref_squeeze %dma_wait3A_433 : memref<1x4096xf32, #tpu.memory_space<hbm>> -> memref<4096xf32, #tpu.memory_space<hbm>>
    %dma_wait3A_435 = arith.constant 0 : i32
    %dma_wait3A_436 = tpu.memref_slice %arg5[%add3A_311, %dma_wait3A_435] : memref<256x4096xf32, #tpu.memory_space<hbm>> -> memref<1x4096xf32, #tpu.memory_space<hbm>>
    %dma_wait3A_437 = tpu.memref_squeeze %dma_wait3A_436 : memref<1x4096xf32, #tpu.memory_space<hbm>> -> memref<4096xf32, #tpu.memory_space<hbm>>
    tpu.wait_dma2 semaphore(%arg14 : memref<!tpu.dma_semaphore, #tpu.memory_space<semaphore_mem>>) src(%arg10 : memref<4096xf32, #tpu.memory_space<vmem>>) dst(%dma_wait3A_437 : memref<4096xf32, #tpu.memory_space<hbm>>)
    %scan3A_438 = arith.constant 0 : i32
    %scan3A_439 = arith.constant 0 : i32
    %scan3A_440 = arith.constant 64 : i32
    %scan3A_441 = arith.addi %scan3A_439, %scan3A_440 : i32
    %scan3A_442 = arith.constant 1 : i32
    %scan3A_443 = scf.for %scan3A_798 = %scan3A_439 to %scan3A_441 step %scan3A_442 iter_args(%scan3A_799 = %scan3A_438) -> (i32)  : i32 {
      %mul3A_800 = arith.constant 64 : i32
      %mul3A_801 = arith.muli %scan3A_798, %mul3A_800 : i32
      %add3A_802 = arith.constant 0 : i32
      %add3A_803 = arith.addi %mul3A_801, %add3A_802 : i32
      %get3A_804 = arith.index_cast %add3A_803 : i32 to index
      %get3A_805 = tpu.vector_load %arg6[%get3A_804] {strides = array<i32>} : memref<4096xi32, #tpu.memory_space<vmem>>, vector<16xi32>,
      %lt3A = arith.constant 49920 : i32
      %lt3A_806 = vector.broadcast %lt3A : i32 to vector<16xi32>
      %lt3A_807 = arith.cmpi slt, %get3A_805, %lt3A_806 : vector<16xi32>
      %gather3A = tpu.vector_load_idx %arg7[%get3A_805] masked %lt3A_807 : memref<50080xf32, #tpu.memory_space<vmem>>[vector<16xi32>], vector<16xf32>, vector<16xi1>
      %swap3A_808 = arith.index_cast %add3A_803 : i32 to index
      %swap3A_809 = tpu.vector_load %arg10[%swap3A_808] {strides = array<i32>} : memref<4096xf32, #tpu.memory_space<vmem>>, vector<16xf32>,
      tpu.vector_store %arg10[%swap3A_808], %gather3A {strides = array<i32>} : memref<4096xf32, #tpu.memory_space<vmem>>, vector<16xf32>,
      %mul3A_810 = arith.constant 64 : i32
      %mul3A_811 = arith.muli %scan3A_798, %mul3A_810 : i32
      %add3A_812 = arith.constant 16 : i32
      %add3A_813 = arith.addi %mul3A_811, %add3A_812 : i32
      %get3A_814 = arith.index_cast %add3A_813 : i32 to index
      %get3A_815 = tpu.vector_load %arg6[%get3A_814] {strides = array<i32>} : memref<4096xi32, #tpu.memory_space<vmem>>, vector<16xi32>,
      %lt3A_816 = arith.constant 49920 : i32
      %lt3A_817 = vector.broadcast %lt3A_816 : i32 to vector<16xi32>
      %lt3A_818 = arith.cmpi slt, %get3A_815, %lt3A_817 : vector<16xi32>
      %gather3A_819 = tpu.vector_load_idx %arg7[%get3A_815] masked %lt3A_818 : memref<50080xf32, #tpu.memory_space<vmem>>[vector<16xi32>], vector<16xf32>, vector<16xi1>
      %swap3A_820 = arith.index_cast %add3A_813 : i32 to index
      %swap3A_821 = tpu.vector_load %arg10[%swap3A_820] {strides = array<i32>} : memref<4096xf32, #tpu.memory_space<vmem>>, vector<16xf32>,
      tpu.vector_store %arg10[%swap3A_820], %gather3A_819 {strides = array<i32>} : memref<4096xf32, #tpu.memory_space<vmem>>, vector<16xf32>,
      %mul3A_822 = arith.constant 64 : i32
      %mul3A_823 = arith.muli %scan3A_798, %mul3A_822 : i32
      %add3A_824 = arith.constant 32 : i32
      %add3A_825 = arith.addi %mul3A_823, %add3A_824 : i32
      %get3A_826 = arith.index_cast %add3A_825 : i32 to index
      %get3A_827 = tpu.vector_load %arg6[%get3A_826] {strides = array<i32>} : memref<4096xi32, #tpu.memory_space<vmem>>, vector<16xi32>,
      %lt3A_828 = arith.constant 49920 : i32
      %lt3A_829 = vector.broadcast %lt3A_828 : i32 to vector<16xi32>
      %lt3A_830 = arith.cmpi slt, %get3A_827, %lt3A_829 : vector<16xi32>
      %gather3A_831 = tpu.vector_load_idx %arg7[%get3A_827] masked %lt3A_830 : memref<50080xf32, #tpu.memory_space<vmem>>[vector<16xi32>], vector<16xf32>, vector<16xi1>
      %swap3A_832 = arith.index_cast %add3A_825 : i32 to index
      %swap3A_833 = tpu.vector_load %arg10[%swap3A_832] {strides = array<i32>} : memref<4096xf32, #tpu.memory_space<vmem>>, vector<16xf32>,
      tpu.vector_store %arg10[%swap3A_832], %gather3A_831 {strides = array<i32>} : memref<4096xf32, #tpu.memory_space<vmem>>, vector<16xf32>,
      %mul3A_834 = arith.constant 64 : i32
      %mul3A_835 = arith.muli %scan3A_798, %mul3A_834 : i32
      %add3A_836 = arith.constant 48 : i32
      %add3A_837 = arith.addi %mul3A_835, %add3A_836 : i32
      %get3A_838 = arith.index_cast %add3A_837 : i32 to index
      %get3A_839 = tpu.vector_load %arg6[%get3A_838] {strides = array<i32>} : memref<4096xi32, #tpu.memory_space<vmem>>, vector<16xi32>,
      %lt3A_840 = arith.constant 49920 : i32
      %lt3A_841 = vector.broadcast %lt3A_840 : i32 to vector<16xi32>
      %lt3A_842 = arith.cmpi slt, %get3A_839, %lt3A_841 : vector<16xi32>
      %gather3A_843 = tpu.vector_load_idx %arg7[%get3A_839] masked %lt3A_842 : memref<50080xf32, #tpu.memory_space<vmem>>[vector<16xi32>], vector<16xf32>, vector<16xi1>
      %swap3A_844 = arith.index_cast %add3A_837 : i32 to index
      %swap3A_845 = tpu.vector_load %arg10[%swap3A_844] {strides = array<i32>} : memref<4096xf32, #tpu.memory_space<vmem>>, vector<16xf32>,
      tpu.vector_store %arg10[%swap3A_844], %gather3A_843 {strides = array<i32>} : memref<4096xf32, #tpu.memory_space<vmem>>, vector<16xf32>,
      %scan3A_846 = arith.constant 0 : i32
      scf.yield %scan3A_846 : i32
    }
    %scan3A_444 = arith.constant 64 : i32
    %add3A_445 = arith.constant 5 : i32
    %add3A_446 = arith.addi %mul3A_2, %add3A_445 : i32
    %dma_start3A_447 = arith.constant 0 : i32
    %dma_start3A_448 = tpu.memref_slice %arg7[%dma_start3A_447] : memref<50080xf32, #tpu.memory_space<vmem>> -> memref<49920xf32, #tpu.memory_space<vmem>>
    %dma_start3A_449 = arith.constant 0 : i32
    %dma_start3A_450 = tpu.memref_slice %arg2[%add3A_446, %dma_start3A_449] : memref<256x100000xf32, #tpu.memory_space<hbm>> -> memref<1x100000xf32, #tpu.memory_space<hbm>>
    %dma_start3A_451 = tpu.memref_squeeze %dma_start3A_450 : memref<1x100000xf32, #tpu.memory_space<hbm>> -> memref<100000xf32, #tpu.memory_space<hbm>>
    %dma_start3A_452 = arith.constant 0 : i32
    %dma_start3A_453 = tpu.memref_slice %dma_start3A_451[%dma_start3A_452] : memref<100000xf32, #tpu.memory_space<hbm>> -> memref<49920xf32, #tpu.memory_space<hbm>>
    %dma_start3A_454 = arith.constant 0 : i32
    %dma_start3A_455 = tpu.memref_slice %arg7[%dma_start3A_454] : memref<50080xf32, #tpu.memory_space<vmem>> -> memref<49920xf32, #tpu.memory_space<vmem>>
    %dma_start3A_456 = arith.constant 0 : i32
    %dma_start3A_457 = tpu.memref_slice %arg2[%add3A_446, %dma_start3A_456] : memref<256x100000xf32, #tpu.memory_space<hbm>> -> memref<1x100000xf32, #tpu.memory_space<hbm>>
    %dma_start3A_458 = tpu.memref_squeeze %dma_start3A_457 : memref<1x100000xf32, #tpu.memory_space<hbm>> -> memref<100000xf32, #tpu.memory_space<hbm>>
    %dma_start3A_459 = arith.constant 0 : i32
    %dma_start3A_460 = tpu.memref_slice %dma_start3A_458[%dma_start3A_459] : memref<100000xf32, #tpu.memory_space<hbm>> -> memref<49920xf32, #tpu.memory_space<hbm>>
    tpu.enqueue_dma source(%dma_start3A_460 : memref<49920xf32, #tpu.memory_space<hbm>>) target(%dma_start3A_455 : memref<49920xf32, #tpu.memory_space<vmem>>) target_semaphore(%arg12 : memref<!tpu.dma_semaphore, #tpu.memory_space<semaphore_mem>>)
    %dma_wait3A_461 = arith.constant 0 : i32
    %dma_wait3A_462 = tpu.memref_slice %arg8[%dma_wait3A_461] : memref<50080xf32, #tpu.memory_space<vmem>> -> memref<50048xf32, #tpu.memory_space<vmem>>
    %dma_wait3A_463 = arith.constant 0 : i32
    %dma_wait3A_464 = tpu.memref_slice %arg2[%add3A_395, %dma_wait3A_463] : memref<256x100000xf32, #tpu.memory_space<hbm>> -> memref<1x100000xf32, #tpu.memory_space<hbm>>
    %dma_wait3A_465 = tpu.memref_squeeze %dma_wait3A_464 : memref<1x100000xf32, #tpu.memory_space<hbm>> -> memref<100000xf32, #tpu.memory_space<hbm>>
    %dma_wait3A_466 = arith.constant 49920 : i32
    %dma_wait3A_467 = tpu.memref_slice %dma_wait3A_465[%dma_wait3A_466] : memref<100000xf32, #tpu.memory_space<hbm>> -> memref<50048xf32, #tpu.memory_space<hbm>>
    %dma_wait3A_468 = arith.constant 0 : i32
    %dma_wait3A_469 = tpu.memref_slice %arg8[%dma_wait3A_468] : memref<50080xf32, #tpu.memory_space<vmem>> -> memref<50048xf32, #tpu.memory_space<vmem>>
    %dma_wait3A_470 = arith.constant 0 : i32
    %dma_wait3A_471 = tpu.memref_slice %arg2[%add3A_395, %dma_wait3A_470] : memref<256x100000xf32, #tpu.memory_space<hbm>> -> memref<1x100000xf32, #tpu.memory_space<hbm>>
    %dma_wait3A_472 = tpu.memref_squeeze %dma_wait3A_471 : memref<1x100000xf32, #tpu.memory_space<hbm>> -> memref<100000xf32, #tpu.memory_space<hbm>>
    %dma_wait3A_473 = arith.constant 49920 : i32
    %dma_wait3A_474 = tpu.memref_slice %dma_wait3A_472[%dma_wait3A_473] : memref<100000xf32, #tpu.memory_space<hbm>> -> memref<50048xf32, #tpu.memory_space<hbm>>
    tpu.wait_dma2 semaphore(%arg13 : memref<!tpu.dma_semaphore, #tpu.memory_space<semaphore_mem>>) src(%dma_wait3A_474 : memref<50048xf32, #tpu.memory_space<hbm>>) dst(%dma_wait3A_469 : memref<50048xf32, #tpu.memory_space<vmem>>)
    %get3A_475 = arith.constant 4 : i32
    %get3A_476 = arith.index_cast %get3A_475 : i32 to index
    %get3A_477 = arith.constant 0 : index
    %get3A_478 = tpu.vector_load %arg9[%get3A_476, %get3A_477] {strides = array<i32>} : memref<8x32xf32, #tpu.memory_space<vmem>>, vector<16xf32>,
    %swap3A_479 = arith.constant 50048 : index
    %swap3A_480 = tpu.vector_load %arg8[%swap3A_479] {strides = array<i32>} : memref<50080xf32, #tpu.memory_space<vmem>>, vector<16xf32>,
    tpu.vector_store %arg8[%swap3A_479], %get3A_478 {strides = array<i32>} : memref<50080xf32, #tpu.memory_space<vmem>>, vector<16xf32>,
    %get3A_481 = arith.constant 4 : i32
    %get3A_482 = arith.index_cast %get3A_481 : i32 to index
    %get3A_483 = arith.constant 16 : index
    %get3A_484 = tpu.vector_load %arg9[%get3A_482, %get3A_483] {strides = array<i32>} : memref<8x32xf32, #tpu.memory_space<vmem>>, vector<16xf32>,
    %swap3A_485 = arith.constant 50064 : index
    %swap3A_486 = tpu.vector_load %arg8[%swap3A_485] {strides = array<i32>} : memref<50080xf32, #tpu.memory_space<vmem>>, vector<16xf32>,
    tpu.vector_store %arg8[%swap3A_485], %get3A_484 {strides = array<i32>} : memref<50080xf32, #tpu.memory_space<vmem>>, vector<16xf32>,
    %scan3A_487 = arith.constant 0 : i32
    %scan3A_488 = arith.constant 0 : i32
    %scan3A_489 = arith.constant 64 : i32
    %scan3A_490 = arith.addi %scan3A_488, %scan3A_489 : i32
    %scan3A_491 = arith.constant 1 : i32
    %scan3A_492 = scf.for %scan3A_798 = %scan3A_488 to %scan3A_490 step %scan3A_491 iter_args(%scan3A_799 = %scan3A_487) -> (i32)  : i32 {
      %mul3A_800 = arith.constant 64 : i32
      %mul3A_801 = arith.muli %scan3A_798, %mul3A_800 : i32
      %add3A_802 = arith.constant 0 : i32
      %add3A_803 = arith.addi %mul3A_801, %add3A_802 : i32
      %get3A_804 = arith.index_cast %add3A_803 : i32 to index
      %get3A_805 = tpu.vector_load %arg6[%get3A_804] {strides = array<i32>} : memref<4096xi32, #tpu.memory_space<vmem>>, vector<16xi32>,
      %ge3A = arith.constant 49920 : i32
      %ge3A_806 = vector.broadcast %ge3A : i32 to vector<16xi32>
      %ge3A_807 = arith.cmpi sge, %get3A_805, %ge3A_806 : vector<16xi32>
      %sub3A = arith.constant 49920 : i32
      %sub3A_808 = vector.broadcast %sub3A : i32 to vector<16xi32>
      %sub3A_809 = arith.subi %get3A_805, %sub3A_808 : vector<16xi32>
      %gather3A = tpu.vector_load_idx %arg8[%sub3A_809] masked %ge3A_807 : memref<50080xf32, #tpu.memory_space<vmem>>[vector<16xi32>], vector<16xf32>, vector<16xi1>
      %get3A_810 = arith.index_cast %add3A_803 : i32 to index
      %get3A_811 = tpu.vector_load %arg10[%get3A_810] {strides = array<i32>} : memref<4096xf32, #tpu.memory_space<vmem>>, vector<16xf32>,
      %select_n3A = arith.select %ge3A_807, %gather3A, %get3A_811 : vector<16xi1>, vector<16xf32>
      %swap3A_812 = arith.index_cast %add3A_803 : i32 to index
      %swap3A_813 = tpu.vector_load %arg10[%swap3A_812] {strides = array<i32>} : memref<4096xf32, #tpu.memory_space<vmem>>, vector<16xf32>,
      tpu.vector_store %arg10[%swap3A_812], %select_n3A {strides = array<i32>} : memref<4096xf32, #tpu.memory_space<vmem>>, vector<16xf32>,
      %mul3A_814 = arith.constant 64 : i32
      %mul3A_815 = arith.muli %scan3A_798, %mul3A_814 : i32
      %add3A_816 = arith.constant 16 : i32
      %add3A_817 = arith.addi %mul3A_815, %add3A_816 : i32
      %get3A_818 = arith.index_cast %add3A_817 : i32 to index
      %get3A_819 = tpu.vector_load %arg6[%get3A_818] {strides = array<i32>} : memref<4096xi32, #tpu.memory_space<vmem>>, vector<16xi32>,
      %ge3A_820 = arith.constant 49920 : i32
      %ge3A_821 = vector.broadcast %ge3A_820 : i32 to vector<16xi32>
      %ge3A_822 = arith.cmpi sge, %get3A_819, %ge3A_821 : vector<16xi32>
      %sub3A_823 = arith.constant 49920 : i32
      %sub3A_824 = vector.broadcast %sub3A_823 : i32 to vector<16xi32>
      %sub3A_825 = arith.subi %get3A_819, %sub3A_824 : vector<16xi32>
      %gather3A_826 = tpu.vector_load_idx %arg8[%sub3A_825] masked %ge3A_822 : memref<50080xf32, #tpu.memory_space<vmem>>[vector<16xi32>], vector<16xf32>, vector<16xi1>
      %get3A_827 = arith.index_cast %add3A_817 : i32 to index
      %get3A_828 = tpu.vector_load %arg10[%get3A_827] {strides = array<i32>} : memref<4096xf32, #tpu.memory_space<vmem>>, vector<16xf32>,
      %select_n3A_829 = arith.select %ge3A_822, %gather3A_826, %get3A_828 : vector<16xi1>, vector<16xf32>
      %swap3A_830 = arith.index_cast %add3A_817 : i32 to index
      %swap3A_831 = tpu.vector_load %arg10[%swap3A_830] {strides = array<i32>} : memref<4096xf32, #tpu.memory_space<vmem>>, vector<16xf32>,
      tpu.vector_store %arg10[%swap3A_830], %select_n3A_829 {strides = array<i32>} : memref<4096xf32, #tpu.memory_space<vmem>>, vector<16xf32>,
      %mul3A_832 = arith.constant 64 : i32
      %mul3A_833 = arith.muli %scan3A_798, %mul3A_832 : i32
      %add3A_834 = arith.constant 32 : i32
      %add3A_835 = arith.addi %mul3A_833, %add3A_834 : i32
      %get3A_836 = arith.index_cast %add3A_835 : i32 to index
      %get3A_837 = tpu.vector_load %arg6[%get3A_836] {strides = array<i32>} : memref<4096xi32, #tpu.memory_space<vmem>>, vector<16xi32>,
      %ge3A_838 = arith.constant 49920 : i32
      %ge3A_839 = vector.broadcast %ge3A_838 : i32 to vector<16xi32>
      %ge3A_840 = arith.cmpi sge, %get3A_837, %ge3A_839 : vector<16xi32>
      %sub3A_841 = arith.constant 49920 : i32
      %sub3A_842 = vector.broadcast %sub3A_841 : i32 to vector<16xi32>
      %sub3A_843 = arith.subi %get3A_837, %sub3A_842 : vector<16xi32>
      %gather3A_844 = tpu.vector_load_idx %arg8[%sub3A_843] masked %ge3A_840 : memref<50080xf32, #tpu.memory_space<vmem>>[vector<16xi32>], vector<16xf32>, vector<16xi1>
      %get3A_845 = arith.index_cast %add3A_835 : i32 to index
      %get3A_846 = tpu.vector_load %arg10[%get3A_845] {strides = array<i32>} : memref<4096xf32, #tpu.memory_space<vmem>>, vector<16xf32>,
      %select_n3A_847 = arith.select %ge3A_840, %gather3A_844, %get3A_846 : vector<16xi1>, vector<16xf32>
      %swap3A_848 = arith.index_cast %add3A_835 : i32 to index
      %swap3A_849 = tpu.vector_load %arg10[%swap3A_848] {strides = array<i32>} : memref<4096xf32, #tpu.memory_space<vmem>>, vector<16xf32>,
      tpu.vector_store %arg10[%swap3A_848], %select_n3A_847 {strides = array<i32>} : memref<4096xf32, #tpu.memory_space<vmem>>, vector<16xf32>,
      %mul3A_850 = arith.constant 64 : i32
      %mul3A_851 = arith.muli %scan3A_798, %mul3A_850 : i32
      %add3A_852 = arith.constant 48 : i32
      %add3A_853 = arith.addi %mul3A_851, %add3A_852 : i32
      %get3A_854 = arith.index_cast %add3A_853 : i32 to index
      %get3A_855 = tpu.vector_load %arg6[%get3A_854] {strides = array<i32>} : memref<4096xi32, #tpu.memory_space<vmem>>, vector<16xi32>,
      %ge3A_856 = arith.constant 49920 : i32
      %ge3A_857 = vector.broadcast %ge3A_856 : i32 to vector<16xi32>
      %ge3A_858 = arith.cmpi sge, %get3A_855, %ge3A_857 : vector<16xi32>
      %sub3A_859 = arith.constant 49920 : i32
      %sub3A_860 = vector.broadcast %sub3A_859 : i32 to vector<16xi32>
      %sub3A_861 = arith.subi %get3A_855, %sub3A_860 : vector<16xi32>
      %gather3A_862 = tpu.vector_load_idx %arg8[%sub3A_861] masked %ge3A_858 : memref<50080xf32, #tpu.memory_space<vmem>>[vector<16xi32>], vector<16xf32>, vector<16xi1>
      %get3A_863 = arith.index_cast %add3A_853 : i32 to index
      %get3A_864 = tpu.vector_load %arg10[%get3A_863] {strides = array<i32>} : memref<4096xf32, #tpu.memory_space<vmem>>, vector<16xf32>,
      %select_n3A_865 = arith.select %ge3A_858, %gather3A_862, %get3A_864 : vector<16xi1>, vector<16xf32>
      %swap3A_866 = arith.index_cast %add3A_853 : i32 to index
      %swap3A_867 = tpu.vector_load %arg10[%swap3A_866] {strides = array<i32>} : memref<4096xf32, #tpu.memory_space<vmem>>, vector<16xf32>,
      tpu.vector_store %arg10[%swap3A_866], %select_n3A_865 {strides = array<i32>} : memref<4096xf32, #tpu.memory_space<vmem>>, vector<16xf32>,
      %scan3A_868 = arith.constant 0 : i32
      scf.yield %scan3A_868 : i32
    }
    %scan3A_493 = arith.constant 64 : i32
    %add3A_494 = arith.constant 5 : i32
    %add3A_495 = arith.addi %mul3A_2, %add3A_494 : i32
    %dma_start3A_496 = arith.constant 0 : i32
    %dma_start3A_497 = tpu.memref_slice %arg8[%dma_start3A_496] : memref<50080xf32, #tpu.memory_space<vmem>> -> memref<50048xf32, #tpu.memory_space<vmem>>
    %dma_start3A_498 = arith.constant 0 : i32
    %dma_start3A_499 = tpu.memref_slice %arg2[%add3A_495, %dma_start3A_498] : memref<256x100000xf32, #tpu.memory_space<hbm>> -> memref<1x100000xf32, #tpu.memory_space<hbm>>
    %dma_start3A_500 = tpu.memref_squeeze %dma_start3A_499 : memref<1x100000xf32, #tpu.memory_space<hbm>> -> memref<100000xf32, #tpu.memory_space<hbm>>
    %dma_start3A_501 = arith.constant 49920 : i32
    %dma_start3A_502 = tpu.memref_slice %dma_start3A_500[%dma_start3A_501] : memref<100000xf32, #tpu.memory_space<hbm>> -> memref<50048xf32, #tpu.memory_space<hbm>>
    %dma_start3A_503 = arith.constant 0 : i32
    %dma_start3A_504 = tpu.memref_slice %arg8[%dma_start3A_503] : memref<50080xf32, #tpu.memory_space<vmem>> -> memref<50048xf32, #tpu.memory_space<vmem>>
    %dma_start3A_505 = arith.constant 0 : i32
    %dma_start3A_506 = tpu.memref_slice %arg2[%add3A_495, %dma_start3A_505] : memref<256x100000xf32, #tpu.memory_space<hbm>> -> memref<1x100000xf32, #tpu.memory_space<hbm>>
    %dma_start3A_507 = tpu.memref_squeeze %dma_start3A_506 : memref<1x100000xf32, #tpu.memory_space<hbm>> -> memref<100000xf32, #tpu.memory_space<hbm>>
    %dma_start3A_508 = arith.constant 49920 : i32
    %dma_start3A_509 = tpu.memref_slice %dma_start3A_507[%dma_start3A_508] : memref<100000xf32, #tpu.memory_space<hbm>> -> memref<50048xf32, #tpu.memory_space<hbm>>
    tpu.enqueue_dma source(%dma_start3A_509 : memref<50048xf32, #tpu.memory_space<hbm>>) target(%dma_start3A_504 : memref<50048xf32, #tpu.memory_space<vmem>>) target_semaphore(%arg13 : memref<!tpu.dma_semaphore, #tpu.memory_space<semaphore_mem>>)
    %add3A_510 = arith.constant 4 : i32
    %add3A_511 = arith.addi %mul3A_2, %add3A_510 : i32
    %dma_start3A_512 = arith.constant 0 : i32
    %dma_start3A_513 = tpu.memref_slice %arg5[%add3A_511, %dma_start3A_512] : memref<256x4096xf32, #tpu.memory_space<hbm>> -> memref<1x4096xf32, #tpu.memory_space<hbm>>
    %dma_start3A_514 = tpu.memref_squeeze %dma_start3A_513 : memref<1x4096xf32, #tpu.memory_space<hbm>> -> memref<4096xf32, #tpu.memory_space<hbm>>
    %dma_start3A_515 = arith.constant 0 : i32
    %dma_start3A_516 = tpu.memref_slice %arg5[%add3A_511, %dma_start3A_515] : memref<256x4096xf32, #tpu.memory_space<hbm>> -> memref<1x4096xf32, #tpu.memory_space<hbm>>
    %dma_start3A_517 = tpu.memref_squeeze %dma_start3A_516 : memref<1x4096xf32, #tpu.memory_space<hbm>> -> memref<4096xf32, #tpu.memory_space<hbm>>
    tpu.enqueue_dma source(%arg10 : memref<4096xf32, #tpu.memory_space<vmem>>) target(%dma_start3A_517 : memref<4096xf32, #tpu.memory_space<hbm>>) target_semaphore(%arg14 : memref<!tpu.dma_semaphore, #tpu.memory_space<semaphore_mem>>)
    %dma_wait3A_518 = arith.constant 0 : i32
    %dma_wait3A_519 = tpu.memref_slice %arg7[%dma_wait3A_518] : memref<50080xf32, #tpu.memory_space<vmem>> -> memref<49920xf32, #tpu.memory_space<vmem>>
    %dma_wait3A_520 = arith.constant 0 : i32
    %dma_wait3A_521 = tpu.memref_slice %arg2[%add3A_446, %dma_wait3A_520] : memref<256x100000xf32, #tpu.memory_space<hbm>> -> memref<1x100000xf32, #tpu.memory_space<hbm>>
    %dma_wait3A_522 = tpu.memref_squeeze %dma_wait3A_521 : memref<1x100000xf32, #tpu.memory_space<hbm>> -> memref<100000xf32, #tpu.memory_space<hbm>>
    %dma_wait3A_523 = arith.constant 0 : i32
    %dma_wait3A_524 = tpu.memref_slice %dma_wait3A_522[%dma_wait3A_523] : memref<100000xf32, #tpu.memory_space<hbm>> -> memref<49920xf32, #tpu.memory_space<hbm>>
    %dma_wait3A_525 = arith.constant 0 : i32
    %dma_wait3A_526 = tpu.memref_slice %arg7[%dma_wait3A_525] : memref<50080xf32, #tpu.memory_space<vmem>> -> memref<49920xf32, #tpu.memory_space<vmem>>
    %dma_wait3A_527 = arith.constant 0 : i32
    %dma_wait3A_528 = tpu.memref_slice %arg2[%add3A_446, %dma_wait3A_527] : memref<256x100000xf32, #tpu.memory_space<hbm>> -> memref<1x100000xf32, #tpu.memory_space<hbm>>
    %dma_wait3A_529 = tpu.memref_squeeze %dma_wait3A_528 : memref<1x100000xf32, #tpu.memory_space<hbm>> -> memref<100000xf32, #tpu.memory_space<hbm>>
    %dma_wait3A_530 = arith.constant 0 : i32
    %dma_wait3A_531 = tpu.memref_slice %dma_wait3A_529[%dma_wait3A_530] : memref<100000xf32, #tpu.memory_space<hbm>> -> memref<49920xf32, #tpu.memory_space<hbm>>
    tpu.wait_dma2 semaphore(%arg12 : memref<!tpu.dma_semaphore, #tpu.memory_space<semaphore_mem>>) src(%dma_wait3A_531 : memref<49920xf32, #tpu.memory_space<hbm>>) dst(%dma_wait3A_526 : memref<49920xf32, #tpu.memory_space<vmem>>)
    %dma_wait3A_532 = arith.constant 0 : i32
    %dma_wait3A_533 = tpu.memref_slice %arg5[%add3A_411, %dma_wait3A_532] : memref<256x4096xf32, #tpu.memory_space<hbm>> -> memref<1x4096xf32, #tpu.memory_space<hbm>>
    %dma_wait3A_534 = tpu.memref_squeeze %dma_wait3A_533 : memref<1x4096xf32, #tpu.memory_space<hbm>> -> memref<4096xf32, #tpu.memory_space<hbm>>
    %dma_wait3A_535 = arith.constant 0 : i32
    %dma_wait3A_536 = tpu.memref_slice %arg5[%add3A_411, %dma_wait3A_535] : memref<256x4096xf32, #tpu.memory_space<hbm>> -> memref<1x4096xf32, #tpu.memory_space<hbm>>
    %dma_wait3A_537 = tpu.memref_squeeze %dma_wait3A_536 : memref<1x4096xf32, #tpu.memory_space<hbm>> -> memref<4096xf32, #tpu.memory_space<hbm>>
    tpu.wait_dma2 semaphore(%arg15 : memref<!tpu.dma_semaphore, #tpu.memory_space<semaphore_mem>>) src(%arg11 : memref<4096xf32, #tpu.memory_space<vmem>>) dst(%dma_wait3A_537 : memref<4096xf32, #tpu.memory_space<hbm>>)
    %scan3A_538 = arith.constant 0 : i32
    %scan3A_539 = arith.constant 0 : i32
    %scan3A_540 = arith.constant 64 : i32
    %scan3A_541 = arith.addi %scan3A_539, %scan3A_540 : i32
    %scan3A_542 = arith.constant 1 : i32
    %scan3A_543 = scf.for %scan3A_798 = %scan3A_539 to %scan3A_541 step %scan3A_542 iter_args(%scan3A_799 = %scan3A_538) -> (i32)  : i32 {
      %mul3A_800 = arith.constant 64 : i32
      %mul3A_801 = arith.muli %scan3A_798, %mul3A_800 : i32
      %add3A_802 = arith.constant 0 : i32
      %add3A_803 = arith.addi %mul3A_801, %add3A_802 : i32
      %get3A_804 = arith.index_cast %add3A_803 : i32 to index
      %get3A_805 = tpu.vector_load %arg6[%get3A_804] {strides = array<i32>} : memref<4096xi32, #tpu.memory_space<vmem>>, vector<16xi32>,
      %lt3A = arith.constant 49920 : i32
      %lt3A_806 = vector.broadcast %lt3A : i32 to vector<16xi32>
      %lt3A_807 = arith.cmpi slt, %get3A_805, %lt3A_806 : vector<16xi32>
      %gather3A = tpu.vector_load_idx %arg7[%get3A_805] masked %lt3A_807 : memref<50080xf32, #tpu.memory_space<vmem>>[vector<16xi32>], vector<16xf32>, vector<16xi1>
      %swap3A_808 = arith.index_cast %add3A_803 : i32 to index
      %swap3A_809 = tpu.vector_load %arg11[%swap3A_808] {strides = array<i32>} : memref<4096xf32, #tpu.memory_space<vmem>>, vector<16xf32>,
      tpu.vector_store %arg11[%swap3A_808], %gather3A {strides = array<i32>} : memref<4096xf32, #tpu.memory_space<vmem>>, vector<16xf32>,
      %mul3A_810 = arith.constant 64 : i32
      %mul3A_811 = arith.muli %scan3A_798, %mul3A_810 : i32
      %add3A_812 = arith.constant 16 : i32
      %add3A_813 = arith.addi %mul3A_811, %add3A_812 : i32
      %get3A_814 = arith.index_cast %add3A_813 : i32 to index
      %get3A_815 = tpu.vector_load %arg6[%get3A_814] {strides = array<i32>} : memref<4096xi32, #tpu.memory_space<vmem>>, vector<16xi32>,
      %lt3A_816 = arith.constant 49920 : i32
      %lt3A_817 = vector.broadcast %lt3A_816 : i32 to vector<16xi32>
      %lt3A_818 = arith.cmpi slt, %get3A_815, %lt3A_817 : vector<16xi32>
      %gather3A_819 = tpu.vector_load_idx %arg7[%get3A_815] masked %lt3A_818 : memref<50080xf32, #tpu.memory_space<vmem>>[vector<16xi32>], vector<16xf32>, vector<16xi1>
      %swap3A_820 = arith.index_cast %add3A_813 : i32 to index
      %swap3A_821 = tpu.vector_load %arg11[%swap3A_820] {strides = array<i32>} : memref<4096xf32, #tpu.memory_space<vmem>>, vector<16xf32>,
      tpu.vector_store %arg11[%swap3A_820], %gather3A_819 {strides = array<i32>} : memref<4096xf32, #tpu.memory_space<vmem>>, vector<16xf32>,
      %mul3A_822 = arith.constant 64 : i32
      %mul3A_823 = arith.muli %scan3A_798, %mul3A_822 : i32
      %add3A_824 = arith.constant 32 : i32
      %add3A_825 = arith.addi %mul3A_823, %add3A_824 : i32
      %get3A_826 = arith.index_cast %add3A_825 : i32 to index
      %get3A_827 = tpu.vector_load %arg6[%get3A_826] {strides = array<i32>} : memref<4096xi32, #tpu.memory_space<vmem>>, vector<16xi32>,
      %lt3A_828 = arith.constant 49920 : i32
      %lt3A_829 = vector.broadcast %lt3A_828 : i32 to vector<16xi32>
      %lt3A_830 = arith.cmpi slt, %get3A_827, %lt3A_829 : vector<16xi32>
      %gather3A_831 = tpu.vector_load_idx %arg7[%get3A_827] masked %lt3A_830 : memref<50080xf32, #tpu.memory_space<vmem>>[vector<16xi32>], vector<16xf32>, vector<16xi1>
      %swap3A_832 = arith.index_cast %add3A_825 : i32 to index
      %swap3A_833 = tpu.vector_load %arg11[%swap3A_832] {strides = array<i32>} : memref<4096xf32, #tpu.memory_space<vmem>>, vector<16xf32>,
      tpu.vector_store %arg11[%swap3A_832], %gather3A_831 {strides = array<i32>} : memref<4096xf32, #tpu.memory_space<vmem>>, vector<16xf32>,
      %mul3A_834 = arith.constant 64 : i32
      %mul3A_835 = arith.muli %scan3A_798, %mul3A_834 : i32
      %add3A_836 = arith.constant 48 : i32
      %add3A_837 = arith.addi %mul3A_835, %add3A_836 : i32
      %get3A_838 = arith.index_cast %add3A_837 : i32 to index
      %get3A_839 = tpu.vector_load %arg6[%get3A_838] {strides = array<i32>} : memref<4096xi32, #tpu.memory_space<vmem>>, vector<16xi32>,
      %lt3A_840 = arith.constant 49920 : i32
      %lt3A_841 = vector.broadcast %lt3A_840 : i32 to vector<16xi32>
      %lt3A_842 = arith.cmpi slt, %get3A_839, %lt3A_841 : vector<16xi32>
      %gather3A_843 = tpu.vector_load_idx %arg7[%get3A_839] masked %lt3A_842 : memref<50080xf32, #tpu.memory_space<vmem>>[vector<16xi32>], vector<16xf32>, vector<16xi1>
      %swap3A_844 = arith.index_cast %add3A_837 : i32 to index
      %swap3A_845 = tpu.vector_load %arg11[%swap3A_844] {strides = array<i32>} : memref<4096xf32, #tpu.memory_space<vmem>>, vector<16xf32>,
      tpu.vector_store %arg11[%swap3A_844], %gather3A_843 {strides = array<i32>} : memref<4096xf32, #tpu.memory_space<vmem>>, vector<16xf32>,
      %scan3A_846 = arith.constant 0 : i32
      scf.yield %scan3A_846 : i32
    }
    %scan3A_544 = arith.constant 64 : i32
    %add3A_545 = arith.constant 6 : i32
    %add3A_546 = arith.addi %mul3A_2, %add3A_545 : i32
    %dma_start3A_547 = arith.constant 0 : i32
    %dma_start3A_548 = tpu.memref_slice %arg7[%dma_start3A_547] : memref<50080xf32, #tpu.memory_space<vmem>> -> memref<49920xf32, #tpu.memory_space<vmem>>
    %dma_start3A_549 = arith.constant 0 : i32
    %dma_start3A_550 = tpu.memref_slice %arg2[%add3A_546, %dma_start3A_549] : memref<256x100000xf32, #tpu.memory_space<hbm>> -> memref<1x100000xf32, #tpu.memory_space<hbm>>
    %dma_start3A_551 = tpu.memref_squeeze %dma_start3A_550 : memref<1x100000xf32, #tpu.memory_space<hbm>> -> memref<100000xf32, #tpu.memory_space<hbm>>
    %dma_start3A_552 = arith.constant 0 : i32
    %dma_start3A_553 = tpu.memref_slice %dma_start3A_551[%dma_start3A_552] : memref<100000xf32, #tpu.memory_space<hbm>> -> memref<49920xf32, #tpu.memory_space<hbm>>
    %dma_start3A_554 = arith.constant 0 : i32
    %dma_start3A_555 = tpu.memref_slice %arg7[%dma_start3A_554] : memref<50080xf32, #tpu.memory_space<vmem>> -> memref<49920xf32, #tpu.memory_space<vmem>>
    %dma_start3A_556 = arith.constant 0 : i32
    %dma_start3A_557 = tpu.memref_slice %arg2[%add3A_546, %dma_start3A_556] : memref<256x100000xf32, #tpu.memory_space<hbm>> -> memref<1x100000xf32, #tpu.memory_space<hbm>>
    %dma_start3A_558 = tpu.memref_squeeze %dma_start3A_557 : memref<1x100000xf32, #tpu.memory_space<hbm>> -> memref<100000xf32, #tpu.memory_space<hbm>>
    %dma_start3A_559 = arith.constant 0 : i32
    %dma_start3A_560 = tpu.memref_slice %dma_start3A_558[%dma_start3A_559] : memref<100000xf32, #tpu.memory_space<hbm>> -> memref<49920xf32, #tpu.memory_space<hbm>>
    tpu.enqueue_dma source(%dma_start3A_560 : memref<49920xf32, #tpu.memory_space<hbm>>) target(%dma_start3A_555 : memref<49920xf32, #tpu.memory_space<vmem>>) target_semaphore(%arg12 : memref<!tpu.dma_semaphore, #tpu.memory_space<semaphore_mem>>)
    %dma_wait3A_561 = arith.constant 0 : i32
    %dma_wait3A_562 = tpu.memref_slice %arg8[%dma_wait3A_561] : memref<50080xf32, #tpu.memory_space<vmem>> -> memref<50048xf32, #tpu.memory_space<vmem>>
    %dma_wait3A_563 = arith.constant 0 : i32
    %dma_wait3A_564 = tpu.memref_slice %arg2[%add3A_495, %dma_wait3A_563] : memref<256x100000xf32, #tpu.memory_space<hbm>> -> memref<1x100000xf32, #tpu.memory_space<hbm>>
    %dma_wait3A_565 = tpu.memref_squeeze %dma_wait3A_564 : memref<1x100000xf32, #tpu.memory_space<hbm>> -> memref<100000xf32, #tpu.memory_space<hbm>>
    %dma_wait3A_566 = arith.constant 49920 : i32
    %dma_wait3A_567 = tpu.memref_slice %dma_wait3A_565[%dma_wait3A_566] : memref<100000xf32, #tpu.memory_space<hbm>> -> memref<50048xf32, #tpu.memory_space<hbm>>
    %dma_wait3A_568 = arith.constant 0 : i32
    %dma_wait3A_569 = tpu.memref_slice %arg8[%dma_wait3A_568] : memref<50080xf32, #tpu.memory_space<vmem>> -> memref<50048xf32, #tpu.memory_space<vmem>>
    %dma_wait3A_570 = arith.constant 0 : i32
    %dma_wait3A_571 = tpu.memref_slice %arg2[%add3A_495, %dma_wait3A_570] : memref<256x100000xf32, #tpu.memory_space<hbm>> -> memref<1x100000xf32, #tpu.memory_space<hbm>>
    %dma_wait3A_572 = tpu.memref_squeeze %dma_wait3A_571 : memref<1x100000xf32, #tpu.memory_space<hbm>> -> memref<100000xf32, #tpu.memory_space<hbm>>
    %dma_wait3A_573 = arith.constant 49920 : i32
    %dma_wait3A_574 = tpu.memref_slice %dma_wait3A_572[%dma_wait3A_573] : memref<100000xf32, #tpu.memory_space<hbm>> -> memref<50048xf32, #tpu.memory_space<hbm>>
    tpu.wait_dma2 semaphore(%arg13 : memref<!tpu.dma_semaphore, #tpu.memory_space<semaphore_mem>>) src(%dma_wait3A_574 : memref<50048xf32, #tpu.memory_space<hbm>>) dst(%dma_wait3A_569 : memref<50048xf32, #tpu.memory_space<vmem>>)
    %get3A_575 = arith.constant 5 : i32
    %get3A_576 = arith.index_cast %get3A_575 : i32 to index
    %get3A_577 = arith.constant 0 : index
    %get3A_578 = tpu.vector_load %arg9[%get3A_576, %get3A_577] {strides = array<i32>} : memref<8x32xf32, #tpu.memory_space<vmem>>, vector<16xf32>,
    %swap3A_579 = arith.constant 50048 : index
    %swap3A_580 = tpu.vector_load %arg8[%swap3A_579] {strides = array<i32>} : memref<50080xf32, #tpu.memory_space<vmem>>, vector<16xf32>,
    tpu.vector_store %arg8[%swap3A_579], %get3A_578 {strides = array<i32>} : memref<50080xf32, #tpu.memory_space<vmem>>, vector<16xf32>,
    %get3A_581 = arith.constant 5 : i32
    %get3A_582 = arith.index_cast %get3A_581 : i32 to index
    %get3A_583 = arith.constant 16 : index
    %get3A_584 = tpu.vector_load %arg9[%get3A_582, %get3A_583] {strides = array<i32>} : memref<8x32xf32, #tpu.memory_space<vmem>>, vector<16xf32>,
    %swap3A_585 = arith.constant 50064 : index
    %swap3A_586 = tpu.vector_load %arg8[%swap3A_585] {strides = array<i32>} : memref<50080xf32, #tpu.memory_space<vmem>>, vector<16xf32>,
    tpu.vector_store %arg8[%swap3A_585], %get3A_584 {strides = array<i32>} : memref<50080xf32, #tpu.memory_space<vmem>>, vector<16xf32>,
    %scan3A_587 = arith.constant 0 : i32
    %scan3A_588 = arith.constant 0 : i32
    %scan3A_589 = arith.constant 64 : i32
    %scan3A_590 = arith.addi %scan3A_588, %scan3A_589 : i32
    %scan3A_591 = arith.constant 1 : i32
    %scan3A_592 = scf.for %scan3A_798 = %scan3A_588 to %scan3A_590 step %scan3A_591 iter_args(%scan3A_799 = %scan3A_587) -> (i32)  : i32 {
      %mul3A_800 = arith.constant 64 : i32
      %mul3A_801 = arith.muli %scan3A_798, %mul3A_800 : i32
      %add3A_802 = arith.constant 0 : i32
      %add3A_803 = arith.addi %mul3A_801, %add3A_802 : i32
      %get3A_804 = arith.index_cast %add3A_803 : i32 to index
      %get3A_805 = tpu.vector_load %arg6[%get3A_804] {strides = array<i32>} : memref<4096xi32, #tpu.memory_space<vmem>>, vector<16xi32>,
      %ge3A = arith.constant 49920 : i32
      %ge3A_806 = vector.broadcast %ge3A : i32 to vector<16xi32>
      %ge3A_807 = arith.cmpi sge, %get3A_805, %ge3A_806 : vector<16xi32>
      %sub3A = arith.constant 49920 : i32
      %sub3A_808 = vector.broadcast %sub3A : i32 to vector<16xi32>
      %sub3A_809 = arith.subi %get3A_805, %sub3A_808 : vector<16xi32>
      %gather3A = tpu.vector_load_idx %arg8[%sub3A_809] masked %ge3A_807 : memref<50080xf32, #tpu.memory_space<vmem>>[vector<16xi32>], vector<16xf32>, vector<16xi1>
      %get3A_810 = arith.index_cast %add3A_803 : i32 to index
      %get3A_811 = tpu.vector_load %arg11[%get3A_810] {strides = array<i32>} : memref<4096xf32, #tpu.memory_space<vmem>>, vector<16xf32>,
      %select_n3A = arith.select %ge3A_807, %gather3A, %get3A_811 : vector<16xi1>, vector<16xf32>
      %swap3A_812 = arith.index_cast %add3A_803 : i32 to index
      %swap3A_813 = tpu.vector_load %arg11[%swap3A_812] {strides = array<i32>} : memref<4096xf32, #tpu.memory_space<vmem>>, vector<16xf32>,
      tpu.vector_store %arg11[%swap3A_812], %select_n3A {strides = array<i32>} : memref<4096xf32, #tpu.memory_space<vmem>>, vector<16xf32>,
      %mul3A_814 = arith.constant 64 : i32
      %mul3A_815 = arith.muli %scan3A_798, %mul3A_814 : i32
      %add3A_816 = arith.constant 16 : i32
      %add3A_817 = arith.addi %mul3A_815, %add3A_816 : i32
      %get3A_818 = arith.index_cast %add3A_817 : i32 to index
      %get3A_819 = tpu.vector_load %arg6[%get3A_818] {strides = array<i32>} : memref<4096xi32, #tpu.memory_space<vmem>>, vector<16xi32>,
      %ge3A_820 = arith.constant 49920 : i32
      %ge3A_821 = vector.broadcast %ge3A_820 : i32 to vector<16xi32>
      %ge3A_822 = arith.cmpi sge, %get3A_819, %ge3A_821 : vector<16xi32>
      %sub3A_823 = arith.constant 49920 : i32
      %sub3A_824 = vector.broadcast %sub3A_823 : i32 to vector<16xi32>
      %sub3A_825 = arith.subi %get3A_819, %sub3A_824 : vector<16xi32>
      %gather3A_826 = tpu.vector_load_idx %arg8[%sub3A_825] masked %ge3A_822 : memref<50080xf32, #tpu.memory_space<vmem>>[vector<16xi32>], vector<16xf32>, vector<16xi1>
      %get3A_827 = arith.index_cast %add3A_817 : i32 to index
      %get3A_828 = tpu.vector_load %arg11[%get3A_827] {strides = array<i32>} : memref<4096xf32, #tpu.memory_space<vmem>>, vector<16xf32>,
      %select_n3A_829 = arith.select %ge3A_822, %gather3A_826, %get3A_828 : vector<16xi1>, vector<16xf32>
      %swap3A_830 = arith.index_cast %add3A_817 : i32 to index
      %swap3A_831 = tpu.vector_load %arg11[%swap3A_830] {strides = array<i32>} : memref<4096xf32, #tpu.memory_space<vmem>>, vector<16xf32>,
      tpu.vector_store %arg11[%swap3A_830], %select_n3A_829 {strides = array<i32>} : memref<4096xf32, #tpu.memory_space<vmem>>, vector<16xf32>,
      %mul3A_832 = arith.constant 64 : i32
      %mul3A_833 = arith.muli %scan3A_798, %mul3A_832 : i32
      %add3A_834 = arith.constant 32 : i32
      %add3A_835 = arith.addi %mul3A_833, %add3A_834 : i32
      %get3A_836 = arith.index_cast %add3A_835 : i32 to index
      %get3A_837 = tpu.vector_load %arg6[%get3A_836] {strides = array<i32>} : memref<4096xi32, #tpu.memory_space<vmem>>, vector<16xi32>,
      %ge3A_838 = arith.constant 49920 : i32
      %ge3A_839 = vector.broadcast %ge3A_838 : i32 to vector<16xi32>
      %ge3A_840 = arith.cmpi sge, %get3A_837, %ge3A_839 : vector<16xi32>
      %sub3A_841 = arith.constant 49920 : i32
      %sub3A_842 = vector.broadcast %sub3A_841 : i32 to vector<16xi32>
      %sub3A_843 = arith.subi %get3A_837, %sub3A_842 : vector<16xi32>
      %gather3A_844 = tpu.vector_load_idx %arg8[%sub3A_843] masked %ge3A_840 : memref<50080xf32, #tpu.memory_space<vmem>>[vector<16xi32>], vector<16xf32>, vector<16xi1>
      %get3A_845 = arith.index_cast %add3A_835 : i32 to index
      %get3A_846 = tpu.vector_load %arg11[%get3A_845] {strides = array<i32>} : memref<4096xf32, #tpu.memory_space<vmem>>, vector<16xf32>,
      %select_n3A_847 = arith.select %ge3A_840, %gather3A_844, %get3A_846 : vector<16xi1>, vector<16xf32>
      %swap3A_848 = arith.index_cast %add3A_835 : i32 to index
      %swap3A_849 = tpu.vector_load %arg11[%swap3A_848] {strides = array<i32>} : memref<4096xf32, #tpu.memory_space<vmem>>, vector<16xf32>,
      tpu.vector_store %arg11[%swap3A_848], %select_n3A_847 {strides = array<i32>} : memref<4096xf32, #tpu.memory_space<vmem>>, vector<16xf32>,
      %mul3A_850 = arith.constant 64 : i32
      %mul3A_851 = arith.muli %scan3A_798, %mul3A_850 : i32
      %add3A_852 = arith.constant 48 : i32
      %add3A_853 = arith.addi %mul3A_851, %add3A_852 : i32
      %get3A_854 = arith.index_cast %add3A_853 : i32 to index
      %get3A_855 = tpu.vector_load %arg6[%get3A_854] {strides = array<i32>} : memref<4096xi32, #tpu.memory_space<vmem>>, vector<16xi32>,
      %ge3A_856 = arith.constant 49920 : i32
      %ge3A_857 = vector.broadcast %ge3A_856 : i32 to vector<16xi32>
      %ge3A_858 = arith.cmpi sge, %get3A_855, %ge3A_857 : vector<16xi32>
      %sub3A_859 = arith.constant 49920 : i32
      %sub3A_860 = vector.broadcast %sub3A_859 : i32 to vector<16xi32>
      %sub3A_861 = arith.subi %get3A_855, %sub3A_860 : vector<16xi32>
      %gather3A_862 = tpu.vector_load_idx %arg8[%sub3A_861] masked %ge3A_858 : memref<50080xf32, #tpu.memory_space<vmem>>[vector<16xi32>], vector<16xf32>, vector<16xi1>
      %get3A_863 = arith.index_cast %add3A_853 : i32 to index
      %get3A_864 = tpu.vector_load %arg11[%get3A_863] {strides = array<i32>} : memref<4096xf32, #tpu.memory_space<vmem>>, vector<16xf32>,
      %select_n3A_865 = arith.select %ge3A_858, %gather3A_862, %get3A_864 : vector<16xi1>, vector<16xf32>
      %swap3A_866 = arith.index_cast %add3A_853 : i32 to index
      %swap3A_867 = tpu.vector_load %arg11[%swap3A_866] {strides = array<i32>} : memref<4096xf32, #tpu.memory_space<vmem>>, vector<16xf32>,
      tpu.vector_store %arg11[%swap3A_866], %select_n3A_865 {strides = array<i32>} : memref<4096xf32, #tpu.memory_space<vmem>>, vector<16xf32>,
      %scan3A_868 = arith.constant 0 : i32
      scf.yield %scan3A_868 : i32
    }
    %scan3A_593 = arith.constant 64 : i32
    %add3A_594 = arith.constant 6 : i32
    %add3A_595 = arith.addi %mul3A_2, %add3A_594 : i32
    %dma_start3A_596 = arith.constant 0 : i32
    %dma_start3A_597 = tpu.memref_slice %arg8[%dma_start3A_596] : memref<50080xf32, #tpu.memory_space<vmem>> -> memref<50048xf32, #tpu.memory_space<vmem>>
    %dma_start3A_598 = arith.constant 0 : i32
    %dma_start3A_599 = tpu.memref_slice %arg2[%add3A_595, %dma_start3A_598] : memref<256x100000xf32, #tpu.memory_space<hbm>> -> memref<1x100000xf32, #tpu.memory_space<hbm>>
    %dma_start3A_600 = tpu.memref_squeeze %dma_start3A_599 : memref<1x100000xf32, #tpu.memory_space<hbm>> -> memref<100000xf32, #tpu.memory_space<hbm>>
    %dma_start3A_601 = arith.constant 49920 : i32
    %dma_start3A_602 = tpu.memref_slice %dma_start3A_600[%dma_start3A_601] : memref<100000xf32, #tpu.memory_space<hbm>> -> memref<50048xf32, #tpu.memory_space<hbm>>
    %dma_start3A_603 = arith.constant 0 : i32
    %dma_start3A_604 = tpu.memref_slice %arg8[%dma_start3A_603] : memref<50080xf32, #tpu.memory_space<vmem>> -> memref<50048xf32, #tpu.memory_space<vmem>>
    %dma_start3A_605 = arith.constant 0 : i32
    %dma_start3A_606 = tpu.memref_slice %arg2[%add3A_595, %dma_start3A_605] : memref<256x100000xf32, #tpu.memory_space<hbm>> -> memref<1x100000xf32, #tpu.memory_space<hbm>>
    %dma_start3A_607 = tpu.memref_squeeze %dma_start3A_606 : memref<1x100000xf32, #tpu.memory_space<hbm>> -> memref<100000xf32, #tpu.memory_space<hbm>>
    %dma_start3A_608 = arith.constant 49920 : i32
    %dma_start3A_609 = tpu.memref_slice %dma_start3A_607[%dma_start3A_608] : memref<100000xf32, #tpu.memory_space<hbm>> -> memref<50048xf32, #tpu.memory_space<hbm>>
    tpu.enqueue_dma source(%dma_start3A_609 : memref<50048xf32, #tpu.memory_space<hbm>>) target(%dma_start3A_604 : memref<50048xf32, #tpu.memory_space<vmem>>) target_semaphore(%arg13 : memref<!tpu.dma_semaphore, #tpu.memory_space<semaphore_mem>>)
    %add3A_610 = arith.constant 5 : i32
    %add3A_611 = arith.addi %mul3A_2, %add3A_610 : i32
    %dma_start3A_612 = arith.constant 0 : i32
    %dma_start3A_613 = tpu.memref_slice %arg5[%add3A_611, %dma_start3A_612] : memref<256x4096xf32, #tpu.memory_space<hbm>> -> memref<1x4096xf32, #tpu.memory_space<hbm>>
    %dma_start3A_614 = tpu.memref_squeeze %dma_start3A_613 : memref<1x4096xf32, #tpu.memory_space<hbm>> -> memref<4096xf32, #tpu.memory_space<hbm>>
    %dma_start3A_615 = arith.constant 0 : i32
    %dma_start3A_616 = tpu.memref_slice %arg5[%add3A_611, %dma_start3A_615] : memref<256x4096xf32, #tpu.memory_space<hbm>> -> memref<1x4096xf32, #tpu.memory_space<hbm>>
    %dma_start3A_617 = tpu.memref_squeeze %dma_start3A_616 : memref<1x4096xf32, #tpu.memory_space<hbm>> -> memref<4096xf32, #tpu.memory_space<hbm>>
    tpu.enqueue_dma source(%arg11 : memref<4096xf32, #tpu.memory_space<vmem>>) target(%dma_start3A_617 : memref<4096xf32, #tpu.memory_space<hbm>>) target_semaphore(%arg15 : memref<!tpu.dma_semaphore, #tpu.memory_space<semaphore_mem>>)
    %dma_wait3A_618 = arith.constant 0 : i32
    %dma_wait3A_619 = tpu.memref_slice %arg7[%dma_wait3A_618] : memref<50080xf32, #tpu.memory_space<vmem>> -> memref<49920xf32, #tpu.memory_space<vmem>>
    %dma_wait3A_620 = arith.constant 0 : i32
    %dma_wait3A_621 = tpu.memref_slice %arg2[%add3A_546, %dma_wait3A_620] : memref<256x100000xf32, #tpu.memory_space<hbm>> -> memref<1x100000xf32, #tpu.memory_space<hbm>>
    %dma_wait3A_622 = tpu.memref_squeeze %dma_wait3A_621 : memref<1x100000xf32, #tpu.memory_space<hbm>> -> memref<100000xf32, #tpu.memory_space<hbm>>
    %dma_wait3A_623 = arith.constant 0 : i32
    %dma_wait3A_624 = tpu.memref_slice %dma_wait3A_622[%dma_wait3A_623] : memref<100000xf32, #tpu.memory_space<hbm>> -> memref<49920xf32, #tpu.memory_space<hbm>>
    %dma_wait3A_625 = arith.constant 0 : i32
    %dma_wait3A_626 = tpu.memref_slice %arg7[%dma_wait3A_625] : memref<50080xf32, #tpu.memory_space<vmem>> -> memref<49920xf32, #tpu.memory_space<vmem>>
    %dma_wait3A_627 = arith.constant 0 : i32
    %dma_wait3A_628 = tpu.memref_slice %arg2[%add3A_546, %dma_wait3A_627] : memref<256x100000xf32, #tpu.memory_space<hbm>> -> memref<1x100000xf32, #tpu.memory_space<hbm>>
    %dma_wait3A_629 = tpu.memref_squeeze %dma_wait3A_628 : memref<1x100000xf32, #tpu.memory_space<hbm>> -> memref<100000xf32, #tpu.memory_space<hbm>>
    %dma_wait3A_630 = arith.constant 0 : i32
    %dma_wait3A_631 = tpu.memref_slice %dma_wait3A_629[%dma_wait3A_630] : memref<100000xf32, #tpu.memory_space<hbm>> -> memref<49920xf32, #tpu.memory_space<hbm>>
    tpu.wait_dma2 semaphore(%arg12 : memref<!tpu.dma_semaphore, #tpu.memory_space<semaphore_mem>>) src(%dma_wait3A_631 : memref<49920xf32, #tpu.memory_space<hbm>>) dst(%dma_wait3A_626 : memref<49920xf32, #tpu.memory_space<vmem>>)
    %dma_wait3A_632 = arith.constant 0 : i32
    %dma_wait3A_633 = tpu.memref_slice %arg5[%add3A_511, %dma_wait3A_632] : memref<256x4096xf32, #tpu.memory_space<hbm>> -> memref<1x4096xf32, #tpu.memory_space<hbm>>
    %dma_wait3A_634 = tpu.memref_squeeze %dma_wait3A_633 : memref<1x4096xf32, #tpu.memory_space<hbm>> -> memref<4096xf32, #tpu.memory_space<hbm>>
    %dma_wait3A_635 = arith.constant 0 : i32
    %dma_wait3A_636 = tpu.memref_slice %arg5[%add3A_511, %dma_wait3A_635] : memref<256x4096xf32, #tpu.memory_space<hbm>> -> memref<1x4096xf32, #tpu.memory_space<hbm>>
    %dma_wait3A_637 = tpu.memref_squeeze %dma_wait3A_636 : memref<1x4096xf32, #tpu.memory_space<hbm>> -> memref<4096xf32, #tpu.memory_space<hbm>>
    tpu.wait_dma2 semaphore(%arg14 : memref<!tpu.dma_semaphore, #tpu.memory_space<semaphore_mem>>) src(%arg10 : memref<4096xf32, #tpu.memory_space<vmem>>) dst(%dma_wait3A_637 : memref<4096xf32, #tpu.memory_space<hbm>>)
    %scan3A_638 = arith.constant 0 : i32
    %scan3A_639 = arith.constant 0 : i32
    %scan3A_640 = arith.constant 64 : i32
    %scan3A_641 = arith.addi %scan3A_639, %scan3A_640 : i32
    %scan3A_642 = arith.constant 1 : i32
    %scan3A_643 = scf.for %scan3A_798 = %scan3A_639 to %scan3A_641 step %scan3A_642 iter_args(%scan3A_799 = %scan3A_638) -> (i32)  : i32 {
      %mul3A_800 = arith.constant 64 : i32
      %mul3A_801 = arith.muli %scan3A_798, %mul3A_800 : i32
      %add3A_802 = arith.constant 0 : i32
      %add3A_803 = arith.addi %mul3A_801, %add3A_802 : i32
      %get3A_804 = arith.index_cast %add3A_803 : i32 to index
      %get3A_805 = tpu.vector_load %arg6[%get3A_804] {strides = array<i32>} : memref<4096xi32, #tpu.memory_space<vmem>>, vector<16xi32>,
      %lt3A = arith.constant 49920 : i32
      %lt3A_806 = vector.broadcast %lt3A : i32 to vector<16xi32>
      %lt3A_807 = arith.cmpi slt, %get3A_805, %lt3A_806 : vector<16xi32>
      %gather3A = tpu.vector_load_idx %arg7[%get3A_805] masked %lt3A_807 : memref<50080xf32, #tpu.memory_space<vmem>>[vector<16xi32>], vector<16xf32>, vector<16xi1>
      %swap3A_808 = arith.index_cast %add3A_803 : i32 to index
      %swap3A_809 = tpu.vector_load %arg10[%swap3A_808] {strides = array<i32>} : memref<4096xf32, #tpu.memory_space<vmem>>, vector<16xf32>,
      tpu.vector_store %arg10[%swap3A_808], %gather3A {strides = array<i32>} : memref<4096xf32, #tpu.memory_space<vmem>>, vector<16xf32>,
      %mul3A_810 = arith.constant 64 : i32
      %mul3A_811 = arith.muli %scan3A_798, %mul3A_810 : i32
      %add3A_812 = arith.constant 16 : i32
      %add3A_813 = arith.addi %mul3A_811, %add3A_812 : i32
      %get3A_814 = arith.index_cast %add3A_813 : i32 to index
      %get3A_815 = tpu.vector_load %arg6[%get3A_814] {strides = array<i32>} : memref<4096xi32, #tpu.memory_space<vmem>>, vector<16xi32>,
      %lt3A_816 = arith.constant 49920 : i32
      %lt3A_817 = vector.broadcast %lt3A_816 : i32 to vector<16xi32>
      %lt3A_818 = arith.cmpi slt, %get3A_815, %lt3A_817 : vector<16xi32>
      %gather3A_819 = tpu.vector_load_idx %arg7[%get3A_815] masked %lt3A_818 : memref<50080xf32, #tpu.memory_space<vmem>>[vector<16xi32>], vector<16xf32>, vector<16xi1>
      %swap3A_820 = arith.index_cast %add3A_813 : i32 to index
      %swap3A_821 = tpu.vector_load %arg10[%swap3A_820] {strides = array<i32>} : memref<4096xf32, #tpu.memory_space<vmem>>, vector<16xf32>,
      tpu.vector_store %arg10[%swap3A_820], %gather3A_819 {strides = array<i32>} : memref<4096xf32, #tpu.memory_space<vmem>>, vector<16xf32>,
      %mul3A_822 = arith.constant 64 : i32
      %mul3A_823 = arith.muli %scan3A_798, %mul3A_822 : i32
      %add3A_824 = arith.constant 32 : i32
      %add3A_825 = arith.addi %mul3A_823, %add3A_824 : i32
      %get3A_826 = arith.index_cast %add3A_825 : i32 to index
      %get3A_827 = tpu.vector_load %arg6[%get3A_826] {strides = array<i32>} : memref<4096xi32, #tpu.memory_space<vmem>>, vector<16xi32>,
      %lt3A_828 = arith.constant 49920 : i32
      %lt3A_829 = vector.broadcast %lt3A_828 : i32 to vector<16xi32>
      %lt3A_830 = arith.cmpi slt, %get3A_827, %lt3A_829 : vector<16xi32>
      %gather3A_831 = tpu.vector_load_idx %arg7[%get3A_827] masked %lt3A_830 : memref<50080xf32, #tpu.memory_space<vmem>>[vector<16xi32>], vector<16xf32>, vector<16xi1>
      %swap3A_832 = arith.index_cast %add3A_825 : i32 to index
      %swap3A_833 = tpu.vector_load %arg10[%swap3A_832] {strides = array<i32>} : memref<4096xf32, #tpu.memory_space<vmem>>, vector<16xf32>,
      tpu.vector_store %arg10[%swap3A_832], %gather3A_831 {strides = array<i32>} : memref<4096xf32, #tpu.memory_space<vmem>>, vector<16xf32>,
      %mul3A_834 = arith.constant 64 : i32
      %mul3A_835 = arith.muli %scan3A_798, %mul3A_834 : i32
      %add3A_836 = arith.constant 48 : i32
      %add3A_837 = arith.addi %mul3A_835, %add3A_836 : i32
      %get3A_838 = arith.index_cast %add3A_837 : i32 to index
      %get3A_839 = tpu.vector_load %arg6[%get3A_838] {strides = array<i32>} : memref<4096xi32, #tpu.memory_space<vmem>>, vector<16xi32>,
      %lt3A_840 = arith.constant 49920 : i32
      %lt3A_841 = vector.broadcast %lt3A_840 : i32 to vector<16xi32>
      %lt3A_842 = arith.cmpi slt, %get3A_839, %lt3A_841 : vector<16xi32>
      %gather3A_843 = tpu.vector_load_idx %arg7[%get3A_839] masked %lt3A_842 : memref<50080xf32, #tpu.memory_space<vmem>>[vector<16xi32>], vector<16xf32>, vector<16xi1>
      %swap3A_844 = arith.index_cast %add3A_837 : i32 to index
      %swap3A_845 = tpu.vector_load %arg10[%swap3A_844] {strides = array<i32>} : memref<4096xf32, #tpu.memory_space<vmem>>, vector<16xf32>,
      tpu.vector_store %arg10[%swap3A_844], %gather3A_843 {strides = array<i32>} : memref<4096xf32, #tpu.memory_space<vmem>>, vector<16xf32>,
      %scan3A_846 = arith.constant 0 : i32
      scf.yield %scan3A_846 : i32
    }
    %scan3A_644 = arith.constant 64 : i32
    %add3A_645 = arith.constant 7 : i32
    %add3A_646 = arith.addi %mul3A_2, %add3A_645 : i32
    %dma_start3A_647 = arith.constant 0 : i32
    %dma_start3A_648 = tpu.memref_slice %arg7[%dma_start3A_647] : memref<50080xf32, #tpu.memory_space<vmem>> -> memref<49920xf32, #tpu.memory_space<vmem>>
    %dma_start3A_649 = arith.constant 0 : i32
    %dma_start3A_650 = tpu.memref_slice %arg2[%add3A_646, %dma_start3A_649] : memref<256x100000xf32, #tpu.memory_space<hbm>> -> memref<1x100000xf32, #tpu.memory_space<hbm>>
    %dma_start3A_651 = tpu.memref_squeeze %dma_start3A_650 : memref<1x100000xf32, #tpu.memory_space<hbm>> -> memref<100000xf32, #tpu.memory_space<hbm>>
    %dma_start3A_652 = arith.constant 0 : i32
    %dma_start3A_653 = tpu.memref_slice %dma_start3A_651[%dma_start3A_652] : memref<100000xf32, #tpu.memory_space<hbm>> -> memref<49920xf32, #tpu.memory_space<hbm>>
    %dma_start3A_654 = arith.constant 0 : i32
    %dma_start3A_655 = tpu.memref_slice %arg7[%dma_start3A_654] : memref<50080xf32, #tpu.memory_space<vmem>> -> memref<49920xf32, #tpu.memory_space<vmem>>
    %dma_start3A_656 = arith.constant 0 : i32
    %dma_start3A_657 = tpu.memref_slice %arg2[%add3A_646, %dma_start3A_656] : memref<256x100000xf32, #tpu.memory_space<hbm>> -> memref<1x100000xf32, #tpu.memory_space<hbm>>
    %dma_start3A_658 = tpu.memref_squeeze %dma_start3A_657 : memref<1x100000xf32, #tpu.memory_space<hbm>> -> memref<100000xf32, #tpu.memory_space<hbm>>
    %dma_start3A_659 = arith.constant 0 : i32
    %dma_start3A_660 = tpu.memref_slice %dma_start3A_658[%dma_start3A_659] : memref<100000xf32, #tpu.memory_space<hbm>> -> memref<49920xf32, #tpu.memory_space<hbm>>
    tpu.enqueue_dma source(%dma_start3A_660 : memref<49920xf32, #tpu.memory_space<hbm>>) target(%dma_start3A_655 : memref<49920xf32, #tpu.memory_space<vmem>>) target_semaphore(%arg12 : memref<!tpu.dma_semaphore, #tpu.memory_space<semaphore_mem>>)
    %dma_wait3A_661 = arith.constant 0 : i32
    %dma_wait3A_662 = tpu.memref_slice %arg8[%dma_wait3A_661] : memref<50080xf32, #tpu.memory_space<vmem>> -> memref<50048xf32, #tpu.memory_space<vmem>>
    %dma_wait3A_663 = arith.constant 0 : i32
    %dma_wait3A_664 = tpu.memref_slice %arg2[%add3A_595, %dma_wait3A_663] : memref<256x100000xf32, #tpu.memory_space<hbm>> -> memref<1x100000xf32, #tpu.memory_space<hbm>>
    %dma_wait3A_665 = tpu.memref_squeeze %dma_wait3A_664 : memref<1x100000xf32, #tpu.memory_space<hbm>> -> memref<100000xf32, #tpu.memory_space<hbm>>
    %dma_wait3A_666 = arith.constant 49920 : i32
    %dma_wait3A_667 = tpu.memref_slice %dma_wait3A_665[%dma_wait3A_666] : memref<100000xf32, #tpu.memory_space<hbm>> -> memref<50048xf32, #tpu.memory_space<hbm>>
    %dma_wait3A_668 = arith.constant 0 : i32
    %dma_wait3A_669 = tpu.memref_slice %arg8[%dma_wait3A_668] : memref<50080xf32, #tpu.memory_space<vmem>> -> memref<50048xf32, #tpu.memory_space<vmem>>
    %dma_wait3A_670 = arith.constant 0 : i32
    %dma_wait3A_671 = tpu.memref_slice %arg2[%add3A_595, %dma_wait3A_670] : memref<256x100000xf32, #tpu.memory_space<hbm>> -> memref<1x100000xf32, #tpu.memory_space<hbm>>
    %dma_wait3A_672 = tpu.memref_squeeze %dma_wait3A_671 : memref<1x100000xf32, #tpu.memory_space<hbm>> -> memref<100000xf32, #tpu.memory_space<hbm>>
    %dma_wait3A_673 = arith.constant 49920 : i32
    %dma_wait3A_674 = tpu.memref_slice %dma_wait3A_672[%dma_wait3A_673] : memref<100000xf32, #tpu.memory_space<hbm>> -> memref<50048xf32, #tpu.memory_space<hbm>>
    tpu.wait_dma2 semaphore(%arg13 : memref<!tpu.dma_semaphore, #tpu.memory_space<semaphore_mem>>) src(%dma_wait3A_674 : memref<50048xf32, #tpu.memory_space<hbm>>) dst(%dma_wait3A_669 : memref<50048xf32, #tpu.memory_space<vmem>>)
    %get3A_675 = arith.constant 6 : i32
    %get3A_676 = arith.index_cast %get3A_675 : i32 to index
    %get3A_677 = arith.constant 0 : index
    %get3A_678 = tpu.vector_load %arg9[%get3A_676, %get3A_677] {strides = array<i32>} : memref<8x32xf32, #tpu.memory_space<vmem>>, vector<16xf32>,
    %swap3A_679 = arith.constant 50048 : index
    %swap3A_680 = tpu.vector_load %arg8[%swap3A_679] {strides = array<i32>} : memref<50080xf32, #tpu.memory_space<vmem>>, vector<16xf32>,
    tpu.vector_store %arg8[%swap3A_679], %get3A_678 {strides = array<i32>} : memref<50080xf32, #tpu.memory_space<vmem>>, vector<16xf32>,
    %get3A_681 = arith.constant 6 : i32
    %get3A_682 = arith.index_cast %get3A_681 : i32 to index
    %get3A_683 = arith.constant 16 : index
    %get3A_684 = tpu.vector_load %arg9[%get3A_682, %get3A_683] {strides = array<i32>} : memref<8x32xf32, #tpu.memory_space<vmem>>, vector<16xf32>,
    %swap3A_685 = arith.constant 50064 : index
    %swap3A_686 = tpu.vector_load %arg8[%swap3A_685] {strides = array<i32>} : memref<50080xf32, #tpu.memory_space<vmem>>, vector<16xf32>,
    tpu.vector_store %arg8[%swap3A_685], %get3A_684 {strides = array<i32>} : memref<50080xf32, #tpu.memory_space<vmem>>, vector<16xf32>,
    %scan3A_687 = arith.constant 0 : i32
    %scan3A_688 = arith.constant 0 : i32
    %scan3A_689 = arith.constant 64 : i32
    %scan3A_690 = arith.addi %scan3A_688, %scan3A_689 : i32
    %scan3A_691 = arith.constant 1 : i32
    %scan3A_692 = scf.for %scan3A_798 = %scan3A_688 to %scan3A_690 step %scan3A_691 iter_args(%scan3A_799 = %scan3A_687) -> (i32)  : i32 {
      %mul3A_800 = arith.constant 64 : i32
      %mul3A_801 = arith.muli %scan3A_798, %mul3A_800 : i32
      %add3A_802 = arith.constant 0 : i32
      %add3A_803 = arith.addi %mul3A_801, %add3A_802 : i32
      %get3A_804 = arith.index_cast %add3A_803 : i32 to index
      %get3A_805 = tpu.vector_load %arg6[%get3A_804] {strides = array<i32>} : memref<4096xi32, #tpu.memory_space<vmem>>, vector<16xi32>,
      %ge3A = arith.constant 49920 : i32
      %ge3A_806 = vector.broadcast %ge3A : i32 to vector<16xi32>
      %ge3A_807 = arith.cmpi sge, %get3A_805, %ge3A_806 : vector<16xi32>
      %sub3A = arith.constant 49920 : i32
      %sub3A_808 = vector.broadcast %sub3A : i32 to vector<16xi32>
      %sub3A_809 = arith.subi %get3A_805, %sub3A_808 : vector<16xi32>
      %gather3A = tpu.vector_load_idx %arg8[%sub3A_809] masked %ge3A_807 : memref<50080xf32, #tpu.memory_space<vmem>>[vector<16xi32>], vector<16xf32>, vector<16xi1>
      %get3A_810 = arith.index_cast %add3A_803 : i32 to index
      %get3A_811 = tpu.vector_load %arg10[%get3A_810] {strides = array<i32>} : memref<4096xf32, #tpu.memory_space<vmem>>, vector<16xf32>,
      %select_n3A = arith.select %ge3A_807, %gather3A, %get3A_811 : vector<16xi1>, vector<16xf32>
      %swap3A_812 = arith.index_cast %add3A_803 : i32 to index
      %swap3A_813 = tpu.vector_load %arg10[%swap3A_812] {strides = array<i32>} : memref<4096xf32, #tpu.memory_space<vmem>>, vector<16xf32>,
      tpu.vector_store %arg10[%swap3A_812], %select_n3A {strides = array<i32>} : memref<4096xf32, #tpu.memory_space<vmem>>, vector<16xf32>,
      %mul3A_814 = arith.constant 64 : i32
      %mul3A_815 = arith.muli %scan3A_798, %mul3A_814 : i32
      %add3A_816 = arith.constant 16 : i32
      %add3A_817 = arith.addi %mul3A_815, %add3A_816 : i32
      %get3A_818 = arith.index_cast %add3A_817 : i32 to index
      %get3A_819 = tpu.vector_load %arg6[%get3A_818] {strides = array<i32>} : memref<4096xi32, #tpu.memory_space<vmem>>, vector<16xi32>,
      %ge3A_820 = arith.constant 49920 : i32
      %ge3A_821 = vector.broadcast %ge3A_820 : i32 to vector<16xi32>
      %ge3A_822 = arith.cmpi sge, %get3A_819, %ge3A_821 : vector<16xi32>
      %sub3A_823 = arith.constant 49920 : i32
      %sub3A_824 = vector.broadcast %sub3A_823 : i32 to vector<16xi32>
      %sub3A_825 = arith.subi %get3A_819, %sub3A_824 : vector<16xi32>
      %gather3A_826 = tpu.vector_load_idx %arg8[%sub3A_825] masked %ge3A_822 : memref<50080xf32, #tpu.memory_space<vmem>>[vector<16xi32>], vector<16xf32>, vector<16xi1>
      %get3A_827 = arith.index_cast %add3A_817 : i32 to index
      %get3A_828 = tpu.vector_load %arg10[%get3A_827] {strides = array<i32>} : memref<4096xf32, #tpu.memory_space<vmem>>, vector<16xf32>,
      %select_n3A_829 = arith.select %ge3A_822, %gather3A_826, %get3A_828 : vector<16xi1>, vector<16xf32>
      %swap3A_830 = arith.index_cast %add3A_817 : i32 to index
      %swap3A_831 = tpu.vector_load %arg10[%swap3A_830] {strides = array<i32>} : memref<4096xf32, #tpu.memory_space<vmem>>, vector<16xf32>,
      tpu.vector_store %arg10[%swap3A_830], %select_n3A_829 {strides = array<i32>} : memref<4096xf32, #tpu.memory_space<vmem>>, vector<16xf32>,
      %mul3A_832 = arith.constant 64 : i32
      %mul3A_833 = arith.muli %scan3A_798, %mul3A_832 : i32
      %add3A_834 = arith.constant 32 : i32
      %add3A_835 = arith.addi %mul3A_833, %add3A_834 : i32
      %get3A_836 = arith.index_cast %add3A_835 : i32 to index
      %get3A_837 = tpu.vector_load %arg6[%get3A_836] {strides = array<i32>} : memref<4096xi32, #tpu.memory_space<vmem>>, vector<16xi32>,
      %ge3A_838 = arith.constant 49920 : i32
      %ge3A_839 = vector.broadcast %ge3A_838 : i32 to vector<16xi32>
      %ge3A_840 = arith.cmpi sge, %get3A_837, %ge3A_839 : vector<16xi32>
      %sub3A_841 = arith.constant 49920 : i32
      %sub3A_842 = vector.broadcast %sub3A_841 : i32 to vector<16xi32>
      %sub3A_843 = arith.subi %get3A_837, %sub3A_842 : vector<16xi32>
      %gather3A_844 = tpu.vector_load_idx %arg8[%sub3A_843] masked %ge3A_840 : memref<50080xf32, #tpu.memory_space<vmem>>[vector<16xi32>], vector<16xf32>, vector<16xi1>
      %get3A_845 = arith.index_cast %add3A_835 : i32 to index
      %get3A_846 = tpu.vector_load %arg10[%get3A_845] {strides = array<i32>} : memref<4096xf32, #tpu.memory_space<vmem>>, vector<16xf32>,
      %select_n3A_847 = arith.select %ge3A_840, %gather3A_844, %get3A_846 : vector<16xi1>, vector<16xf32>
      %swap3A_848 = arith.index_cast %add3A_835 : i32 to index
      %swap3A_849 = tpu.vector_load %arg10[%swap3A_848] {strides = array<i32>} : memref<4096xf32, #tpu.memory_space<vmem>>, vector<16xf32>,
      tpu.vector_store %arg10[%swap3A_848], %select_n3A_847 {strides = array<i32>} : memref<4096xf32, #tpu.memory_space<vmem>>, vector<16xf32>,
      %mul3A_850 = arith.constant 64 : i32
      %mul3A_851 = arith.muli %scan3A_798, %mul3A_850 : i32
      %add3A_852 = arith.constant 48 : i32
      %add3A_853 = arith.addi %mul3A_851, %add3A_852 : i32
      %get3A_854 = arith.index_cast %add3A_853 : i32 to index
      %get3A_855 = tpu.vector_load %arg6[%get3A_854] {strides = array<i32>} : memref<4096xi32, #tpu.memory_space<vmem>>, vector<16xi32>,
      %ge3A_856 = arith.constant 49920 : i32
      %ge3A_857 = vector.broadcast %ge3A_856 : i32 to vector<16xi32>
      %ge3A_858 = arith.cmpi sge, %get3A_855, %ge3A_857 : vector<16xi32>
      %sub3A_859 = arith.constant 49920 : i32
      %sub3A_860 = vector.broadcast %sub3A_859 : i32 to vector<16xi32>
      %sub3A_861 = arith.subi %get3A_855, %sub3A_860 : vector<16xi32>
      %gather3A_862 = tpu.vector_load_idx %arg8[%sub3A_861] masked %ge3A_858 : memref<50080xf32, #tpu.memory_space<vmem>>[vector<16xi32>], vector<16xf32>, vector<16xi1>
      %get3A_863 = arith.index_cast %add3A_853 : i32 to index
      %get3A_864 = tpu.vector_load %arg10[%get3A_863] {strides = array<i32>} : memref<4096xf32, #tpu.memory_space<vmem>>, vector<16xf32>,
      %select_n3A_865 = arith.select %ge3A_858, %gather3A_862, %get3A_864 : vector<16xi1>, vector<16xf32>
      %swap3A_866 = arith.index_cast %add3A_853 : i32 to index
      %swap3A_867 = tpu.vector_load %arg10[%swap3A_866] {strides = array<i32>} : memref<4096xf32, #tpu.memory_space<vmem>>, vector<16xf32>,
      tpu.vector_store %arg10[%swap3A_866], %select_n3A_865 {strides = array<i32>} : memref<4096xf32, #tpu.memory_space<vmem>>, vector<16xf32>,
      %scan3A_868 = arith.constant 0 : i32
      scf.yield %scan3A_868 : i32
    }
    %scan3A_693 = arith.constant 64 : i32
    %add3A_694 = arith.constant 7 : i32
    %add3A_695 = arith.addi %mul3A_2, %add3A_694 : i32
    %dma_start3A_696 = arith.constant 0 : i32
    %dma_start3A_697 = tpu.memref_slice %arg8[%dma_start3A_696] : memref<50080xf32, #tpu.memory_space<vmem>> -> memref<50048xf32, #tpu.memory_space<vmem>>
    %dma_start3A_698 = arith.constant 0 : i32
    %dma_start3A_699 = tpu.memref_slice %arg2[%add3A_695, %dma_start3A_698] : memref<256x100000xf32, #tpu.memory_space<hbm>> -> memref<1x100000xf32, #tpu.memory_space<hbm>>
    %dma_start3A_700 = tpu.memref_squeeze %dma_start3A_699 : memref<1x100000xf32, #tpu.memory_space<hbm>> -> memref<100000xf32, #tpu.memory_space<hbm>>
    %dma_start3A_701 = arith.constant 49920 : i32
    %dma_start3A_702 = tpu.memref_slice %dma_start3A_700[%dma_start3A_701] : memref<100000xf32, #tpu.memory_space<hbm>> -> memref<50048xf32, #tpu.memory_space<hbm>>
    %dma_start3A_703 = arith.constant 0 : i32
    %dma_start3A_704 = tpu.memref_slice %arg8[%dma_start3A_703] : memref<50080xf32, #tpu.memory_space<vmem>> -> memref<50048xf32, #tpu.memory_space<vmem>>
    %dma_start3A_705 = arith.constant 0 : i32
    %dma_start3A_706 = tpu.memref_slice %arg2[%add3A_695, %dma_start3A_705] : memref<256x100000xf32, #tpu.memory_space<hbm>> -> memref<1x100000xf32, #tpu.memory_space<hbm>>
    %dma_start3A_707 = tpu.memref_squeeze %dma_start3A_706 : memref<1x100000xf32, #tpu.memory_space<hbm>> -> memref<100000xf32, #tpu.memory_space<hbm>>
    %dma_start3A_708 = arith.constant 49920 : i32
    %dma_start3A_709 = tpu.memref_slice %dma_start3A_707[%dma_start3A_708] : memref<100000xf32, #tpu.memory_space<hbm>> -> memref<50048xf32, #tpu.memory_space<hbm>>
    tpu.enqueue_dma source(%dma_start3A_709 : memref<50048xf32, #tpu.memory_space<hbm>>) target(%dma_start3A_704 : memref<50048xf32, #tpu.memory_space<vmem>>) target_semaphore(%arg13 : memref<!tpu.dma_semaphore, #tpu.memory_space<semaphore_mem>>)
    %add3A_710 = arith.constant 6 : i32
    %add3A_711 = arith.addi %mul3A_2, %add3A_710 : i32
    %dma_start3A_712 = arith.constant 0 : i32
    %dma_start3A_713 = tpu.memref_slice %arg5[%add3A_711, %dma_start3A_712] : memref<256x4096xf32, #tpu.memory_space<hbm>> -> memref<1x4096xf32, #tpu.memory_space<hbm>>
    %dma_start3A_714 = tpu.memref_squeeze %dma_start3A_713 : memref<1x4096xf32, #tpu.memory_space<hbm>> -> memref<4096xf32, #tpu.memory_space<hbm>>
    %dma_start3A_715 = arith.constant 0 : i32
    %dma_start3A_716 = tpu.memref_slice %arg5[%add3A_711, %dma_start3A_715] : memref<256x4096xf32, #tpu.memory_space<hbm>> -> memref<1x4096xf32, #tpu.memory_space<hbm>>
    %dma_start3A_717 = tpu.memref_squeeze %dma_start3A_716 : memref<1x4096xf32, #tpu.memory_space<hbm>> -> memref<4096xf32, #tpu.memory_space<hbm>>
    tpu.enqueue_dma source(%arg10 : memref<4096xf32, #tpu.memory_space<vmem>>) target(%dma_start3A_717 : memref<4096xf32, #tpu.memory_space<hbm>>) target_semaphore(%arg14 : memref<!tpu.dma_semaphore, #tpu.memory_space<semaphore_mem>>)
    %dma_wait3A_718 = arith.constant 0 : i32
    %dma_wait3A_719 = tpu.memref_slice %arg7[%dma_wait3A_718] : memref<50080xf32, #tpu.memory_space<vmem>> -> memref<49920xf32, #tpu.memory_space<vmem>>
    %dma_wait3A_720 = arith.constant 0 : i32
    %dma_wait3A_721 = tpu.memref_slice %arg2[%add3A_646, %dma_wait3A_720] : memref<256x100000xf32, #tpu.memory_space<hbm>> -> memref<1x100000xf32, #tpu.memory_space<hbm>>
    %dma_wait3A_722 = tpu.memref_squeeze %dma_wait3A_721 : memref<1x100000xf32, #tpu.memory_space<hbm>> -> memref<100000xf32, #tpu.memory_space<hbm>>
    %dma_wait3A_723 = arith.constant 0 : i32
    %dma_wait3A_724 = tpu.memref_slice %dma_wait3A_722[%dma_wait3A_723] : memref<100000xf32, #tpu.memory_space<hbm>> -> memref<49920xf32, #tpu.memory_space<hbm>>
    %dma_wait3A_725 = arith.constant 0 : i32
    %dma_wait3A_726 = tpu.memref_slice %arg7[%dma_wait3A_725] : memref<50080xf32, #tpu.memory_space<vmem>> -> memref<49920xf32, #tpu.memory_space<vmem>>
    %dma_wait3A_727 = arith.constant 0 : i32
    %dma_wait3A_728 = tpu.memref_slice %arg2[%add3A_646, %dma_wait3A_727] : memref<256x100000xf32, #tpu.memory_space<hbm>> -> memref<1x100000xf32, #tpu.memory_space<hbm>>
    %dma_wait3A_729 = tpu.memref_squeeze %dma_wait3A_728 : memref<1x100000xf32, #tpu.memory_space<hbm>> -> memref<100000xf32, #tpu.memory_space<hbm>>
    %dma_wait3A_730 = arith.constant 0 : i32
    %dma_wait3A_731 = tpu.memref_slice %dma_wait3A_729[%dma_wait3A_730] : memref<100000xf32, #tpu.memory_space<hbm>> -> memref<49920xf32, #tpu.memory_space<hbm>>
    tpu.wait_dma2 semaphore(%arg12 : memref<!tpu.dma_semaphore, #tpu.memory_space<semaphore_mem>>) src(%dma_wait3A_731 : memref<49920xf32, #tpu.memory_space<hbm>>) dst(%dma_wait3A_726 : memref<49920xf32, #tpu.memory_space<vmem>>)
    %dma_wait3A_732 = arith.constant 0 : i32
    %dma_wait3A_733 = tpu.memref_slice %arg5[%add3A_611, %dma_wait3A_732] : memref<256x4096xf32, #tpu.memory_space<hbm>> -> memref<1x4096xf32, #tpu.memory_space<hbm>>
    %dma_wait3A_734 = tpu.memref_squeeze %dma_wait3A_733 : memref<1x4096xf32, #tpu.memory_space<hbm>> -> memref<4096xf32, #tpu.memory_space<hbm>>
    %dma_wait3A_735 = arith.constant 0 : i32
    %dma_wait3A_736 = tpu.memref_slice %arg5[%add3A_611, %dma_wait3A_735] : memref<256x4096xf32, #tpu.memory_space<hbm>> -> memref<1x4096xf32, #tpu.memory_space<hbm>>
    %dma_wait3A_737 = tpu.memref_squeeze %dma_wait3A_736 : memref<1x4096xf32, #tpu.memory_space<hbm>> -> memref<4096xf32, #tpu.memory_space<hbm>>
    tpu.wait_dma2 semaphore(%arg15 : memref<!tpu.dma_semaphore, #tpu.memory_space<semaphore_mem>>) src(%arg11 : memref<4096xf32, #tpu.memory_space<vmem>>) dst(%dma_wait3A_737 : memref<4096xf32, #tpu.memory_space<hbm>>)
    %scan3A_738 = arith.constant 0 : i32
    %scan3A_739 = arith.constant 0 : i32
    %scan3A_740 = arith.constant 64 : i32
    %scan3A_741 = arith.addi %scan3A_739, %scan3A_740 : i32
    %scan3A_742 = arith.constant 1 : i32
    %scan3A_743 = scf.for %scan3A_798 = %scan3A_739 to %scan3A_741 step %scan3A_742 iter_args(%scan3A_799 = %scan3A_738) -> (i32)  : i32 {
      %mul3A_800 = arith.constant 64 : i32
      %mul3A_801 = arith.muli %scan3A_798, %mul3A_800 : i32
      %add3A_802 = arith.constant 0 : i32
      %add3A_803 = arith.addi %mul3A_801, %add3A_802 : i32
      %get3A_804 = arith.index_cast %add3A_803 : i32 to index
      %get3A_805 = tpu.vector_load %arg6[%get3A_804] {strides = array<i32>} : memref<4096xi32, #tpu.memory_space<vmem>>, vector<16xi32>,
      %lt3A = arith.constant 49920 : i32
      %lt3A_806 = vector.broadcast %lt3A : i32 to vector<16xi32>
      %lt3A_807 = arith.cmpi slt, %get3A_805, %lt3A_806 : vector<16xi32>
      %gather3A = tpu.vector_load_idx %arg7[%get3A_805] masked %lt3A_807 : memref<50080xf32, #tpu.memory_space<vmem>>[vector<16xi32>], vector<16xf32>, vector<16xi1>
      %swap3A_808 = arith.index_cast %add3A_803 : i32 to index
      %swap3A_809 = tpu.vector_load %arg11[%swap3A_808] {strides = array<i32>} : memref<4096xf32, #tpu.memory_space<vmem>>, vector<16xf32>,
      tpu.vector_store %arg11[%swap3A_808], %gather3A {strides = array<i32>} : memref<4096xf32, #tpu.memory_space<vmem>>, vector<16xf32>,
      %mul3A_810 = arith.constant 64 : i32
      %mul3A_811 = arith.muli %scan3A_798, %mul3A_810 : i32
      %add3A_812 = arith.constant 16 : i32
      %add3A_813 = arith.addi %mul3A_811, %add3A_812 : i32
      %get3A_814 = arith.index_cast %add3A_813 : i32 to index
      %get3A_815 = tpu.vector_load %arg6[%get3A_814] {strides = array<i32>} : memref<4096xi32, #tpu.memory_space<vmem>>, vector<16xi32>,
      %lt3A_816 = arith.constant 49920 : i32
      %lt3A_817 = vector.broadcast %lt3A_816 : i32 to vector<16xi32>
      %lt3A_818 = arith.cmpi slt, %get3A_815, %lt3A_817 : vector<16xi32>
      %gather3A_819 = tpu.vector_load_idx %arg7[%get3A_815] masked %lt3A_818 : memref<50080xf32, #tpu.memory_space<vmem>>[vector<16xi32>], vector<16xf32>, vector<16xi1>
      %swap3A_820 = arith.index_cast %add3A_813 : i32 to index
      %swap3A_821 = tpu.vector_load %arg11[%swap3A_820] {strides = array<i32>} : memref<4096xf32, #tpu.memory_space<vmem>>, vector<16xf32>,
      tpu.vector_store %arg11[%swap3A_820], %gather3A_819 {strides = array<i32>} : memref<4096xf32, #tpu.memory_space<vmem>>, vector<16xf32>,
      %mul3A_822 = arith.constant 64 : i32
      %mul3A_823 = arith.muli %scan3A_798, %mul3A_822 : i32
      %add3A_824 = arith.constant 32 : i32
      %add3A_825 = arith.addi %mul3A_823, %add3A_824 : i32
      %get3A_826 = arith.index_cast %add3A_825 : i32 to index
      %get3A_827 = tpu.vector_load %arg6[%get3A_826] {strides = array<i32>} : memref<4096xi32, #tpu.memory_space<vmem>>, vector<16xi32>,
      %lt3A_828 = arith.constant 49920 : i32
      %lt3A_829 = vector.broadcast %lt3A_828 : i32 to vector<16xi32>
      %lt3A_830 = arith.cmpi slt, %get3A_827, %lt3A_829 : vector<16xi32>
      %gather3A_831 = tpu.vector_load_idx %arg7[%get3A_827] masked %lt3A_830 : memref<50080xf32, #tpu.memory_space<vmem>>[vector<16xi32>], vector<16xf32>, vector<16xi1>
      %swap3A_832 = arith.index_cast %add3A_825 : i32 to index
      %swap3A_833 = tpu.vector_load %arg11[%swap3A_832] {strides = array<i32>} : memref<4096xf32, #tpu.memory_space<vmem>>, vector<16xf32>,
      tpu.vector_store %arg11[%swap3A_832], %gather3A_831 {strides = array<i32>} : memref<4096xf32, #tpu.memory_space<vmem>>, vector<16xf32>,
      %mul3A_834 = arith.constant 64 : i32
      %mul3A_835 = arith.muli %scan3A_798, %mul3A_834 : i32
      %add3A_836 = arith.constant 48 : i32
      %add3A_837 = arith.addi %mul3A_835, %add3A_836 : i32
      %get3A_838 = arith.index_cast %add3A_837 : i32 to index
      %get3A_839 = tpu.vector_load %arg6[%get3A_838] {strides = array<i32>} : memref<4096xi32, #tpu.memory_space<vmem>>, vector<16xi32>,
      %lt3A_840 = arith.constant 49920 : i32
      %lt3A_841 = vector.broadcast %lt3A_840 : i32 to vector<16xi32>
      %lt3A_842 = arith.cmpi slt, %get3A_839, %lt3A_841 : vector<16xi32>
      %gather3A_843 = tpu.vector_load_idx %arg7[%get3A_839] masked %lt3A_842 : memref<50080xf32, #tpu.memory_space<vmem>>[vector<16xi32>], vector<16xf32>, vector<16xi1>
      %swap3A_844 = arith.index_cast %add3A_837 : i32 to index
      %swap3A_845 = tpu.vector_load %arg11[%swap3A_844] {strides = array<i32>} : memref<4096xf32, #tpu.memory_space<vmem>>, vector<16xf32>,
      tpu.vector_store %arg11[%swap3A_844], %gather3A_843 {strides = array<i32>} : memref<4096xf32, #tpu.memory_space<vmem>>, vector<16xf32>,
      %scan3A_846 = arith.constant 0 : i32
      scf.yield %scan3A_846 : i32
    }
    %scan3A_744 = arith.constant 64 : i32
    %dma_wait3A_745 = arith.constant 0 : i32
    %dma_wait3A_746 = tpu.memref_slice %arg8[%dma_wait3A_745] : memref<50080xf32, #tpu.memory_space<vmem>> -> memref<50048xf32, #tpu.memory_space<vmem>>
    %dma_wait3A_747 = arith.constant 0 : i32
    %dma_wait3A_748 = tpu.memref_slice %arg2[%add3A_695, %dma_wait3A_747] : memref<256x100000xf32, #tpu.memory_space<hbm>> -> memref<1x100000xf32, #tpu.memory_space<hbm>>
    %dma_wait3A_749 = tpu.memref_squeeze %dma_wait3A_748 : memref<1x100000xf32, #tpu.memory_space<hbm>> -> memref<100000xf32, #tpu.memory_space<hbm>>
    %dma_wait3A_750 = arith.constant 49920 : i32
    %dma_wait3A_751 = tpu.memref_slice %dma_wait3A_749[%dma_wait3A_750] : memref<100000xf32, #tpu.memory_space<hbm>> -> memref<50048xf32, #tpu.memory_space<hbm>>
    %dma_wait3A_752 = arith.constant 0 : i32
    %dma_wait3A_753 = tpu.memref_slice %arg8[%dma_wait3A_752] : memref<50080xf32, #tpu.memory_space<vmem>> -> memref<50048xf32, #tpu.memory_space<vmem>>
    %dma_wait3A_754 = arith.constant 0 : i32
    %dma_wait3A_755 = tpu.memref_slice %arg2[%add3A_695, %dma_wait3A_754] : memref<256x100000xf32, #tpu.memory_space<hbm>> -> memref<1x100000xf32, #tpu.memory_space<hbm>>
    %dma_wait3A_756 = tpu.memref_squeeze %dma_wait3A_755 : memref<1x100000xf32, #tpu.memory_space<hbm>> -> memref<100000xf32, #tpu.memory_space<hbm>>
    %dma_wait3A_757 = arith.constant 49920 : i32
    %dma_wait3A_758 = tpu.memref_slice %dma_wait3A_756[%dma_wait3A_757] : memref<100000xf32, #tpu.memory_space<hbm>> -> memref<50048xf32, #tpu.memory_space<hbm>>
    tpu.wait_dma2 semaphore(%arg13 : memref<!tpu.dma_semaphore, #tpu.memory_space<semaphore_mem>>) src(%dma_wait3A_758 : memref<50048xf32, #tpu.memory_space<hbm>>) dst(%dma_wait3A_753 : memref<50048xf32, #tpu.memory_space<vmem>>)
    %get3A_759 = arith.constant 7 : i32
    %get3A_760 = arith.index_cast %get3A_759 : i32 to index
    %get3A_761 = arith.constant 0 : index
    %get3A_762 = tpu.vector_load %arg9[%get3A_760, %get3A_761] {strides = array<i32>} : memref<8x32xf32, #tpu.memory_space<vmem>>, vector<16xf32>,
    %swap3A_763 = arith.constant 50048 : index
    %swap3A_764 = tpu.vector_load %arg8[%swap3A_763] {strides = array<i32>} : memref<50080xf32, #tpu.memory_space<vmem>>, vector<16xf32>,
    tpu.vector_store %arg8[%swap3A_763], %get3A_762 {strides = array<i32>} : memref<50080xf32, #tpu.memory_space<vmem>>, vector<16xf32>,
    %get3A_765 = arith.constant 7 : i32
    %get3A_766 = arith.index_cast %get3A_765 : i32 to index
    %get3A_767 = arith.constant 16 : index
    %get3A_768 = tpu.vector_load %arg9[%get3A_766, %get3A_767] {strides = array<i32>} : memref<8x32xf32, #tpu.memory_space<vmem>>, vector<16xf32>,
    %swap3A_769 = arith.constant 50064 : index
    %swap3A_770 = tpu.vector_load %arg8[%swap3A_769] {strides = array<i32>} : memref<50080xf32, #tpu.memory_space<vmem>>, vector<16xf32>,
    tpu.vector_store %arg8[%swap3A_769], %get3A_768 {strides = array<i32>} : memref<50080xf32, #tpu.memory_space<vmem>>, vector<16xf32>,
    %scan3A_771 = arith.constant 0 : i32
    %scan3A_772 = arith.constant 0 : i32
    %scan3A_773 = arith.constant 64 : i32
    %scan3A_774 = arith.addi %scan3A_772, %scan3A_773 : i32
    %scan3A_775 = arith.constant 1 : i32
    %scan3A_776 = scf.for %scan3A_798 = %scan3A_772 to %scan3A_774 step %scan3A_775 iter_args(%scan3A_799 = %scan3A_771) -> (i32)  : i32 {
      %mul3A_800 = arith.constant 64 : i32
      %mul3A_801 = arith.muli %scan3A_798, %mul3A_800 : i32
      %add3A_802 = arith.constant 0 : i32
      %add3A_803 = arith.addi %mul3A_801, %add3A_802 : i32
      %get3A_804 = arith.index_cast %add3A_803 : i32 to index
      %get3A_805 = tpu.vector_load %arg6[%get3A_804] {strides = array<i32>} : memref<4096xi32, #tpu.memory_space<vmem>>, vector<16xi32>,
      %ge3A = arith.constant 49920 : i32
      %ge3A_806 = vector.broadcast %ge3A : i32 to vector<16xi32>
      %ge3A_807 = arith.cmpi sge, %get3A_805, %ge3A_806 : vector<16xi32>
      %sub3A = arith.constant 49920 : i32
      %sub3A_808 = vector.broadcast %sub3A : i32 to vector<16xi32>
      %sub3A_809 = arith.subi %get3A_805, %sub3A_808 : vector<16xi32>
      %gather3A = tpu.vector_load_idx %arg8[%sub3A_809] masked %ge3A_807 : memref<50080xf32, #tpu.memory_space<vmem>>[vector<16xi32>], vector<16xf32>, vector<16xi1>
      %get3A_810 = arith.index_cast %add3A_803 : i32 to index
      %get3A_811 = tpu.vector_load %arg11[%get3A_810] {strides = array<i32>} : memref<4096xf32, #tpu.memory_space<vmem>>, vector<16xf32>,
      %select_n3A = arith.select %ge3A_807, %gather3A, %get3A_811 : vector<16xi1>, vector<16xf32>
      %swap3A_812 = arith.index_cast %add3A_803 : i32 to index
      %swap3A_813 = tpu.vector_load %arg11[%swap3A_812] {strides = array<i32>} : memref<4096xf32, #tpu.memory_space<vmem>>, vector<16xf32>,
      tpu.vector_store %arg11[%swap3A_812], %select_n3A {strides = array<i32>} : memref<4096xf32, #tpu.memory_space<vmem>>, vector<16xf32>,
      %mul3A_814 = arith.constant 64 : i32
      %mul3A_815 = arith.muli %scan3A_798, %mul3A_814 : i32
      %add3A_816 = arith.constant 16 : i32
      %add3A_817 = arith.addi %mul3A_815, %add3A_816 : i32
      %get3A_818 = arith.index_cast %add3A_817 : i32 to index
      %get3A_819 = tpu.vector_load %arg6[%get3A_818] {strides = array<i32>} : memref<4096xi32, #tpu.memory_space<vmem>>, vector<16xi32>,
      %ge3A_820 = arith.constant 49920 : i32
      %ge3A_821 = vector.broadcast %ge3A_820 : i32 to vector<16xi32>
      %ge3A_822 = arith.cmpi sge, %get3A_819, %ge3A_821 : vector<16xi32>
      %sub3A_823 = arith.constant 49920 : i32
      %sub3A_824 = vector.broadcast %sub3A_823 : i32 to vector<16xi32>
      %sub3A_825 = arith.subi %get3A_819, %sub3A_824 : vector<16xi32>
      %gather3A_826 = tpu.vector_load_idx %arg8[%sub3A_825] masked %ge3A_822 : memref<50080xf32, #tpu.memory_space<vmem>>[vector<16xi32>], vector<16xf32>, vector<16xi1>
      %get3A_827 = arith.index_cast %add3A_817 : i32 to index
      %get3A_828 = tpu.vector_load %arg11[%get3A_827] {strides = array<i32>} : memref<4096xf32, #tpu.memory_space<vmem>>, vector<16xf32>,
      %select_n3A_829 = arith.select %ge3A_822, %gather3A_826, %get3A_828 : vector<16xi1>, vector<16xf32>
      %swap3A_830 = arith.index_cast %add3A_817 : i32 to index
      %swap3A_831 = tpu.vector_load %arg11[%swap3A_830] {strides = array<i32>} : memref<4096xf32, #tpu.memory_space<vmem>>, vector<16xf32>,
      tpu.vector_store %arg11[%swap3A_830], %select_n3A_829 {strides = array<i32>} : memref<4096xf32, #tpu.memory_space<vmem>>, vector<16xf32>,
      %mul3A_832 = arith.constant 64 : i32
      %mul3A_833 = arith.muli %scan3A_798, %mul3A_832 : i32
      %add3A_834 = arith.constant 32 : i32
      %add3A_835 = arith.addi %mul3A_833, %add3A_834 : i32
      %get3A_836 = arith.index_cast %add3A_835 : i32 to index
      %get3A_837 = tpu.vector_load %arg6[%get3A_836] {strides = array<i32>} : memref<4096xi32, #tpu.memory_space<vmem>>, vector<16xi32>,
      %ge3A_838 = arith.constant 49920 : i32
      %ge3A_839 = vector.broadcast %ge3A_838 : i32 to vector<16xi32>
      %ge3A_840 = arith.cmpi sge, %get3A_837, %ge3A_839 : vector<16xi32>
      %sub3A_841 = arith.constant 49920 : i32
      %sub3A_842 = vector.broadcast %sub3A_841 : i32 to vector<16xi32>
      %sub3A_843 = arith.subi %get3A_837, %sub3A_842 : vector<16xi32>
      %gather3A_844 = tpu.vector_load_idx %arg8[%sub3A_843] masked %ge3A_840 : memref<50080xf32, #tpu.memory_space<vmem>>[vector<16xi32>], vector<16xf32>, vector<16xi1>
      %get3A_845 = arith.index_cast %add3A_835 : i32 to index
      %get3A_846 = tpu.vector_load %arg11[%get3A_845] {strides = array<i32>} : memref<4096xf32, #tpu.memory_space<vmem>>, vector<16xf32>,
      %select_n3A_847 = arith.select %ge3A_840, %gather3A_844, %get3A_846 : vector<16xi1>, vector<16xf32>
      %swap3A_848 = arith.index_cast %add3A_835 : i32 to index
      %swap3A_849 = tpu.vector_load %arg11[%swap3A_848] {strides = array<i32>} : memref<4096xf32, #tpu.memory_space<vmem>>, vector<16xf32>,
      tpu.vector_store %arg11[%swap3A_848], %select_n3A_847 {strides = array<i32>} : memref<4096xf32, #tpu.memory_space<vmem>>, vector<16xf32>,
      %mul3A_850 = arith.constant 64 : i32
      %mul3A_851 = arith.muli %scan3A_798, %mul3A_850 : i32
      %add3A_852 = arith.constant 48 : i32
      %add3A_853 = arith.addi %mul3A_851, %add3A_852 : i32
      %get3A_854 = arith.index_cast %add3A_853 : i32 to index
      %get3A_855 = tpu.vector_load %arg6[%get3A_854] {strides = array<i32>} : memref<4096xi32, #tpu.memory_space<vmem>>, vector<16xi32>,
      %ge3A_856 = arith.constant 49920 : i32
      %ge3A_857 = vector.broadcast %ge3A_856 : i32 to vector<16xi32>
      %ge3A_858 = arith.cmpi sge, %get3A_855, %ge3A_857 : vector<16xi32>
      %sub3A_859 = arith.constant 49920 : i32
      %sub3A_860 = vector.broadcast %sub3A_859 : i32 to vector<16xi32>
      %sub3A_861 = arith.subi %get3A_855, %sub3A_860 : vector<16xi32>
      %gather3A_862 = tpu.vector_load_idx %arg8[%sub3A_861] masked %ge3A_858 : memref<50080xf32, #tpu.memory_space<vmem>>[vector<16xi32>], vector<16xf32>, vector<16xi1>
      %get3A_863 = arith.index_cast %add3A_853 : i32 to index
      %get3A_864 = tpu.vector_load %arg11[%get3A_863] {strides = array<i32>} : memref<4096xf32, #tpu.memory_space<vmem>>, vector<16xf32>,
      %select_n3A_865 = arith.select %ge3A_858, %gather3A_862, %get3A_864 : vector<16xi1>, vector<16xf32>
      %swap3A_866 = arith.index_cast %add3A_853 : i32 to index
      %swap3A_867 = tpu.vector_load %arg11[%swap3A_866] {strides = array<i32>} : memref<4096xf32, #tpu.memory_space<vmem>>, vector<16xf32>,
      tpu.vector_store %arg11[%swap3A_866], %select_n3A_865 {strides = array<i32>} : memref<4096xf32, #tpu.memory_space<vmem>>, vector<16xf32>,
      %scan3A_868 = arith.constant 0 : i32
      scf.yield %scan3A_868 : i32
    }
    %scan3A_777 = arith.constant 64 : i32
    %add3A_778 = arith.constant 7 : i32
    %add3A_779 = arith.addi %mul3A_2, %add3A_778 : i32
    %dma_start3A_780 = arith.constant 0 : i32
    %dma_start3A_781 = tpu.memref_slice %arg5[%add3A_779, %dma_start3A_780] : memref<256x4096xf32, #tpu.memory_space<hbm>> -> memref<1x4096xf32, #tpu.memory_space<hbm>>
    %dma_start3A_782 = tpu.memref_squeeze %dma_start3A_781 : memref<1x4096xf32, #tpu.memory_space<hbm>> -> memref<4096xf32, #tpu.memory_space<hbm>>
    %dma_start3A_783 = arith.constant 0 : i32
    %dma_start3A_784 = tpu.memref_slice %arg5[%add3A_779, %dma_start3A_783] : memref<256x4096xf32, #tpu.memory_space<hbm>> -> memref<1x4096xf32, #tpu.memory_space<hbm>>
    %dma_start3A_785 = tpu.memref_squeeze %dma_start3A_784 : memref<1x4096xf32, #tpu.memory_space<hbm>> -> memref<4096xf32, #tpu.memory_space<hbm>>
    tpu.enqueue_dma source(%arg11 : memref<4096xf32, #tpu.memory_space<vmem>>) target(%dma_start3A_785 : memref<4096xf32, #tpu.memory_space<hbm>>) target_semaphore(%arg15 : memref<!tpu.dma_semaphore, #tpu.memory_space<semaphore_mem>>)
    %dma_wait3A_786 = arith.constant 0 : i32
    %dma_wait3A_787 = tpu.memref_slice %arg5[%add3A_711, %dma_wait3A_786] : memref<256x4096xf32, #tpu.memory_space<hbm>> -> memref<1x4096xf32, #tpu.memory_space<hbm>>
    %dma_wait3A_788 = tpu.memref_squeeze %dma_wait3A_787 : memref<1x4096xf32, #tpu.memory_space<hbm>> -> memref<4096xf32, #tpu.memory_space<hbm>>
    %dma_wait3A_789 = arith.constant 0 : i32
    %dma_wait3A_790 = tpu.memref_slice %arg5[%add3A_711, %dma_wait3A_789] : memref<256x4096xf32, #tpu.memory_space<hbm>> -> memref<1x4096xf32, #tpu.memory_space<hbm>>
    %dma_wait3A_791 = tpu.memref_squeeze %dma_wait3A_790 : memref<1x4096xf32, #tpu.memory_space<hbm>> -> memref<4096xf32, #tpu.memory_space<hbm>>
    tpu.wait_dma2 semaphore(%arg14 : memref<!tpu.dma_semaphore, #tpu.memory_space<semaphore_mem>>) src(%arg10 : memref<4096xf32, #tpu.memory_space<vmem>>) dst(%dma_wait3A_791 : memref<4096xf32, #tpu.memory_space<hbm>>)
    %dma_wait3A_792 = arith.constant 0 : i32
    %dma_wait3A_793 = tpu.memref_slice %arg5[%add3A_779, %dma_wait3A_792] : memref<256x4096xf32, #tpu.memory_space<hbm>> -> memref<1x4096xf32, #tpu.memory_space<hbm>>
    %dma_wait3A_794 = tpu.memref_squeeze %dma_wait3A_793 : memref<1x4096xf32, #tpu.memory_space<hbm>> -> memref<4096xf32, #tpu.memory_space<hbm>>
    %dma_wait3A_795 = arith.constant 0 : i32
    %dma_wait3A_796 = tpu.memref_slice %arg5[%add3A_779, %dma_wait3A_795] : memref<256x4096xf32, #tpu.memory_space<hbm>> -> memref<1x4096xf32, #tpu.memory_space<hbm>>
    %dma_wait3A_797 = tpu.memref_squeeze %dma_wait3A_796 : memref<1x4096xf32, #tpu.memory_space<hbm>> -> memref<4096xf32, #tpu.memory_space<hbm>>
    tpu.wait_dma2 semaphore(%arg15 : memref<!tpu.dma_semaphore, #tpu.memory_space<semaphore_mem>>) src(%arg11 : memref<4096xf32, #tpu.memory_space<vmem>>) dst(%dma_wait3A_797 : memref<4096xf32, #tpu.memory_space<hbm>>)
    return
  }
}

module attributes {stable_mosaic.version = 14 : i64} {
  func.func @body(%arg0: i32, %arg1: memref<2x16x4096xf32, #tpu.memory_space<vmem>>, %arg2: memref<2x16x16x4096xf32, #tpu.memory_space<vmem>>) attributes {dimension_semantics = [#tpu.dimension_semantics<arbitrary>], iteration_bounds = array<i64: 8>, scalar_prefetch = 0 : i64, scratch_operands = 0 : i64, tpu.core_type = #tpu.core_type<tc>, window_params = [{transform_indices = @transform_0, window_bounds = array<i64: 2, 16, 4096>}, {transform_indices = @transform_1, window_bounds = array<i64: 2, 16, 16, 4096>}]} {
    %get3A = arith.constant 0 : index
    %get3A_0 = arith.constant 0 : index
    %get3A_1 = arith.constant 0 : index
    %get3A_2 = vector.load %arg1[%get3A, %get3A_0, %get3A_1] : memref<2x16x4096xf32, #tpu.memory_space<vmem>>, vector<1x16x4096xf32>
    %get3A_3 = vector.shape_cast %get3A_2 : vector<1x16x4096xf32> to vector<16x4096xf32>
    %broadcast_in_dim3A = vector.shape_cast %get3A_3 : vector<16x4096xf32> to vector<16x1x4096xf32>
    %broadcast_in_dim3A_4 = vector.shape_cast %get3A_3 : vector<16x4096xf32> to vector<1x16x4096xf32>
    %add3A = vector.broadcast %broadcast_in_dim3A : vector<16x1x4096xf32> to vector<16x16x4096xf32>
    %add3A_5 = vector.broadcast %broadcast_in_dim3A_4 : vector<1x16x4096xf32> to vector<16x16x4096xf32>
    %add3A_6 = arith.addf %add3A, %add3A_5 : vector<16x16x4096xf32>
    %swap3A = arith.constant 0 : index
    %swap3A_7 = arith.constant 0 : index
    %swap3A_8 = arith.constant 0 : index
    %swap3A_9 = arith.constant 0 : index
    %swap3A_10 = vector.load %arg2[%swap3A, %swap3A_7, %swap3A_8, %swap3A_9] : memref<2x16x16x4096xf32, #tpu.memory_space<vmem>>, vector<1x16x16x4096xf32>
    %swap3A_11 = vector.shape_cast %swap3A_10 : vector<1x16x16x4096xf32> to vector<16x16x4096xf32>
    %swap3A_12 = vector.shape_cast %add3A_6 : vector<16x16x4096xf32> to vector<1x16x16x4096xf32>
    tpu.vector_store %arg2[%swap3A, %swap3A_7, %swap3A_8, %swap3A_9], %swap3A_12 {strides = array<i32>} : memref<2x16x16x4096xf32, #tpu.memory_space<vmem>>, vector<1x16x16x4096xf32>,
    %get3A_13 = arith.constant 1 : index
    %get3A_14 = arith.constant 0 : index
    %get3A_15 = arith.constant 0 : index
    %get3A_16 = vector.load %arg1[%get3A_13, %get3A_14, %get3A_15] : memref<2x16x4096xf32, #tpu.memory_space<vmem>>, vector<1x16x4096xf32>
    %get3A_17 = vector.shape_cast %get3A_16 : vector<1x16x4096xf32> to vector<16x4096xf32>
    %broadcast_in_dim3A_18 = vector.shape_cast %get3A_17 : vector<16x4096xf32> to vector<16x1x4096xf32>
    %broadcast_in_dim3A_19 = vector.shape_cast %get3A_17 : vector<16x4096xf32> to vector<1x16x4096xf32>
    %add3A_20 = vector.broadcast %broadcast_in_dim3A_18 : vector<16x1x4096xf32> to vector<16x16x4096xf32>
    %add3A_21 = vector.broadcast %broadcast_in_dim3A_19 : vector<1x16x4096xf32> to vector<16x16x4096xf32>
    %add3A_22 = arith.addf %add3A_20, %add3A_21 : vector<16x16x4096xf32>
    %swap3A_23 = arith.constant 1 : index
    %swap3A_24 = arith.constant 0 : index
    %swap3A_25 = arith.constant 0 : index
    %swap3A_26 = arith.constant 0 : index
    %swap3A_27 = vector.load %arg2[%swap3A_23, %swap3A_24, %swap3A_25, %swap3A_26] : memref<2x16x16x4096xf32, #tpu.memory_space<vmem>>, vector<1x16x16x4096xf32>
    %swap3A_28 = vector.shape_cast %swap3A_27 : vector<1x16x16x4096xf32> to vector<16x16x4096xf32>
    %swap3A_29 = vector.shape_cast %add3A_22 : vector<16x16x4096xf32> to vector<1x16x16x4096xf32>
    tpu.vector_store %arg2[%swap3A_23, %swap3A_24, %swap3A_25, %swap3A_26], %swap3A_29 {strides = array<i32>} : memref<2x16x16x4096xf32, #tpu.memory_space<vmem>>, vector<1x16x16x4096xf32>,
    return
  }
  func.func @transform_0(%arg0: i32) -> (i32, i32, i32) {
    %c0_i32 = arith.constant 0 : i32
    %c0_i32_0 = arith.constant 0 : i32
    %c0_i32_1 = arith.constant 0 : i32
    return %arg0, %c0_i32, %c0_i32_0 : i32, i32, i32
  }
  func.func @transform_1(%arg0: i32) -> (i32, i32, i32, i32) {
    %c0_i32 = arith.constant 0 : i32
    %c0_i32_0 = arith.constant 0 : i32
    %c0_i32_1 = arith.constant 0 : i32
    %c0_i32_2 = arith.constant 0 : i32
    return %arg0, %c0_i32, %c0_i32_0, %c0_i32_1 : i32, i32, i32, i32
  }
}

</mosaic_0001>

<sc_bundles>
// kernel: kernel.4.cloned.1.call-start
scs
__scs_entry_jumppad:
0x0: {  	(pc) =	sbr.rel $0x88, $3  }
0x1: {  	(tag) =	ssettag $0x0;
	lr =	simm.s32 $0x1  }
0x2: {  	[smem:$0x3F9F] =	sst lr;
	_ =	strace $0xD0000000  }
0x3: {  	_ = 	snop  }
0x4: {  	_ = 	snop  }
0x5: {  	_ = 	snop  }
0x6: {  	_ = 	snop  }
0x7: {  	_ = 	snop  }
__scs_overlays_trampoline_lowered:
0x8: {  	[smem:$0x3FAE] =	sst s0  }
0x9: {  	[smem:$0x3FAF] =	sst s1  }
0xa: {  	[smem:$0x3FB0] =	sst s2  }
0xb: {  	[smem:$0x3FB1] =	sst s3  }
0xc: {  	[smem:$0x3FB2] =	sst s4  }
0xd: {  	[smem:$0x3FB3] =	sst s5  }
0xe: {  	[smem:$0x3FB4] =	sst s6  }
0xf: {  	[smem:$0x3FB5] =	sst s7  }
0x10: {  	[smem:$0x3FB6] =	sst s8  }
0x11: {  	[smem:$0x3FB7] =	sst s9;
	s0 =	simm.s32 @!p0 $0x0  }
0x12: {  	s1 =	sld [smem:$0x3F9D];
	s0 =	simm.s32 @p0 $0x1  }
0x13: {  	[smem:$0x3FB8] =	sst s0;
	s0 =	simm.s32 @!p1 $0x0  }
0x14: {  	s2 =	sld [smem:$0x3F9C];
	s0 =	simm.s32 @p1 $0x1  }
0x15: {  	[smem:$0x3FB9] =	sst s0;
	s0 =	simm.s32 @!p2 $0x0  }
0x16: {  	s3 =	sld [smem:$0x3FDB];
	s0 =	simm.s32 @p2 $0x1  }
0x17: {  	s4 =	simm.s32 $0x1BF5;
	[smem:$0x3FBB] =	sst s0  }
0x18: {  	s0 =	sld [smem:$0x3F9E];
	_ =	swait.ge [sflag:s4], $0x0  }
0x19: {  	s7 =	sld [smem:$0x3F9F]  }
0x1a: {  	s8 =	sadd.s32 $0xFFFFE003, lr  }
0x1b: {  	s9 =	sadd.s32 $0xFFFFFEF7, lr;
	s5 =	simm.s32 $0xFFFFFFFF;
	p2 =	slt.u32 s8, $0xFFFFF086  }
0x1c: {  	p1 =	slt.u32 s9, $0xF7A;
	s5 =	simm.s32 @!p2 $0x0  }
0x1d: {  	s5 =	simm.s32 @p1 $0x1;
	p0 =	seq.s32 s7, s2  }
0x1e: {  	s7 =	smul.u32 @!p0 $0xF7A, s2;
	p2 =	seq.s32 @!p0 s5, $0x0  }
0x1f: {  	s9 =	smul.u32 $0xF7A, s1;
	s8 =	simm.s32 @!p0 $0x1BF5;
	p2 =	por !p2, p0  }
0x20: {  	[sflag:s8] =	ssyncset.s32 @!p0 $0xFFFFF086;
	s6 =	sadd.s32 @!p0 s3, s7;
	s7 =	simm.s32 @!p0 $0x108  }
0x21: {  	s3 =	sadd.s32 s3, s9;
	s6 =	sadd.s32 @!p0 $0x88, s6;
	s7 =	simm.s32 @p2 $0x1082  }
0x22: {  	[simem:s7], [sflag:s8] =	dma.local @!p0 [hbm:s6], $0xF7A  }
0x23: {  	s9 =	sor.u32 $0xD0000000, s2;
	s6 =	simm.s32 $0x108;
	_ =	swait.ge @!p0 [sflag:s8], $0x0  }
0x24: {  	s3 =	sadd.s32 $0x88, s3;
	s6 =	simm.s32 @!p1 $0x1082;
	[sflag:s4] =	ssyncset.s32 $0xFFFFF086  }
0x25: {  	[simem:s6], [sflag:s4] =	dma.local [hbm:s3], $0xF7A  }
0x26: {  	[smem:$0x3F9F] =	sst s1;
	(tag) =	ssettag s2;
	_ =	strace s9  }
0x27: {  	s1 =	sld [smem:$0x3FAF]  }
0x28: {  	s2 =	sld [smem:$0x3FB0]  }
0x29: {  	s4 =	sld [smem:$0x3FB2]  }
0x2a: {  	p0 =	seq.s32 s5, $0x0;
	s5 =	sld [smem:$0x3FB3]  }
0x2b: {  	s6 =	sld [smem:$0x3FB4]  }
0x2c: {  	s7 =	sld [smem:$0x3FB5]  }
0x2d: {  	s3 =	simm.s32 $0x108;
	s8 =	sld [smem:$0x3FB6]  }
0x2e: {  	s3 =	simm.s32 @!p0 $0x1082;
	s9 =	sld [smem:$0x3FB7]  }
0x2f: {  	lr =	sadd.s32 s0, s3;
	s0 =	sld [smem:$0x3FAE]  }
0x30: {  	s3 =	sld [smem:$0x3FB1]  }
0x31: {  	[smem:$0x3FBA] =	sst s10  }
0x32: {  	s10 =	sld [smem:$0x3FB8];
	_ =	sdelay $0x3  }
0x33: {  	p0 =	seq.s32 s10, $0x1;
	s10 =	sld [smem:$0x3FBA];
	_ =	sdelay $0x3  }
0x34: {  	[smem:$0x3FBA] =	sst s10  }
0x35: {  	s10 =	sld [smem:$0x3FB9];
	_ =	sdelay $0x3  }
0x36: {  	p1 =	seq.s32 s10, $0x1;
	s10 =	sld [smem:$0x3FBA];
	_ =	sdelay $0x3  }
0x37: {  	[smem:$0x3FBA] =	sst s10  }
0x38: {  	s10 =	sld [smem:$0x3FBB]  }
0x39: {  	_ = 	snop;
	(pc) =	sbr.ind lr, $3  }
0x3a: {  	_ = 	snop  }
0x3b: {  	_ = 	snop  }
0x3c: {  	p2 =	seq.s32 s10, $0x1;
	s10 =	sld [smem:$0x3FBA]  }
0x3d: {  	_ =	shalt  }
0x3e: {  	_ =	shalt  }
0x3f: {  	_ =	shalt  }
0x40: {  	_ =	shalt  }
0x41: {  	_ =	shalt  }
0x42: {  	_ =	shalt  }
0x43: {  	_ =	shalt  }
0x44: {  	_ =	shalt  }
0x45: {  	_ =	shalt  }
0x46: {  	_ =	shalt  }
0x47: {  	_ =	shalt  }
0x48: {  	_ =	shalt  }
0x49: {  	_ =	shalt  }
0x4a: {  	_ =	shalt  }
0x4b: {  	_ =	shalt  }
0x4c: {  	_ =	shalt  }
0x4d: {  	_ =	shalt  }
0x4e: {  	_ =	shalt  }
0x4f: {  	_ =	shalt  }
0x50: {  	_ =	shalt  }
0x51: {  	_ =	shalt  }
0x52: {  	_ =	shalt  }
0x53: {  	_ =	shalt  }
0x54: {  	_ =	shalt  }
0x55: {  	_ =	shalt  }
0x56: {  	_ =	shalt  }
0x57: {  	_ =	shalt  }
0x58: {  	_ =	shalt  }
0x59: {  	_ =	shalt  }
0x5a: {  	_ =	shalt  }
0x5b: {  	_ =	shalt  }
0x5c: {  	_ =	shalt  }
0x5d: {  	_ =	shalt  }
0x5e: {  	_ =	shalt  }
0x5f: {  	_ =	shalt  }
0x60: {  	_ =	shalt  }
0x61: {  	_ =	shalt  }
0x62: {  	_ =	shalt  }
0x63: {  	_ =	shalt  }
0x64: {  	_ =	shalt  }
0x65: {  	_ =	shalt  }
0x66: {  	_ =	shalt  }
0x67: {  	_ =	shalt  }
0x68: {  	_ =	shalt  }
0x69: {  	_ =	shalt  }
0x6a: {  	_ =	shalt  }
0x6b: {  	_ =	shalt  }
0x6c: {  	_ =	shalt  }
0x6d: {  	_ =	shalt  }
0x6e: {  	_ =	shalt  }
0x6f: {  	_ =	shalt  }
0x70: {  	_ =	shalt  }
0x71: {  	_ =	shalt  }
0x72: {  	_ =	shalt  }
0x73: {  	_ =	shalt  }
0x74: {  	_ =	shalt  }
0x75: {  	_ =	shalt  }
0x76: {  	_ =	shalt  }
0x77: {  	_ =	shalt  }
0x78: {  	_ =	shalt  }
0x79: {  	_ =	shalt  }
0x7a: {  	_ =	shalt  }
0x7b: {  	_ =	shalt  }
0x7c: {  	_ =	shalt  }
0x7d: {  	_ =	shalt  }
0x7e: {  	_ =	shalt  }
0x7f: {  	_ =	shalt  }
0x80: {  	_ =	shalt  }
0x81: {  	_ =	shalt  }
0x82: {  	_ =	shalt  }
0x83: {  	_ =	shalt  }
0x84: {  	_ =	shalt  }
0x85: {  	_ =	shalt  }
0x86: {  	_ =	shalt  }
0x87: {  	_ =	shalt  }
.Lfunc_end0:
.L_simem_size_0:
called_computation_lowered:
.L_overlay_start_0:
0x88: {  	s2 =	sld [smem:$0x3FD9]  }
0x89: {  	s3 =	sld [smem:$0x3FFE];
	_ =	sdelay $0x1  }
0x8a: {  	s1 =	srdreg.scid  }
0x8b: {  	s0 =	sand.u32 $0x1, s1  }
0x8c: {  	s17 =	sshll.u32 s0, $0xA;
	s2 =	sadd.s32 s3, s2  }
0x8d: {  	s2 =	sadd.s32 s2, s17  }
0x8e: {  	[smem:$0x3FC6] =	sst s2  }
0x8f: {  	_ = 	snop  }
0x90: {  	s2 =	sld [smem:$0x3FC9]  }
0x91: {  	s18 =	sld [smem:$0x3FC8]  }
0x92: {  	s4 =	sld [smem:$0x3FD0];
	(tm) =	ssettm $0x1  }
0x93: {  	s5 =	sld [smem:$0x3FFB];
	_ =	sdelay $0x3  }
0x94: {  	_ =	strace s5  }
0x95: {  	s5 =	sld [smem:$0x3FFC];
	_ =	sdelay $0x3  }
0x96: {  	_ =	strace s5  }
0x97: {  	s5 =	sld [smem:$0x3FFD];
	_ =	sdelay $0x3  }
0x98: {  	_ =	strace s5  }
0x99: {  	_ =	strace $0x8FFFFFFF  }
0x9a: {  	s19 =	sld [smem:$0x3FDB];
	_ =	sdelay $0x1  }
0x9b: {  	s6 =	simm.s32 $_scs_section_size  }
0x9c: {  	s7 =	simm.s32 $_size__tile_overlayer_lowered;
	s8 =	simm.s32 $_tile_overlayer_lowered  }
0x9d: {  	s22 =	simm.s32 $0x1BFF;
	s21 =	sshll.u32 s8, $0x1;
	s5 =	sadd.s32 s6, s19  }
0x9e: {  	s9 =	simm.s32 $0x0;
	s20 =	sshll.u32 s7, $0x1;
	s7 =	sadd.s32 s21, s5  }
0x9f: {  	[timem:s9], [sflag:s22] =	dma.local [hbm:s7], s20  }
0xa0: {  	_ =	swait.ge [sflag:s22], s20  }
0xa1: {  	s6 =	ssub.s32 $0x0, s20;
	[sflag:s22] =	ssyncset.done $0x0  }
0xa2: {  	[sflag:s22] =	ssyncadd.s32 s6;
	_ =	sdelay $0x1  }
0xa3: {  	s23 =	simm.s32 $0x1B8B  }
0xa4: {  	_ =	swait.ge [sflag:s23], $0x1  }
0xa5: {  	[sflag:s23] =	ssyncset.done $0x0  }
0xa6: {  	s25 =	simm.s32 $0x1B8E;
	s24 =	sld [smem:$0x3FFE];
	[sflag:s23] =	ssyncadd.s32 $0xFFFFFFFF  }
0xa7: {  	s26 =	simm.s32 $execute0_lowered;
	[smem:$0x3FD2] =	sst s25  }
0xa8: {  	s7 =	sshll.u32 s26, $0x1;
	_ =	strace $0x80000046;
	[dreg:$0x1] =	wrdreg $0xFFFFFFFF  }
0xa9: {  	s28 =	simm.s32 $_size_execute0_lowered;
	s5 =	sadd.s32 s5, s7;
	[dreg:$0x0] =	wrdreg $0x0  }
0xaa: {  	s7 =	sshll.u32 s28, $0x1;
	[dreg:$0x2] =	wrdreg s5  }
0xab: {  	[dreg:$0x3] =	wrdreg s7  }
0xac: {  	[dreg:$0x4] =	wrdreg $0xC0  }
0xad: {  	_ =	task [dreg:s9], $0x5FFFF  }
0xae: {  	[dreg:$0x1] =	wrdreg $0xFFFFFFFF  }
0xaf: {  	[dreg:$0x0] =	wrdreg $0x60  }
0xb0: {  	[dreg:$0x2] =	wrdreg s2  }
0xb1: {  	[dreg:$0x3] =	wrdreg s24  }
0xb2: {  	[dreg:$0x4] =	wrdreg s18  }
0xb3: {  	[dreg:$0x5] =	wrdreg s4  }
0xb4: {  	[dreg:$0x6] =	wrdreg $0x9  }
0xb5: {  	_ =	task.clear_ibuf [dreg:s9], $0x7FFFF;
	_ =	strace $0x90000046  }
0xb6: {  	s29 =	simm.s32 $0x9;
	_ =	strace $0x80000048  }
0xb7: {  	_ =	swait.ge [sflag:s29], $0x1  }
0xb8: {  	[sflag:s29] =	ssyncadd.s32 $0xFFFFFFFF  }
0xb9: {  	_ =	strace $0x90000048  }
0xba: {  	_ =	sfence  }
0xbb: {  	s30 =	sld [smem:$0x0];
	_ =	sdelay $0x2  }
0xbc: {  	s31 =	sshll.u32 s1, $0xD;
	s1 =	sshrl.u32 s1, $0x2  }
0xbd: {  	s3 =	sand.u32 $0x4000, s31;
	s1 =	sadd.s32 s1, s30  }
0xbe: {  	s0 =	sor.u32 s3, s0;
	s1 =	sshll.u32 s1, $0x11  }
0xbf: {  	s0 =	sor.u32 s1, s0  }
0xc0: {  	s0 =	sadd.s32 $0x8F2B, s0  }
0xc1: {  	[sflag:s0] =	ssyncadd.remote.s32 $0x1  }
0xc2: {  	_ =	sfence.sel $0xFFFF  }
0xc3: {  	[dreg:$0x0] =	wrdreg $0xFFFFFFFF;
	(pc) =	sbr.abs _section_cstart, $3  }
0xc4: {  	[dreg:$0x1] =	wrdreg $0xFFFFFFFF  }
0xc5: {  	_ =	task.clear_ibuf [dreg:s9], $0x2FFFF;
	_ =	strace $0x9FFFFFFF  }
0xc6: {  	(tm) =	ssettm $0x7FFFFFFF  }
0xc7: {  	_ =	shalt  }
tec
execute0_lowered:
.L_overlay_start_1:
0x0: {  	(tag) =	ssettag $0x1  }
0x1: {  	s0 =	rddreg [dreg:$0x0]  }
0x2: {  	s1 =	srdreg.scid;
	s2 =	rddreg [dreg:$0x1]  }
0x3: {  	s4 =	stileid.u32;
	s5 =	rddreg [dreg:$0x3];
	s6 =	simm.s32 $0x0  }
0x4: {  	s28 =	simm.s32 $0x5;
	s30 =	simm.s32 $0x1;
	s31 =	simm.s32 $0x2  }
0x5: {  	s29 =	simm.s32 $0x4;
	s1 =	sand.u32 $0x1, s1;
	s4 =	sshll.u32 s4, $0x3  }
0x6: {  	[smem:$0x7FF] =	sst s6;
	s3 =	sshll.u32 s1, $0x7;
	s1 =	ssub.s32 $0x2, s1  }
0x7: {  	_ =	strace $0x80000047;
	s3 =	sor.u32 s4, s3;
	s23 =	sshrl.u32 s1, $0x1  }
0x8: {  	s4 =	sshrl.u32 s3, $0x3;
	s22 =	sshll.u32 s3, $0x4;
	s24 =	ssub.s32 s1, s23  }
0x9: {  	s26 =	sshll.u32 s3, $0x9;
	s23 =	simm.s32 $0x80;
	s3 =	simm.s32 $0x0  }
0xa: {  	s4 =	smul.u32 $0x18700, s4;
	s2 =	sadd.s32 s22, s2;
	s8 =	sadd.s32 s5, s26  }
0xb: {  	s22 =	smax.u32 s24, $0x1;
	s24 =	simm.s32 $0x400;
	s26 =	simm.s32 $0xD400  }
0xc: {  	s2 =	sadd.s32 $0x600, s2;
	s1 =	sadd.s32 $0x10, s8;
	s12 =	sadd.s32 $0x20, s8  }
0xd: {  	s14 =	sadd.s32 $0x30, s8;
	s16 =	sadd.s32 $0x40, s8;
	s18 =	sadd.s32 $0x50, s8  }
0xe: {  	s20 =	sadd.s32 $0x60, s8;
	s21 =	sadd.s32 $0x70, s8;
	[dreg:$0x6] =	wrdreg s2  }
0xf: {  	s4 =	sadd.s32 s0, s4;
	[dreg:$0x7] =	wrdreg s1;
	s1 =	simm.s32 $0x19C00  }
0x10: {  	s0 =	simm.s32 $0x1AC00;
	s2 =	simm.s32 $0x3;
	s25 =	sadd.s32 $0xC300, s4  }
0x11: {  	s7 =	sadd.s32 $0x10, s4;
	s9 =	sadd.s32 $0x20, s4;
	s11 =	sadd.s32 $0x30, s4  }
0x12: {  	s13 =	sadd.s32 $0x40, s4;
	s15 =	sadd.s32 $0x50, s4;
	s17 =	sadd.s32 $0x60, s4  }
0x13: {  	s19 =	sadd.s32 $0x70, s4;
	[dreg:$0x5] =	wrdreg s25;
	s25 =	simm.s32 $0x1000  }
.LBB2_1:
0x14: {  	[tilespmem:s25], [sflag:$0x1] =	stream.strided.gather [hbm4b:s4+s23], $0xC300, s24, s23, $0x38;
	[tilespmem:$0x1BC00] =	vst v63  }
0x15: {  	s5 =	rddreg [dreg:$0x5]  }
0x16: {  	[tilespmem:s26], [sflag:$0x2] =	stream.strided.gather [hbm4b:s5+s23], $0xC380, s24, s23, $0x38;
	[tilespmem:$0x1BC00] =	vst v63  }
0x17: {  	s10 =	rddreg [dreg:$0x2];
	s6 =	simm.s32 $0x0  }
0x18: {  	[tilespmem:s6], [sflag:$0x5] =	stream.linear.gather [hbm4b:s10+s6], $0x1000, $0x38;
	[tilespmem:$0x1BC00] =	vst v63  }
0x19: {  	_ =	swait.ge [sflag:s28], $0x1000  }
0x1a: {  	[sflag:s28] =	ssyncset.done $0x0  }
0x1b: {  	s10 =	simm.s32 $0x19800;
	s5 =	rddreg [dreg:$0x6];
	[sflag:s28] =	ssyncadd.s32 $0xFFFFF000  }
0x1c: {  	[tilespmem:s10], [sflag:$0x5] =	stream.linear.gather [hbm4b:s5+s6], $0x400, $0x38;
	[tilespmem:$0x1BC00] =	vst v63  }
0x1d: {  	_ =	swait.ge [sflag:s28], $0x400  }
0x1e: {  	[sflag:s28] =	ssyncset.done $0x0  }
0x1f: {  	[sflag:s28] =	ssyncadd.s32 $0xFFFFFC00  }
0x20: {  	_ =	swait.ge [sflag:s30], $0xC300  }
0x21: {  	[sflag:s30] =	ssyncset.done $0x0  }
0x22: {  	s5 =	simm.s32 $0x0;
	[sflag:s30] =	ssyncadd.s32 $0xFFFF3D00  }
0x23: {  	v0 =	vld [tilespmem:s5+$0x0];
	_ =	sdelay $0x4  }
0x24: {  	vm0 =	vlt.s32 v0, $0xC300  }
0x25: {  	v1 =	vld [tilespmem:s5+$0x10];
	_ =	sdelay $0x4  }
0x26: {  	v0 =	vld.idx.msk [tilespmem:v0+s25+$0x0], vm0;
	vm0 =	vlt.s32 v1, $0xC300  }
0x27: {  	v2 =	vld [tilespmem:s5+$0x20];
	_ =	sdelay $0x3  }
0x28: {  	[tilespmem:s5+$0x19C00] =	vst v0  }
0x29: {  	v1 =	vld.idx.msk [tilespmem:v1+s25+$0x0], vm0;
	vm0 =	vlt.s32 v2, $0xC300  }
0x2a: {  	v0 =	vld [tilespmem:s5+$0x30];
	_ =	sdelay $0x3  }
0x2b: {  	[tilespmem:s5+$0x19C10] =	vst v1  }
0x2c: {  	v1 =	vld.idx.msk [tilespmem:v2+s25+$0x0], vm0;
	vm0 =	vlt.s32 v0, $0xC300  }
0x2d: {  	s10 =	simm.s32 $0x40;
	s6 =	simm.s32 $0x200  }
.LBB2_2:
0x2e: {  	p0 =	sne.s32 s6, $0x3F00;
	v2 =	vld [tilespmem:s10+$0x0];
	_ =	sdelay $0x2  }
0x2f: {  	[tilespmem:s5+$0x19C20] =	vst v1  }
0x30: {  	v0 =	vld.idx.msk [tilespmem:v0+s25+$0x0], vm0  }
0x31: {  	vm0 =	vlt.s32 v2, $0xC300;
	_ =	sdelay $0x1  }
0x32: {  	v1 =	vld [tilespmem:s10+$0x10];
	_ =	sdelay $0x2  }
0x33: {  	[tilespmem:s5+$0x19C30] =	vst v0;
	s5 =	smov.u32 s10  }
0x34: {  	v0 =	vld.idx.msk [tilespmem:v2+s25+$0x0], vm0  }
0x35: {  	vm0 =	vlt.s32 v1, $0xC300;
	_ =	sdelay $0x1  }
0x36: {  	v2 =	vld [tilespmem:s5+$0x20];
	_ =	sdelay $0x2  }
0x37: {  	[tilespmem:s5+$0x19C00] =	vst v0  }
0x38: {  	v1 =	vld.idx.msk [tilespmem:v1+s25+$0x0], vm0  }
0x39: {  	vm0 =	vlt.s32 v2, $0xC300;
	_ =	sdelay $0x1  }
0x3a: {  	v0 =	vld [tilespmem:s5+$0x30];
	_ =	sdelay $0x1  }
.Ltmp0:
0x3b: {  	(pc) =	sbr.rel @p0 .LBB2_2-.Ltmp0, $4  }
0x3c: {  	[tilespmem:s5+$0x19C10] =	vst v1  }
0x3d: {  	v1 =	vld.idx.msk [tilespmem:v2+s25+$0x0], vm0  }
0x3e: {  	vm0 =	vlt.s32 v0, $0xC300  }
0x3f: {  	s10 =	sshra.s32 s6, $0x2;
	s6 =	sadd.s32 $0x100, s6  }
0x40: {  	v2 =	vld [tilespmem:s10+$0x0];
	_ =	sdelay $0x3  }
0x41: {  	[tilespmem:s5+$0x19C20] =	vst v1  }
0x42: {  	v0 =	vld.idx.msk [tilespmem:v0+s25+$0x0], vm0;
	vm0 =	vlt.s32 v2, $0xC300  }
0x43: {  	v1 =	vld [tilespmem:s10+$0x10];
	_ =	sdelay $0x3  }
0x44: {  	[tilespmem:s5+$0x19C30] =	vst v0  }
0x45: {  	v0 =	vld.idx.msk [tilespmem:v2+s25+$0x0], vm0;
	vm0 =	vlt.s32 v1, $0xC300  }
0x46: {  	v2 =	vld [tilespmem:s10+$0x20];
	_ =	sdelay $0x3  }
0x47: {  	[tilespmem:s10+$0x19C00] =	vst v0  }
0x48: {  	v0 =	vld.idx.msk [tilespmem:v1+s25+$0x0], vm0;
	vm0 =	vlt.s32 v2, $0xC300  }
0x49: {  	v1 =	vld [tilespmem:s10+$0x30];
	_ =	sdelay $0x3  }
0x4a: {  	[tilespmem:s10+$0x19C10] =	vst v0  }
0x4b: {  	v0 =	vld.idx.msk [tilespmem:v2+s25+$0x0], vm0;
	vm0 =	vlt.s32 v1, $0xC300;
	_ =	sdelay $0x4  }
0x4c: {  	[tilespmem:s10+$0x19C20] =	vst v0  }
0x4d: {  	v0 =	vld.idx.msk [tilespmem:v1+s25+$0x0], vm0;
	_ =	sdelay $0x4  }
0x4e: {  	[tilespmem:s10+$0x19C30] =	vst v0  }
0x4f: {  	[tilespmem:s25], [sflag:$0x1] =	stream.strided.gather [hbm4b:s7+s23], $0xC300, s24, s23, $0x38;
	[tilespmem:$0x1BC00] =	vst v63  }
0x50: {  	_ =	swait.ge [sflag:s31], $0xC380  }
0x51: {  	[sflag:s31] =	ssyncset.done $0x0  }
0x52: {  	[sflag:s31] =	ssyncadd.s32 $0xFFFF3C80  }
0x53: {  	v0 =	vld [tilespmem:$0x19800]  }
0x54: {  	v1 =	vld [tilespmem:$0x19810];
	_ =	sdelay $0x3  }
0x55: {  	[tilespmem:$0x19780] =	vst v0  }
0x56: {  	s5 =	simm.s32 $0x0;
	[tilespmem:$0x19790] =	vst v1  }
0x57: {  	v0 =	vld [tilespmem:s5+$0x0];
	_ =	sdelay $0x4  }
0x58: {  	vm0 =	vgt.s32 v0, $0xC2FF  }
0x59: {  	v0 =	vadd.s32 $0xFFFF3D00, v0  }
0x5a: {  	v1 =	vld [tilespmem:s5+$0x10];
	_ =	sdelay $0x2  }
0x5b: {  	v2 =	vld [tilespmem:s5+$0x19C00]  }
0x5c: {  	v0 =	vld.idx.msk [tilespmem:v0+s26+$0x0], vm0  }
0x5d: {  	vm1 =	vgt.s32 v1, $0xC2FF  }
0x5e: {  	v1 =	vadd.s32 $0xFFFF3D00, v1;
	_ =	sdelay $0x1  }
0x5f: {  	v3 =	vld [tilespmem:s5+$0x20]  }
0x60: {  	v0 =	vsel vm0, v0, v2  }
0x61: {  	[tilespmem:s5+$0x19C00] =	vst v0  }
0x62: {  	v0 =	vld.idx.msk [tilespmem:v1+s26+$0x0], vm1  }
0x63: {  	v1 =	vld [tilespmem:s5+$0x19C10]  }
0x64: {  	vm0 =	vgt.s32 v3, $0xC2FF  }
0x65: {  	v2 =	vadd.s32 $0xFFFF3D00, v3  }
0x66: {  	v3 =	vld [tilespmem:s5+$0x30];
	_ =	sdelay $0x1  }
0x67: {  	v0 =	vsel vm1, v0, v1  }
0x68: {  	v1 =	vld [tilespmem:s5+$0x19C20];
	[tilespmem:s5+$0x19C10] =	vst v0  }
0x69: {  	v0 =	vld.idx.msk [tilespmem:v2+s26+$0x0], vm0  }
0x6a: {  	vm1 =	vgt.s32 v3, $0xC2FF  }
0x6b: {  	v2 =	vadd.s32 $0xFFFF3D00, v3  }
0x6c: {  	s6 =	simm.s32 $0x200;
	s10 =	simm.s32 $0x40  }
.LBB2_4:
0x6d: {  	p0 =	sne.s32 s6, $0x3F00;
	v3 =	vld [tilespmem:s10+$0x0]  }
0x6e: {  	v0 =	vsel vm0, v0, v1  }
0x6f: {  	[tilespmem:s5+$0x19C20] =	vst v0  }
0x70: {  	v0 =	vld.idx.msk [tilespmem:v2+s26+$0x0], vm1  }
0x71: {  	v1 =	vld [tilespmem:s5+$0x19C30]  }
0x72: {  	vm0 =	vgt.s32 v3, $0xC2FF  }
0x73: {  	v2 =	vadd.s32 $0xFFFF3D00, v3;
	_ =	sdelay $0x1  }
0x74: {  	v3 =	vld [tilespmem:s10+$0x10]  }
0x75: {  	v0 =	vsel vm1, v0, v1  }
0x76: {  	[tilespmem:s5+$0x19C30] =	vst v0;
	s5 =	smov.u32 s10  }
0x77: {  	v0 =	vld.idx.msk [tilespmem:v2+s26+$0x0], vm0  }
0x78: {  	v1 =	vld [tilespmem:s5+$0x19C00]  }
0x79: {  	vm1 =	vgt.s32 v3, $0xC2FF  }
0x7a: {  	v2 =	vadd.s32 $0xFFFF3D00, v3;
	_ =	sdelay $0x1  }
0x7b: {  	v3 =	vld [tilespmem:s5+$0x20]  }
0x7c: {  	v0 =	vsel vm0, v0, v1  }
0x7d: {  	[tilespmem:s5+$0x19C00] =	vst v0  }
0x7e: {  	v0 =	vld.idx.msk [tilespmem:v2+s26+$0x0], vm1  }
0x7f: {  	v1 =	vld [tilespmem:s5+$0x19C10]  }
0x80: {  	vm0 =	vgt.s32 v3, $0xC2FF  }
0x81: {  	v2 =	vadd.s32 $0xFFFF3D00, v3;
	_ =	sdelay $0x1  }
0x82: {  	v3 =	vld [tilespmem:s5+$0x30]  }
0x83: {  	v0 =	vsel vm1, v0, v1  }
0x84: {  	[tilespmem:s5+$0x19C10] =	vst v0  }
.Ltmp1:
0x85: {  	v0 =	vld.idx.msk [tilespmem:v2+s26+$0x0], vm0;
	(pc) =	sbr.rel @p0 .LBB2_4-.Ltmp1, $4  }
0x86: {  	v1 =	vld [tilespmem:s5+$0x19C20]  }
0x87: {  	vm1 =	vgt.s32 v3, $0xC2FF  }
0x88: {  	v2 =	vadd.s32 $0xFFFF3D00, v3  }
0x89: {  	s10 =	sshra.s32 s6, $0x2;
	s6 =	sadd.s32 $0x100, s6  }
0x8a: {  	_ =	sdelay $0x1  }
0x8b: {  	v3 =	vld [tilespmem:s10+$0x0]  }
0x8c: {  	v0 =	vsel vm0, v0, v1  }
0x8d: {  	v1 =	vld [tilespmem:s5+$0x19C30];
	[tilespmem:s5+$0x19C20] =	vst v0  }
0x8e: {  	v0 =	vld.idx.msk [tilespmem:v2+s26+$0x0], vm1;
	_ =	sdelay $0x1  }
0x8f: {  	vm0 =	vgt.s32 v3, $0xC2FF  }
0x90: {  	v2 =	vadd.s32 $0xFFFF3D00, v3  }
0x91: {  	v3 =	vld [tilespmem:s10+$0x10]  }
0x92: {  	v0 =	vsel vm1, v0, v1  }
0x93: {  	[tilespmem:s5+$0x19C30] =	vst v0  }
0x94: {  	v1 =	vld [tilespmem:s10+$0x19C00]  }
0x95: {  	v0 =	vld.idx.msk [tilespmem:v2+s26+$0x0], vm0  }
0x96: {  	vm1 =	vgt.s32 v3, $0xC2FF  }
0x97: {  	v2 =	vadd.s32 $0xFFFF3D00, v3  }
0x98: {  	v3 =	vld [tilespmem:s10+$0x20];
	_ =	sdelay $0x1  }
0x99: {  	v0 =	vsel vm0, v0, v1  }
0x9a: {  	v1 =	vld [tilespmem:s10+$0x19C10];
	[tilespmem:s10+$0x19C00] =	vst v0  }
0x9b: {  	v0 =	vld.idx.msk [tilespmem:v2+s26+$0x0], vm1  }
0x9c: {  	vm0 =	vgt.s32 v3, $0xC2FF  }
0x9d: {  	v2 =	vadd.s32 $0xFFFF3D00, v3  }
0x9e: {  	v3 =	vld [tilespmem:s10+$0x30];
	_ =	sdelay $0x1  }
0x9f: {  	v0 =	vsel vm1, v0, v1  }
0xa0: {  	v1 =	vld [tilespmem:s10+$0x19C20];
	[tilespmem:s10+$0x19C10] =	vst v0  }
0xa1: {  	v0 =	vld.idx.msk [tilespmem:v2+s26+$0x0], vm0  }
0xa2: {  	vm1 =	vgt.s32 v3, $0xC2FF  }
0xa3: {  	v2 =	vadd.s32 $0xFFFF3D00, v3;
	_ =	sdelay $0x2  }
0xa4: {  	v0 =	vsel vm0, v0, v1  }
0xa5: {  	v1 =	vld [tilespmem:s10+$0x19C30];
	[tilespmem:s10+$0x19C20] =	vst v0  }
0xa6: {  	v0 =	vld.idx.msk [tilespmem:v2+s26+$0x0], vm1;
	_ =	sdelay $0x4  }
0xa7: {  	v0 =	vsel vm1, v0, v1  }
0xa8: {  	[tilespmem:s10+$0x19C30] =	vst v0;
	s10 =	sadd.s32 $0xC300, s7  }
0xa9: {  	[tilespmem:s26], [sflag:$0x2] =	stream.strided.gather [hbm4b:s10+s23], $0xC380, s24, s23, $0x38;
	[tilespmem:$0x1BC00] =	vst v63  }
0xaa: {  	_ = 	snop  }
0xab: {  	[hbm4b:s8+s23] =	stream.strided.scatter [tilespmem:s1], [sflag:$0x3], $0x1000, s24, s23, $0x38;
	[tilespmem:$0x1BC00] =	vst v63  }
0xac: {  	_ =	swait.ge [sflag:s30], $0xC300  }
0xad: {  	[sflag:s30] =	ssyncset.done $0x0  }
0xae: {  	s5 =	simm.s32 $0x0;
	[sflag:s30] =	ssyncadd.s32 $0xFFFF3D00  }
0xaf: {  	v0 =	vld [tilespmem:s5+$0x0];
	_ =	sdelay $0x4  }
0xb0: {  	vm0 =	vlt.s32 v0, $0xC300  }
0xb1: {  	v1 =	vld [tilespmem:s5+$0x10];
	_ =	sdelay $0x4  }
0xb2: {  	v0 =	vld.idx.msk [tilespmem:v0+s25+$0x0], vm0;
	vm0 =	vlt.s32 v1, $0xC300  }
0xb3: {  	v2 =	vld [tilespmem:s5+$0x20];
	_ =	sdelay $0x3  }
0xb4: {  	[tilespmem:s5+$0x1AC00] =	vst v0  }
0xb5: {  	v1 =	vld.idx.msk [tilespmem:v1+s25+$0x0], vm0;
	vm0 =	vlt.s32 v2, $0xC300  }
0xb6: {  	v0 =	vld [tilespmem:s5+$0x30];
	_ =	sdelay $0x3  }
0xb7: {  	[tilespmem:s5+$0x1AC10] =	vst v1  }
0xb8: {  	v1 =	vld.idx.msk [tilespmem:v2+s25+$0x0], vm0;
	vm0 =	vlt.s32 v0, $0xC300  }
0xb9: {  	s6 =	simm.s32 $0x200;
	s10 =	simm.s32 $0x40  }
.LBB2_6:
0xba: {  	p0 =	sne.s32 s6, $0x3F00;
	v2 =	vld [tilespmem:s10+$0x0];
	_ =	sdelay $0x2  }
0xbb: {  	[tilespmem:s5+$0x1AC20] =	vst v1  }
0xbc: {  	v0 =	vld.idx.msk [tilespmem:v0+s25+$0x0], vm0  }
0xbd: {  	vm0 =	vlt.s32 v2, $0xC300;
	_ =	sdelay $0x1  }
0xbe: {  	v1 =	vld [tilespmem:s10+$0x10];
	_ =	sdelay $0x2  }
0xbf: {  	[tilespmem:s5+$0x1AC30] =	vst v0;
	s5 =	smov.u32 s10  }
0xc0: {  	v0 =	vld.idx.msk [tilespmem:v2+s25+$0x0], vm0  }
0xc1: {  	vm0 =	vlt.s32 v1, $0xC300;
	_ =	sdelay $0x1  }
0xc2: {  	v2 =	vld [tilespmem:s5+$0x20];
	_ =	sdelay $0x2  }
0xc3: {  	[tilespmem:s5+$0x1AC00] =	vst v0  }
0xc4: {  	v1 =	vld.idx.msk [tilespmem:v1+s25+$0x0], vm0  }
0xc5: {  	vm0 =	vlt.s32 v2, $0xC300;
	_ =	sdelay $0x1  }
0xc6: {  	v0 =	vld [tilespmem:s5+$0x30];
	_ =	sdelay $0x1  }
.Ltmp2:
0xc7: {  	(pc) =	sbr.rel @p0 .LBB2_6-.Ltmp2, $4  }
0xc8: {  	[tilespmem:s5+$0x1AC10] =	vst v1  }
0xc9: {  	v1 =	vld.idx.msk [tilespmem:v2+s25+$0x0], vm0  }
0xca: {  	vm0 =	vlt.s32 v0, $0xC300  }
0xcb: {  	s10 =	sshra.s32 s6, $0x2;
	s6 =	sadd.s32 $0x100, s6  }
0xcc: {  	v2 =	vld [tilespmem:s10+$0x0];
	_ =	sdelay $0x3  }
0xcd: {  	[tilespmem:s5+$0x1AC20] =	vst v1  }
0xce: {  	v0 =	vld.idx.msk [tilespmem:v0+s25+$0x0], vm0;
	vm0 =	vlt.s32 v2, $0xC300  }
0xcf: {  	v1 =	vld [tilespmem:s10+$0x10];
	_ =	sdelay $0x3  }
0xd0: {  	[tilespmem:s5+$0x1AC30] =	vst v0  }
0xd1: {  	v0 =	vld.idx.msk [tilespmem:v2+s25+$0x0], vm0;
	vm0 =	vlt.s32 v1, $0xC300  }
0xd2: {  	v2 =	vld [tilespmem:s10+$0x20];
	_ =	sdelay $0x3  }
0xd3: {  	[tilespmem:s10+$0x1AC00] =	vst v0  }
0xd4: {  	v0 =	vld.idx.msk [tilespmem:v1+s25+$0x0], vm0;
	vm0 =	vlt.s32 v2, $0xC300  }
0xd5: {  	v1 =	vld [tilespmem:s10+$0x30];
	_ =	sdelay $0x3  }
0xd6: {  	[tilespmem:s10+$0x1AC10] =	vst v0  }
0xd7: {  	v0 =	vld.idx.msk [tilespmem:v2+s25+$0x0], vm0;
	vm0 =	vlt.s32 v1, $0xC300;
	_ =	sdelay $0x4  }
0xd8: {  	[tilespmem:s10+$0x1AC20] =	vst v0  }
0xd9: {  	v0 =	vld.idx.msk [tilespmem:v1+s25+$0x0], vm0;
	_ =	sdelay $0x4  }
0xda: {  	[tilespmem:s10+$0x1AC30] =	vst v0  }
0xdb: {  	[tilespmem:s25], [sflag:$0x1] =	stream.strided.gather [hbm4b:s9+s23], $0xC300, s24, s23, $0x38;
	[tilespmem:$0x1BC00] =	vst v63  }
0xdc: {  	_ =	swait.ge [sflag:s31], $0xC380  }
0xdd: {  	[sflag:s31] =	ssyncset.done $0x0  }
0xde: {  	[sflag:s31] =	ssyncadd.s32 $0xFFFF3C80  }
0xdf: {  	v0 =	vld [tilespmem:$0x19880]  }
0xe0: {  	v1 =	vld [tilespmem:$0x19890];
	_ =	sdelay $0x3  }
0xe1: {  	[tilespmem:$0x19780] =	vst v0  }
0xe2: {  	s5 =	simm.s32 $0x0;
	[tilespmem:$0x19790] =	vst v1  }
0xe3: {  	v0 =	vld [tilespmem:s5+$0x0];
	_ =	sdelay $0x4  }
0xe4: {  	vm0 =	vgt.s32 v0, $0xC2FF  }
0xe5: {  	v0 =	vadd.s32 $0xFFFF3D00, v0  }
0xe6: {  	v1 =	vld [tilespmem:s5+$0x10];
	_ =	sdelay $0x2  }
0xe7: {  	v2 =	vld [tilespmem:s5+$0x1AC00]  }
0xe8: {  	v0 =	vld.idx.msk [tilespmem:v0+s26+$0x0], vm0  }
0xe9: {  	vm1 =	vgt.s32 v1, $0xC2FF  }
0xea: {  	v1 =	vadd.s32 $0xFFFF3D00, v1;
	_ =	sdelay $0x1  }
0xeb: {  	v3 =	vld [tilespmem:s5+$0x20]  }
0xec: {  	v0 =	vsel vm0, v0, v2  }
0xed: {  	[tilespmem:s5+$0x1AC00] =	vst v0  }
0xee: {  	v0 =	vld.idx.msk [tilespmem:v1+s26+$0x0], vm1  }
0xef: {  	v1 =	vld [tilespmem:s5+$0x1AC10]  }
0xf0: {  	vm0 =	vgt.s32 v3, $0xC2FF  }
0xf1: {  	v2 =	vadd.s32 $0xFFFF3D00, v3  }
0xf2: {  	v3 =	vld [tilespmem:s5+$0x30];
	_ =	sdelay $0x1  }
0xf3: {  	v0 =	vsel vm1, v0, v1  }
0xf4: {  	v1 =	vld [tilespmem:s5+$0x1AC20];
	[tilespmem:s5+$0x1AC10] =	vst v0  }
0xf5: {  	v0 =	vld.idx.msk [tilespmem:v2+s26+$0x0], vm0  }
0xf6: {  	vm1 =	vgt.s32 v3, $0xC2FF  }
0xf7: {  	v2 =	vadd.s32 $0xFFFF3D00, v3  }
0xf8: {  	s6 =	simm.s32 $0x200;
	s10 =	simm.s32 $0x40  }
.LBB2_8:
0xf9: {  	p0 =	sne.s32 s6, $0x3F00;
	v3 =	vld [tilespmem:s10+$0x0]  }
0xfa: {  	v0 =	vsel vm0, v0, v1  }
0xfb: {  	[tilespmem:s5+$0x1AC20] =	vst v0  }
0xfc: {  	v0 =	vld.idx.msk [tilespmem:v2+s26+$0x0], vm1  }
0xfd: {  	v1 =	vld [tilespmem:s5+$0x1AC30]  }
0xfe: {  	vm0 =	vgt.s32 v3, $0xC2FF  }
0xff: {  	v2 =	vadd.s32 $0xFFFF3D00, v3;
	_ =	sdelay $0x1  }
0x100: {  	v3 =	vld [tilespmem:s10+$0x10]  }
0x101: {  	v0 =	vsel vm1, v0, v1  }
0x102: {  	[tilespmem:s5+$0x1AC30] =	vst v0;
	s5 =	smov.u32 s10  }
0x103: {  	v0 =	vld.idx.msk [tilespmem:v2+s26+$0x0], vm0  }
0x104: {  	v1 =	vld [tilespmem:s5+$0x1AC00]  }
0x105: {  	vm1 =	vgt.s32 v3, $0xC2FF  }
0x106: {  	v2 =	vadd.s32 $0xFFFF3D00, v3;
	_ =	sdelay $0x1  }
0x107: {  	v3 =	vld [tilespmem:s5+$0x20]  }
0x108: {  	v0 =	vsel vm0, v0, v1  }
0x109: {  	[tilespmem:s5+$0x1AC00] =	vst v0  }
0x10a: {  	v0 =	vld.idx.msk [tilespmem:v2+s26+$0x0], vm1  }
0x10b: {  	v1 =	vld [tilespmem:s5+$0x1AC10]  }
0x10c: {  	vm0 =	vgt.s32 v3, $0xC2FF  }
0x10d: {  	v2 =	vadd.s32 $0xFFFF3D00, v3;
	_ =	sdelay $0x1  }
0x10e: {  	v3 =	vld [tilespmem:s5+$0x30]  }
0x10f: {  	v0 =	vsel vm1, v0, v1  }
0x110: {  	[tilespmem:s5+$0x1AC10] =	vst v0  }
.Ltmp3:
0x111: {  	v0 =	vld.idx.msk [tilespmem:v2+s26+$0x0], vm0;
	(pc) =	sbr.rel @p0 .LBB2_8-.Ltmp3, $4  }
0x112: {  	v1 =	vld [tilespmem:s5+$0x1AC20]  }
0x113: {  	vm1 =	vgt.s32 v3, $0xC2FF  }
0x114: {  	v2 =	vadd.s32 $0xFFFF3D00, v3  }
0x115: {  	s10 =	sshra.s32 s6, $0x2;
	s6 =	sadd.s32 $0x100, s6  }
0x116: {  	_ =	sdelay $0x1  }
0x117: {  	v3 =	vld [tilespmem:s10+$0x0]  }
0x118: {  	v0 =	vsel vm0, v0, v1  }
0x119: {  	v1 =	vld [tilespmem:s5+$0x1AC30];
	[tilespmem:s5+$0x1AC20] =	vst v0  }
0x11a: {  	v0 =	vld.idx.msk [tilespmem:v2+s26+$0x0], vm1;
	_ =	sdelay $0x1  }
0x11b: {  	vm0 =	vgt.s32 v3, $0xC2FF  }
0x11c: {  	v2 =	vadd.s32 $0xFFFF3D00, v3  }
0x11d: {  	v3 =	vld [tilespmem:s10+$0x10]  }
0x11e: {  	v0 =	vsel vm1, v0, v1  }
0x11f: {  	[tilespmem:s5+$0x1AC30] =	vst v0  }
0x120: {  	v1 =	vld [tilespmem:s10+$0x1AC00]  }
0x121: {  	v0 =	vld.idx.msk [tilespmem:v2+s26+$0x0], vm0  }
0x122: {  	vm1 =	vgt.s32 v3, $0xC2FF  }
0x123: {  	v2 =	vadd.s32 $0xFFFF3D00, v3  }
0x124: {  	v3 =	vld [tilespmem:s10+$0x20];
	_ =	sdelay $0x1  }
0x125: {  	v0 =	vsel vm0, v0, v1  }
0x126: {  	v1 =	vld [tilespmem:s10+$0x1AC10];
	[tilespmem:s10+$0x1AC00] =	vst v0  }
0x127: {  	v0 =	vld.idx.msk [tilespmem:v2+s26+$0x0], vm1  }
0x128: {  	vm0 =	vgt.s32 v3, $0xC2FF  }
0x129: {  	v2 =	vadd.s32 $0xFFFF3D00, v3  }
0x12a: {  	v3 =	vld [tilespmem:s10+$0x30];
	_ =	sdelay $0x1  }
0x12b: {  	v0 =	vsel vm1, v0, v1  }
0x12c: {  	v1 =	vld [tilespmem:s10+$0x1AC20];
	[tilespmem:s10+$0x1AC10] =	vst v0  }
0x12d: {  	v0 =	vld.idx.msk [tilespmem:v2+s26+$0x0], vm0  }
0x12e: {  	vm1 =	vgt.s32 v3, $0xC2FF  }
0x12f: {  	v2 =	vadd.s32 $0xFFFF3D00, v3;
	_ =	sdelay $0x2  }
0x130: {  	v0 =	vsel vm0, v0, v1  }
0x131: {  	v1 =	vld [tilespmem:s10+$0x1AC30];
	[tilespmem:s10+$0x1AC20] =	vst v0  }
0x132: {  	v0 =	vld.idx.msk [tilespmem:v2+s26+$0x0], vm1;
	_ =	sdelay $0x4  }
0x133: {  	v0 =	vsel vm1, v0, v1  }
0x134: {  	s6 =	sadd.s32 $0xC300, s9;
	[tilespmem:s10+$0x1AC30] =	vst v0  }
0x135: {  	[tilespmem:s26], [sflag:$0x2] =	stream.strided.gather [hbm4b:s6+s23], $0xC380, s24, s23, $0x38;
	[tilespmem:$0x1BC00] =	vst v63  }
0x136: {  	s10 =	rddreg [dreg:$0x7]  }
0x137: {  	[hbm4b:s10+s23] =	stream.strided.scatter [tilespmem:s0], [sflag:$0x4], $0x1000, s24, s23, $0x38;
	[tilespmem:$0x1BC00] =	vst v63  }
0x138: {  	_ =	swait.ge [sflag:s30], $0xC300  }
0x139: {  	[sflag:s30] =	ssyncset.done $0x0  }
0x13a: {  	[sflag:s30] =	ssyncadd.s32 $0xFFFF3D00  }
0x13b: {  	_ =	swait.ge [sflag:s2], $0x1000  }
0x13c: {  	[sflag:s2] =	ssyncset.done $0x0  }
0x13d: {  	s5 =	simm.s32 $0x0;
	[sflag:s2] =	ssyncadd.s32 $0xFFFFF000  }
0x13e: {  	v0 =	vld [tilespmem:s5+$0x0];
	_ =	sdelay $0x4  }
0x13f: {  	vm0 =	vlt.s32 v0, $0xC300  }
0x140: {  	v1 =	vld [tilespmem:s5+$0x10];
	_ =	sdelay $0x4  }
0x141: {  	v0 =	vld.idx.msk [tilespmem:v0+s25+$0x0], vm0;
	vm0 =	vlt.s32 v1, $0xC300  }
0x142: {  	v2 =	vld [tilespmem:s5+$0x20];
	_ =	sdelay $0x3  }
0x143: {  	[tilespmem:s5+$0x19C00] =	vst v0  }
0x144: {  	v1 =	vld.idx.msk [tilespmem:v1+s25+$0x0], vm0;
	vm0 =	vlt.s32 v2, $0xC300  }
0x145: {  	v0 =	vld [tilespmem:s5+$0x30];
	_ =	sdelay $0x3  }
0x146: {  	[tilespmem:s5+$0x19C10] =	vst v1  }
0x147: {  	v1 =	vld.idx.msk [tilespmem:v2+s25+$0x0], vm0;
	vm0 =	vlt.s32 v0, $0xC300  }
0x148: {  	s6 =	simm.s32 $0x200;
	s10 =	simm.s32 $0x40  }
.LBB2_10:
0x149: {  	p0 =	sne.s32 s6, $0x3F00;
	v2 =	vld [tilespmem:s10+$0x0];
	_ =	sdelay $0x2  }
0x14a: {  	[tilespmem:s5+$0x19C20] =	vst v1  }
0x14b: {  	v0 =	vld.idx.msk [tilespmem:v0+s25+$0x0], vm0  }
0x14c: {  	vm0 =	vlt.s32 v2, $0xC300;
	_ =	sdelay $0x1  }
0x14d: {  	v1 =	vld [tilespmem:s10+$0x10];
	_ =	sdelay $0x2  }
0x14e: {  	[tilespmem:s5+$0x19C30] =	vst v0;
	s5 =	smov.u32 s10  }
0x14f: {  	v0 =	vld.idx.msk [tilespmem:v2+s25+$0x0], vm0  }
0x150: {  	vm0 =	vlt.s32 v1, $0xC300;
	_ =	sdelay $0x1  }
0x151: {  	v2 =	vld [tilespmem:s5+$0x20];
	_ =	sdelay $0x2  }
0x152: {  	[tilespmem:s5+$0x19C00] =	vst v0  }
0x153: {  	v1 =	vld.idx.msk [tilespmem:v1+s25+$0x0], vm0  }
0x154: {  	vm0 =	vlt.s32 v2, $0xC300;
	_ =	sdelay $0x1  }
0x155: {  	v0 =	vld [tilespmem:s5+$0x30];
	_ =	sdelay $0x1  }
.Ltmp4:
0x156: {  	(pc) =	sbr.rel @p0 .LBB2_10-.Ltmp4, $4  }
0x157: {  	[tilespmem:s5+$0x19C10] =	vst v1  }
0x158: {  	v1 =	vld.idx.msk [tilespmem:v2+s25+$0x0], vm0  }
0x159: {  	vm0 =	vlt.s32 v0, $0xC300  }
0x15a: {  	s10 =	sshra.s32 s6, $0x2;
	s6 =	sadd.s32 $0x100, s6  }
0x15b: {  	v2 =	vld [tilespmem:s10+$0x0];
	_ =	sdelay $0x3  }
0x15c: {  	[tilespmem:s5+$0x19C20] =	vst v1  }
0x15d: {  	v0 =	vld.idx.msk [tilespmem:v0+s25+$0x0], vm0;
	vm0 =	vlt.s32 v2, $0xC300  }
0x15e: {  	v1 =	vld [tilespmem:s10+$0x10];
	_ =	sdelay $0x3  }
0x15f: {  	[tilespmem:s5+$0x19C30] =	vst v0  }
0x160: {  	v0 =	vld.idx.msk [tilespmem:v2+s25+$0x0], vm0;
	vm0 =	vlt.s32 v1, $0xC300  }
0x161: {  	v2 =	vld [tilespmem:s10+$0x20];
	_ =	sdelay $0x3  }
0x162: {  	[tilespmem:s10+$0x19C00] =	vst v0  }
0x163: {  	v0 =	vld.idx.msk [tilespmem:v1+s25+$0x0], vm0;
	vm0 =	vlt.s32 v2, $0xC300  }
0x164: {  	v1 =	vld [tilespmem:s10+$0x30];
	_ =	sdelay $0x3  }
0x165: {  	[tilespmem:s10+$0x19C10] =	vst v0  }
0x166: {  	v0 =	vld.idx.msk [tilespmem:v2+s25+$0x0], vm0;
	vm0 =	vlt.s32 v1, $0xC300;
	_ =	sdelay $0x4  }
0x167: {  	[tilespmem:s10+$0x19C20] =	vst v0  }
0x168: {  	v0 =	vld.idx.msk [tilespmem:v1+s25+$0x0], vm0;
	_ =	sdelay $0x4  }
0x169: {  	[tilespmem:s10+$0x19C30] =	vst v0  }
0x16a: {  	[tilespmem:s25], [sflag:$0x1] =	stream.strided.gather [hbm4b:s11+s23], $0xC300, s24, s23, $0x38;
	[tilespmem:$0x1BC00] =	vst v63  }
0x16b: {  	_ =	swait.ge [sflag:s31], $0xC380  }
0x16c: {  	[sflag:s31] =	ssyncset.done $0x0  }
0x16d: {  	[sflag:s31] =	ssyncadd.s32 $0xFFFF3C80  }
0x16e: {  	v0 =	vld [tilespmem:$0x19900]  }
0x16f: {  	v1 =	vld [tilespmem:$0x19910];
	_ =	sdelay $0x3  }
0x170: {  	[tilespmem:$0x19780] =	vst v0  }
0x171: {  	s5 =	simm.s32 $0x0;
	[tilespmem:$0x19790] =	vst v1  }
0x172: {  	v0 =	vld [tilespmem:s5+$0x0];
	_ =	sdelay $0x4  }
0x173: {  	vm0 =	vgt.s32 v0, $0xC2FF  }
0x174: {  	v0 =	vadd.s32 $0xFFFF3D00, v0  }
0x175: {  	v1 =	vld [tilespmem:s5+$0x10];
	_ =	sdelay $0x2  }
0x176: {  	v2 =	vld [tilespmem:s5+$0x19C00]  }
0x177: {  	v0 =	vld.idx.msk [tilespmem:v0+s26+$0x0], vm0  }
0x178: {  	vm1 =	vgt.s32 v1, $0xC2FF  }
0x179: {  	v1 =	vadd.s32 $0xFFFF3D00, v1;
	_ =	sdelay $0x1  }
0x17a: {  	v3 =	vld [tilespmem:s5+$0x20]  }
0x17b: {  	v0 =	vsel vm0, v0, v2  }
0x17c: {  	[tilespmem:s5+$0x19C00] =	vst v0  }
0x17d: {  	v0 =	vld.idx.msk [tilespmem:v1+s26+$0x0], vm1  }
0x17e: {  	v1 =	vld [tilespmem:s5+$0x19C10]  }
0x17f: {  	vm0 =	vgt.s32 v3, $0xC2FF  }
0x180: {  	v2 =	vadd.s32 $0xFFFF3D00, v3  }
0x181: {  	v3 =	vld [tilespmem:s5+$0x30];
	_ =	sdelay $0x1  }
0x182: {  	v0 =	vsel vm1, v0, v1  }
0x183: {  	v1 =	vld [tilespmem:s5+$0x19C20];
	[tilespmem:s5+$0x19C10] =	vst v0  }
0x184: {  	v0 =	vld.idx.msk [tilespmem:v2+s26+$0x0], vm0  }
0x185: {  	vm1 =	vgt.s32 v3, $0xC2FF  }
0x186: {  	v2 =	vadd.s32 $0xFFFF3D00, v3  }
0x187: {  	s6 =	simm.s32 $0x200;
	s10 =	simm.s32 $0x40  }
.LBB2_12:
0x188: {  	p0 =	sne.s32 s6, $0x3F00;
	v3 =	vld [tilespmem:s10+$0x0]  }
0x189: {  	v0 =	vsel vm0, v0, v1  }
0x18a: {  	[tilespmem:s5+$0x19C20] =	vst v0  }
0x18b: {  	v0 =	vld.idx.msk [tilespmem:v2+s26+$0x0], vm1  }
0x18c: {  	v1 =	vld [tilespmem:s5+$0x19C30]  }
0x18d: {  	vm0 =	vgt.s32 v3, $0xC2FF  }
0x18e: {  	v2 =	vadd.s32 $0xFFFF3D00, v3;
	_ =	sdelay $0x1  }
0x18f: {  	v3 =	vld [tilespmem:s10+$0x10]  }
0x190: {  	v0 =	vsel vm1, v0, v1  }
0x191: {  	[tilespmem:s5+$0x19C30] =	vst v0;
	s5 =	smov.u32 s10  }
0x192: {  	v0 =	vld.idx.msk [tilespmem:v2+s26+$0x0], vm0  }
0x193: {  	v1 =	vld [tilespmem:s5+$0x19C00]  }
0x194: {  	vm1 =	vgt.s32 v3, $0xC2FF  }
0x195: {  	v2 =	vadd.s32 $0xFFFF3D00, v3;
	_ =	sdelay $0x1  }
0x196: {  	v3 =	vld [tilespmem:s5+$0x20]  }
0x197: {  	v0 =	vsel vm0, v0, v1  }
0x198: {  	[tilespmem:s5+$0x19C00] =	vst v0  }
0x199: {  	v0 =	vld.idx.msk [tilespmem:v2+s26+$0x0], vm1  }
0x19a: {  	v1 =	vld [tilespmem:s5+$0x19C10]  }
0x19b: {  	vm0 =	vgt.s32 v3, $0xC2FF  }
0x19c: {  	v2 =	vadd.s32 $0xFFFF3D00, v3;
	_ =	sdelay $0x1  }
0x19d: {  	v3 =	vld [tilespmem:s5+$0x30]  }
0x19e: {  	v0 =	vsel vm1, v0, v1  }
0x19f: {  	[tilespmem:s5+$0x19C10] =	vst v0  }
.Ltmp5:
0x1a0: {  	v0 =	vld.idx.msk [tilespmem:v2+s26+$0x0], vm0;
	(pc) =	sbr.rel @p0 .LBB2_12-.Ltmp5, $4  }
0x1a1: {  	v1 =	vld [tilespmem:s5+$0x19C20]  }
0x1a2: {  	vm1 =	vgt.s32 v3, $0xC2FF  }
0x1a3: {  	v2 =	vadd.s32 $0xFFFF3D00, v3  }
0x1a4: {  	s10 =	sshra.s32 s6, $0x2;
	s6 =	sadd.s32 $0x100, s6  }
0x1a5: {  	_ =	sdelay $0x1  }
0x1a6: {  	v3 =	vld [tilespmem:s10+$0x0]  }
0x1a7: {  	v0 =	vsel vm0, v0, v1  }
0x1a8: {  	v1 =	vld [tilespmem:s5+$0x19C30];
	[tilespmem:s5+$0x19C20] =	vst v0  }
0x1a9: {  	v0 =	vld.idx.msk [tilespmem:v2+s26+$0x0], vm1;
	_ =	sdelay $0x1  }
0x1aa: {  	vm0 =	vgt.s32 v3, $0xC2FF  }
0x1ab: {  	v2 =	vadd.s32 $0xFFFF3D00, v3  }
0x1ac: {  	v3 =	vld [tilespmem:s10+$0x10]  }
0x1ad: {  	v0 =	vsel vm1, v0, v1  }
0x1ae: {  	[tilespmem:s5+$0x19C30] =	vst v0  }
0x1af: {  	v1 =	vld [tilespmem:s10+$0x19C00]  }
0x1b0: {  	v0 =	vld.idx.msk [tilespmem:v2+s26+$0x0], vm0  }
0x1b1: {  	vm1 =	vgt.s32 v3, $0xC2FF  }
0x1b2: {  	v2 =	vadd.s32 $0xFFFF3D00, v3  }
0x1b3: {  	v3 =	vld [tilespmem:s10+$0x20];
	_ =	sdelay $0x1  }
0x1b4: {  	v0 =	vsel vm0, v0, v1  }
0x1b5: {  	v1 =	vld [tilespmem:s10+$0x19C10];
	[tilespmem:s10+$0x19C00] =	vst v0  }
0x1b6: {  	v0 =	vld.idx.msk [tilespmem:v2+s26+$0x0], vm1  }
0x1b7: {  	vm0 =	vgt.s32 v3, $0xC2FF  }
0x1b8: {  	v2 =	vadd.s32 $0xFFFF3D00, v3  }
0x1b9: {  	v3 =	vld [tilespmem:s10+$0x30];
	_ =	sdelay $0x1  }
0x1ba: {  	v0 =	vsel vm1, v0, v1  }
0x1bb: {  	v1 =	vld [tilespmem:s10+$0x19C20];
	[tilespmem:s10+$0x19C10] =	vst v0  }
0x1bc: {  	v0 =	vld.idx.msk [tilespmem:v2+s26+$0x0], vm0  }
0x1bd: {  	vm1 =	vgt.s32 v3, $0xC2FF  }
0x1be: {  	v2 =	vadd.s32 $0xFFFF3D00, v3;
	_ =	sdelay $0x2  }
0x1bf: {  	v0 =	vsel vm0, v0, v1  }
0x1c0: {  	v1 =	vld [tilespmem:s10+$0x19C30];
	[tilespmem:s10+$0x19C20] =	vst v0  }
0x1c1: {  	v0 =	vld.idx.msk [tilespmem:v2+s26+$0x0], vm1;
	_ =	sdelay $0x4  }
0x1c2: {  	v0 =	vsel vm1, v0, v1  }
0x1c3: {  	[tilespmem:s10+$0x19C30] =	vst v0;
	s10 =	sadd.s32 $0xC300, s11  }
0x1c4: {  	[tilespmem:s26], [sflag:$0x2] =	stream.strided.gather [hbm4b:s10+s23], $0xC380, s24, s23, $0x38;
	[tilespmem:$0x1BC00] =	vst v63  }
0x1c5: {  	_ = 	snop  }
0x1c6: {  	[hbm4b:s12+s23] =	stream.strided.scatter [tilespmem:s1], [sflag:$0x3], $0x1000, s24, s23, $0x38;
	[tilespmem:$0x1BC00] =	vst v63  }
0x1c7: {  	_ =	swait.ge [sflag:s30], $0xC300  }
0x1c8: {  	[sflag:s30] =	ssyncset.done $0x0  }
0x1c9: {  	[sflag:s30] =	ssyncadd.s32 $0xFFFF3D00  }
0x1ca: {  	_ =	swait.ge [sflag:s29], $0x1000  }
0x1cb: {  	[sflag:s29] =	ssyncset.done $0x0  }
0x1cc: {  	s5 =	simm.s32 $0x0;
	[sflag:s29] =	ssyncadd.s32 $0xFFFFF000  }
0x1cd: {  	v0 =	vld [tilespmem:s5+$0x0];
	_ =	sdelay $0x4  }
0x1ce: {  	vm0 =	vlt.s32 v0, $0xC300  }
0x1cf: {  	v1 =	vld [tilespmem:s5+$0x10];
	_ =	sdelay $0x4  }
0x1d0: {  	v0 =	vld.idx.msk [tilespmem:v0+s25+$0x0], vm0;
	vm0 =	vlt.s32 v1, $0xC300  }
0x1d1: {  	v2 =	vld [tilespmem:s5+$0x20];
	_ =	sdelay $0x3  }
0x1d2: {  	[tilespmem:s5+$0x1AC00] =	vst v0  }
0x1d3: {  	v1 =	vld.idx.msk [tilespmem:v1+s25+$0x0], vm0;
	vm0 =	vlt.s32 v2, $0xC300  }
0x1d4: {  	v0 =	vld [tilespmem:s5+$0x30];
	_ =	sdelay $0x3  }
0x1d5: {  	[tilespmem:s5+$0x1AC10] =	vst v1  }
0x1d6: {  	v1 =	vld.idx.msk [tilespmem:v2+s25+$0x0], vm0;
	vm0 =	vlt.s32 v0, $0xC300  }
0x1d7: {  	s6 =	simm.s32 $0x200;
	s10 =	simm.s32 $0x40  }
.LBB2_14:
0x1d8: {  	p0 =	sne.s32 s6, $0x3F00;
	v2 =	vld [tilespmem:s10+$0x0];
	_ =	sdelay $0x2  }
0x1d9: {  	[tilespmem:s5+$0x1AC20] =	vst v1  }
0x1da: {  	v0 =	vld.idx.msk [tilespmem:v0+s25+$0x0], vm0  }
0x1db: {  	vm0 =	vlt.s32 v2, $0xC300;
	_ =	sdelay $0x1  }
0x1dc: {  	v1 =	vld [tilespmem:s10+$0x10];
	_ =	sdelay $0x2  }
0x1dd: {  	[tilespmem:s5+$0x1AC30] =	vst v0;
	s5 =	smov.u32 s10  }
0x1de: {  	v0 =	vld.idx.msk [tilespmem:v2+s25+$0x0], vm0  }
0x1df: {  	vm0 =	vlt.s32 v1, $0xC300;
	_ =	sdelay $0x1  }
0x1e0: {  	v2 =	vld [tilespmem:s5+$0x20];
	_ =	sdelay $0x2  }
0x1e1: {  	[tilespmem:s5+$0x1AC00] =	vst v0  }
0x1e2: {  	v1 =	vld.idx.msk [tilespmem:v1+s25+$0x0], vm0  }
0x1e3: {  	vm0 =	vlt.s32 v2, $0xC300;
	_ =	sdelay $0x1  }
0x1e4: {  	v0 =	vld [tilespmem:s5+$0x30];
	_ =	sdelay $0x1  }
.Ltmp6:
0x1e5: {  	(pc) =	sbr.rel @p0 .LBB2_14-.Ltmp6, $4  }
0x1e6: {  	[tilespmem:s5+$0x1AC10] =	vst v1  }
0x1e7: {  	v1 =	vld.idx.msk [tilespmem:v2+s25+$0x0], vm0  }
0x1e8: {  	vm0 =	vlt.s32 v0, $0xC300  }
0x1e9: {  	s10 =	sshra.s32 s6, $0x2;
	s6 =	sadd.s32 $0x100, s6  }
0x1ea: {  	v2 =	vld [tilespmem:s10+$0x0];
	_ =	sdelay $0x3  }
0x1eb: {  	[tilespmem:s5+$0x1AC20] =	vst v1  }
0x1ec: {  	v0 =	vld.idx.msk [tilespmem:v0+s25+$0x0], vm0;
	vm0 =	vlt.s32 v2, $0xC300  }
0x1ed: {  	v1 =	vld [tilespmem:s10+$0x10];
	_ =	sdelay $0x3  }
0x1ee: {  	[tilespmem:s5+$0x1AC30] =	vst v0  }
0x1ef: {  	v0 =	vld.idx.msk [tilespmem:v2+s25+$0x0], vm0;
	vm0 =	vlt.s32 v1, $0xC300  }
0x1f0: {  	v2 =	vld [tilespmem:s10+$0x20];
	_ =	sdelay $0x3  }
0x1f1: {  	[tilespmem:s10+$0x1AC00] =	vst v0  }
0x1f2: {  	v0 =	vld.idx.msk [tilespmem:v1+s25+$0x0], vm0;
	vm0 =	vlt.s32 v2, $0xC300  }
0x1f3: {  	v1 =	vld [tilespmem:s10+$0x30];
	_ =	sdelay $0x3  }
0x1f4: {  	[tilespmem:s10+$0x1AC10] =	vst v0  }
0x1f5: {  	v0 =	vld.idx.msk [tilespmem:v2+s25+$0x0], vm0;
	vm0 =	vlt.s32 v1, $0xC300;
	_ =	sdelay $0x4  }
0x1f6: {  	[tilespmem:s10+$0x1AC20] =	vst v0  }
0x1f7: {  	v0 =	vld.idx.msk [tilespmem:v1+s25+$0x0], vm0;
	_ =	sdelay $0x4  }
0x1f8: {  	[tilespmem:s10+$0x1AC30] =	vst v0  }
0x1f9: {  	[tilespmem:s25], [sflag:$0x1] =	stream.strided.gather [hbm4b:s13+s23], $0xC300, s24, s23, $0x38;
	[tilespmem:$0x1BC00] =	vst v63  }
0x1fa: {  	_ =	swait.ge [sflag:s31], $0xC380  }
0x1fb: {  	[sflag:s31] =	ssyncset.done $0x0  }
0x1fc: {  	[sflag:s31] =	ssyncadd.s32 $0xFFFF3C80  }
0x1fd: {  	v0 =	vld [tilespmem:$0x19980]  }
0x1fe: {  	v1 =	vld [tilespmem:$0x19990];
	_ =	sdelay $0x3  }
0x1ff: {  	[tilespmem:$0x19780] =	vst v0  }
0x200: {  	s5 =	simm.s32 $0x0;
	[tilespmem:$0x19790] =	vst v1  }
0x201: {  	v0 =	vld [tilespmem:s5+$0x0];
	_ =	sdelay $0x4  }
0x202: {  	vm0 =	vgt.s32 v0, $0xC2FF  }
0x203: {  	v0 =	vadd.s32 $0xFFFF3D00, v0  }
0x204: {  	v1 =	vld [tilespmem:s5+$0x10];
	_ =	sdelay $0x2  }
0x205: {  	v2 =	vld [tilespmem:s5+$0x1AC00]  }
0x206: {  	v0 =	vld.idx.msk [tilespmem:v0+s26+$0x0], vm0  }
0x207: {  	vm1 =	vgt.s32 v1, $0xC2FF  }
0x208: {  	v1 =	vadd.s32 $0xFFFF3D00, v1;
	_ =	sdelay $0x1  }
0x209: {  	v3 =	vld [tilespmem:s5+$0x20]  }
0x20a: {  	v0 =	vsel vm0, v0, v2  }
0x20b: {  	[tilespmem:s5+$0x1AC00] =	vst v0  }
0x20c: {  	v0 =	vld.idx.msk [tilespmem:v1+s26+$0x0], vm1  }
0x20d: {  	v1 =	vld [tilespmem:s5+$0x1AC10]  }
0x20e: {  	vm0 =	vgt.s32 v3, $0xC2FF  }
0x20f: {  	v2 =	vadd.s32 $0xFFFF3D00, v3  }
0x210: {  	v3 =	vld [tilespmem:s5+$0x30];
	_ =	sdelay $0x1  }
0x211: {  	v0 =	vsel vm1, v0, v1  }
0x212: {  	v1 =	vld [tilespmem:s5+$0x1AC20];
	[tilespmem:s5+$0x1AC10] =	vst v0  }
0x213: {  	v0 =	vld.idx.msk [tilespmem:v2+s26+$0x0], vm0  }
0x214: {  	vm1 =	vgt.s32 v3, $0xC2FF  }
0x215: {  	v2 =	vadd.s32 $0xFFFF3D00, v3  }
0x216: {  	s6 =	simm.s32 $0x200;
	s10 =	simm.s32 $0x40  }
.LBB2_16:
0x217: {  	p0 =	sne.s32 s6, $0x3F00;
	v3 =	vld [tilespmem:s10+$0x0]  }
0x218: {  	v0 =	vsel vm0, v0, v1  }
0x219: {  	[tilespmem:s5+$0x1AC20] =	vst v0  }
0x21a: {  	v0 =	vld.idx.msk [tilespmem:v2+s26+$0x0], vm1  }
0x21b: {  	v1 =	vld [tilespmem:s5+$0x1AC30]  }
0x21c: {  	vm0 =	vgt.s32 v3, $0xC2FF  }
0x21d: {  	v2 =	vadd.s32 $0xFFFF3D00, v3;
	_ =	sdelay $0x1  }
0x21e: {  	v3 =	vld [tilespmem:s10+$0x10]  }
0x21f: {  	v0 =	vsel vm1, v0, v1  }
0x220: {  	[tilespmem:s5+$0x1AC30] =	vst v0;
	s5 =	smov.u32 s10  }
0x221: {  	v0 =	vld.idx.msk [tilespmem:v2+s26+$0x0], vm0  }
0x222: {  	v1 =	vld [tilespmem:s5+$0x1AC00]  }
0x223: {  	vm1 =	vgt.s32 v3, $0xC2FF  }
0x224: {  	v2 =	vadd.s32 $0xFFFF3D00, v3;
	_ =	sdelay $0x1  }
0x225: {  	v3 =	vld [tilespmem:s5+$0x20]  }
0x226: {  	v0 =	vsel vm0, v0, v1  }
0x227: {  	[tilespmem:s5+$0x1AC00] =	vst v0  }
0x228: {  	v0 =	vld.idx.msk [tilespmem:v2+s26+$0x0], vm1  }
0x229: {  	v1 =	vld [tilespmem:s5+$0x1AC10]  }
0x22a: {  	vm0 =	vgt.s32 v3, $0xC2FF  }
0x22b: {  	v2 =	vadd.s32 $0xFFFF3D00, v3;
	_ =	sdelay $0x1  }
0x22c: {  	v3 =	vld [tilespmem:s5+$0x30]  }
0x22d: {  	v0 =	vsel vm1, v0, v1  }
0x22e: {  	[tilespmem:s5+$0x1AC10] =	vst v0  }
.Ltmp7:
0x22f: {  	v0 =	vld.idx.msk [tilespmem:v2+s26+$0x0], vm0;
	(pc) =	sbr.rel @p0 .LBB2_16-.Ltmp7, $4  }
0x230: {  	v1 =	vld [tilespmem:s5+$0x1AC20]  }
0x231: {  	vm1 =	vgt.s32 v3, $0xC2FF  }
0x232: {  	v2 =	vadd.s32 $0xFFFF3D00, v3  }
0x233: {  	s10 =	sshra.s32 s6, $0x2;
	s6 =	sadd.s32 $0x100, s6  }
0x234: {  	_ =	sdelay $0x1  }
0x235: {  	v3 =	vld [tilespmem:s10+$0x0]  }
0x236: {  	v0 =	vsel vm0, v0, v1  }
0x237: {  	v1 =	vld [tilespmem:s5+$0x1AC30];
	[tilespmem:s5+$0x1AC20] =	vst v0  }
0x238: {  	v0 =	vld.idx.msk [tilespmem:v2+s26+$0x0], vm1;
	_ =	sdelay $0x1  }
0x239: {  	vm0 =	vgt.s32 v3, $0xC2FF  }
0x23a: {  	v2 =	vadd.s32 $0xFFFF3D00, v3  }
0x23b: {  	v3 =	vld [tilespmem:s10+$0x10]  }
0x23c: {  	v0 =	vsel vm1, v0, v1  }
0x23d: {  	[tilespmem:s5+$0x1AC30] =	vst v0  }
0x23e: {  	v1 =	vld [tilespmem:s10+$0x1AC00]  }
0x23f: {  	v0 =	vld.idx.msk [tilespmem:v2+s26+$0x0], vm0  }
0x240: {  	vm1 =	vgt.s32 v3, $0xC2FF  }
0x241: {  	v2 =	vadd.s32 $0xFFFF3D00, v3  }
0x242: {  	v3 =	vld [tilespmem:s10+$0x20];
	_ =	sdelay $0x1  }
0x243: {  	v0 =	vsel vm0, v0, v1  }
0x244: {  	v1 =	vld [tilespmem:s10+$0x1AC10];
	[tilespmem:s10+$0x1AC00] =	vst v0  }
0x245: {  	v0 =	vld.idx.msk [tilespmem:v2+s26+$0x0], vm1  }
0x246: {  	vm0 =	vgt.s32 v3, $0xC2FF  }
0x247: {  	v2 =	vadd.s32 $0xFFFF3D00, v3  }
0x248: {  	v3 =	vld [tilespmem:s10+$0x30];
	_ =	sdelay $0x1  }
0x249: {  	v0 =	vsel vm1, v0, v1  }
0x24a: {  	v1 =	vld [tilespmem:s10+$0x1AC20];
	[tilespmem:s10+$0x1AC10] =	vst v0  }
0x24b: {  	v0 =	vld.idx.msk [tilespmem:v2+s26+$0x0], vm0  }
0x24c: {  	vm1 =	vgt.s32 v3, $0xC2FF  }
0x24d: {  	v2 =	vadd.s32 $0xFFFF3D00, v3;
	_ =	sdelay $0x2  }
0x24e: {  	v0 =	vsel vm0, v0, v1  }
0x24f: {  	v1 =	vld [tilespmem:s10+$0x1AC30];
	[tilespmem:s10+$0x1AC20] =	vst v0  }
0x250: {  	v0 =	vld.idx.msk [tilespmem:v2+s26+$0x0], vm1;
	_ =	sdelay $0x4  }
0x251: {  	v0 =	vsel vm1, v0, v1  }
0x252: {  	[tilespmem:s10+$0x1AC30] =	vst v0;
	s10 =	sadd.s32 $0xC300, s13  }
0x253: {  	[tilespmem:s26], [sflag:$0x2] =	stream.strided.gather [hbm4b:s10+s23], $0xC380, s24, s23, $0x38;
	[tilespmem:$0x1BC00] =	vst v63  }
0x254: {  	_ = 	snop  }
0x255: {  	[hbm4b:s14+s23] =	stream.strided.scatter [tilespmem:s0], [sflag:$0x4], $0x1000, s24, s23, $0x38;
	[tilespmem:$0x1BC00] =	vst v63  }
0x256: {  	_ =	swait.ge [sflag:s30], $0xC300  }
0x257: {  	[sflag:s30] =	ssyncset.done $0x0  }
0x258: {  	[sflag:s30] =	ssyncadd.s32 $0xFFFF3D00  }
0x259: {  	_ =	swait.ge [sflag:s2], $0x1000  }
0x25a: {  	[sflag:s2] =	ssyncset.done $0x0  }
0x25b: {  	s5 =	simm.s32 $0x0;
	[sflag:s2] =	ssyncadd.s32 $0xFFFFF000  }
0x25c: {  	v0 =	vld [tilespmem:s5+$0x0];
	_ =	sdelay $0x4  }
0x25d: {  	vm0 =	vlt.s32 v0, $0xC300  }
0x25e: {  	v1 =	vld [tilespmem:s5+$0x10];
	_ =	sdelay $0x4  }
0x25f: {  	v0 =	vld.idx.msk [tilespmem:v0+s25+$0x0], vm0;
	vm0 =	vlt.s32 v1, $0xC300  }
0x260: {  	v2 =	vld [tilespmem:s5+$0x20];
	_ =	sdelay $0x3  }
0x261: {  	[tilespmem:s5+$0x19C00] =	vst v0  }
0x262: {  	v1 =	vld.idx.msk [tilespmem:v1+s25+$0x0], vm0;
	vm0 =	vlt.s32 v2, $0xC300  }
0x263: {  	v0 =	vld [tilespmem:s5+$0x30];
	_ =	sdelay $0x3  }
0x264: {  	[tilespmem:s5+$0x19C10] =	vst v1  }
0x265: {  	v1 =	vld.idx.msk [tilespmem:v2+s25+$0x0], vm0;
	vm0 =	vlt.s32 v0, $0xC300  }
0x266: {  	s6 =	simm.s32 $0x200;
	s10 =	simm.s32 $0x40  }
.LBB2_18:
0x267: {  	p0 =	sne.s32 s6, $0x3F00;
	v2 =	vld [tilespmem:s10+$0x0];
	_ =	sdelay $0x2  }
0x268: {  	[tilespmem:s5+$0x19C20] =	vst v1  }
0x269: {  	v0 =	vld.idx.msk [tilespmem:v0+s25+$0x0], vm0  }
0x26a: {  	vm0 =	vlt.s32 v2, $0xC300;
	_ =	sdelay $0x1  }
0x26b: {  	v1 =	vld [tilespmem:s10+$0x10];
	_ =	sdelay $0x2  }
0x26c: {  	[tilespmem:s5+$0x19C30] =	vst v0;
	s5 =	smov.u32 s10  }
0x26d: {  	v0 =	vld.idx.msk [tilespmem:v2+s25+$0x0], vm0  }
0x26e: {  	vm0 =	vlt.s32 v1, $0xC300;
	_ =	sdelay $0x1  }
0x26f: {  	v2 =	vld [tilespmem:s5+$0x20];
	_ =	sdelay $0x2  }
0x270: {  	[tilespmem:s5+$0x19C00] =	vst v0  }
0x271: {  	v1 =	vld.idx.msk [tilespmem:v1+s25+$0x0], vm0  }
0x272: {  	vm0 =	vlt.s32 v2, $0xC300;
	_ =	sdelay $0x1  }
0x273: {  	v0 =	vld [tilespmem:s5+$0x30];
	_ =	sdelay $0x1  }
.Ltmp8:
0x274: {  	(pc) =	sbr.rel @p0 .LBB2_18-.Ltmp8, $4  }
0x275: {  	[tilespmem:s5+$0x19C10] =	vst v1  }
0x276: {  	v1 =	vld.idx.msk [tilespmem:v2+s25+$0x0], vm0  }
0x277: {  	vm0 =	vlt.s32 v0, $0xC300  }
0x278: {  	s10 =	sshra.s32 s6, $0x2;
	s6 =	sadd.s32 $0x100, s6  }
0x279: {  	v2 =	vld [tilespmem:s10+$0x0];
	_ =	sdelay $0x3  }
0x27a: {  	[tilespmem:s5+$0x19C20] =	vst v1  }
0x27b: {  	v0 =	vld.idx.msk [tilespmem:v0+s25+$0x0], vm0;
	vm0 =	vlt.s32 v2, $0xC300  }
0x27c: {  	v1 =	vld [tilespmem:s10+$0x10];
	_ =	sdelay $0x3  }
0x27d: {  	[tilespmem:s5+$0x19C30] =	vst v0  }
0x27e: {  	v0 =	vld.idx.msk [tilespmem:v2+s25+$0x0], vm0;
	vm0 =	vlt.s32 v1, $0xC300  }
0x27f: {  	v2 =	vld [tilespmem:s10+$0x20];
	_ =	sdelay $0x3  }
0x280: {  	[tilespmem:s10+$0x19C00] =	vst v0  }
0x281: {  	v0 =	vld.idx.msk [tilespmem:v1+s25+$0x0], vm0;
	vm0 =	vlt.s32 v2, $0xC300  }
0x282: {  	v1 =	vld [tilespmem:s10+$0x30];
	_ =	sdelay $0x3  }
0x283: {  	[tilespmem:s10+$0x19C10] =	vst v0  }
0x284: {  	v0 =	vld.idx.msk [tilespmem:v2+s25+$0x0], vm0;
	vm0 =	vlt.s32 v1, $0xC300;
	_ =	sdelay $0x4  }
0x285: {  	[tilespmem:s10+$0x19C20] =	vst v0  }
0x286: {  	v0 =	vld.idx.msk [tilespmem:v1+s25+$0x0], vm0;
	_ =	sdelay $0x4  }
0x287: {  	[tilespmem:s10+$0x19C30] =	vst v0  }
0x288: {  	[tilespmem:s25], [sflag:$0x1] =	stream.strided.gather [hbm4b:s15+s23], $0xC300, s24, s23, $0x38;
	[tilespmem:$0x1BC00] =	vst v63  }
0x289: {  	_ =	swait.ge [sflag:s31], $0xC380  }
0x28a: {  	[sflag:s31] =	ssyncset.done $0x0  }
0x28b: {  	[sflag:s31] =	ssyncadd.s32 $0xFFFF3C80  }
0x28c: {  	v0 =	vld [tilespmem:$0x19A00]  }
0x28d: {  	v1 =	vld [tilespmem:$0x19A10];
	_ =	sdelay $0x3  }
0x28e: {  	[tilespmem:$0x19780] =	vst v0  }
0x28f: {  	s5 =	simm.s32 $0x0;
	[tilespmem:$0x19790] =	vst v1  }
0x290: {  	v0 =	vld [tilespmem:s5+$0x0];
	_ =	sdelay $0x4  }
0x291: {  	vm0 =	vgt.s32 v0, $0xC2FF  }
0x292: {  	v0 =	vadd.s32 $0xFFFF3D00, v0  }
0x293: {  	v1 =	vld [tilespmem:s5+$0x10];
	_ =	sdelay $0x2  }
0x294: {  	v2 =	vld [tilespmem:s5+$0x19C00]  }
0x295: {  	v0 =	vld.idx.msk [tilespmem:v0+s26+$0x0], vm0  }
0x296: {  	vm1 =	vgt.s32 v1, $0xC2FF  }
0x297: {  	v1 =	vadd.s32 $0xFFFF3D00, v1;
	_ =	sdelay $0x1  }
0x298: {  	v3 =	vld [tilespmem:s5+$0x20]  }
0x299: {  	v0 =	vsel vm0, v0, v2  }
0x29a: {  	[tilespmem:s5+$0x19C00] =	vst v0  }
0x29b: {  	v0 =	vld.idx.msk [tilespmem:v1+s26+$0x0], vm1  }
0x29c: {  	v1 =	vld [tilespmem:s5+$0x19C10]  }
0x29d: {  	vm0 =	vgt.s32 v3, $0xC2FF  }
0x29e: {  	v2 =	vadd.s32 $0xFFFF3D00, v3  }
0x29f: {  	v3 =	vld [tilespmem:s5+$0x30];
	_ =	sdelay $0x1  }
0x2a0: {  	v0 =	vsel vm1, v0, v1  }
0x2a1: {  	v1 =	vld [tilespmem:s5+$0x19C20];
	[tilespmem:s5+$0x19C10] =	vst v0  }
0x2a2: {  	v0 =	vld.idx.msk [tilespmem:v2+s26+$0x0], vm0  }
0x2a3: {  	vm1 =	vgt.s32 v3, $0xC2FF  }
0x2a4: {  	v2 =	vadd.s32 $0xFFFF3D00, v3  }
0x2a5: {  	s6 =	simm.s32 $0x200;
	s10 =	simm.s32 $0x40  }
.LBB2_20:
0x2a6: {  	p0 =	sne.s32 s6, $0x3F00;
	v3 =	vld [tilespmem:s10+$0x0]  }
0x2a7: {  	v0 =	vsel vm0, v0, v1  }
0x2a8: {  	[tilespmem:s5+$0x19C20] =	vst v0  }
0x2a9: {  	v0 =	vld.idx.msk [tilespmem:v2+s26+$0x0], vm1  }
0x2aa: {  	v1 =	vld [tilespmem:s5+$0x19C30]  }
0x2ab: {  	vm0 =	vgt.s32 v3, $0xC2FF  }
0x2ac: {  	v2 =	vadd.s32 $0xFFFF3D00, v3;
	_ =	sdelay $0x1  }
0x2ad: {  	v3 =	vld [tilespmem:s10+$0x10]  }
0x2ae: {  	v0 =	vsel vm1, v0, v1  }
0x2af: {  	[tilespmem:s5+$0x19C30] =	vst v0;
	s5 =	smov.u32 s10  }
0x2b0: {  	v0 =	vld.idx.msk [tilespmem:v2+s26+$0x0], vm0  }
0x2b1: {  	v1 =	vld [tilespmem:s5+$0x19C00]  }
0x2b2: {  	vm1 =	vgt.s32 v3, $0xC2FF  }
0x2b3: {  	v2 =	vadd.s32 $0xFFFF3D00, v3;
	_ =	sdelay $0x1  }
0x2b4: {  	v3 =	vld [tilespmem:s5+$0x20]  }
0x2b5: {  	v0 =	vsel vm0, v0, v1  }
0x2b6: {  	[tilespmem:s5+$0x19C00] =	vst v0  }
0x2b7: {  	v0 =	vld.idx.msk [tilespmem:v2+s26+$0x0], vm1  }
0x2b8: {  	v1 =	vld [tilespmem:s5+$0x19C10]  }
0x2b9: {  	vm0 =	vgt.s32 v3, $0xC2FF  }
0x2ba: {  	v2 =	vadd.s32 $0xFFFF3D00, v3;
	_ =	sdelay $0x1  }
0x2bb: {  	v3 =	vld [tilespmem:s5+$0x30]  }
0x2bc: {  	v0 =	vsel vm1, v0, v1  }
0x2bd: {  	[tilespmem:s5+$0x19C10] =	vst v0  }
.Ltmp9:
0x2be: {  	v0 =	vld.idx.msk [tilespmem:v2+s26+$0x0], vm0;
	(pc) =	sbr.rel @p0 .LBB2_20-.Ltmp9, $4  }
0x2bf: {  	v1 =	vld [tilespmem:s5+$0x19C20]  }
0x2c0: {  	vm1 =	vgt.s32 v3, $0xC2FF  }
0x2c1: {  	v2 =	vadd.s32 $0xFFFF3D00, v3  }
0x2c2: {  	s10 =	sshra.s32 s6, $0x2;
	s6 =	sadd.s32 $0x100, s6  }
0x2c3: {  	_ =	sdelay $0x1  }
0x2c4: {  	v3 =	vld [tilespmem:s10+$0x0]  }
0x2c5: {  	v0 =	vsel vm0, v0, v1  }
0x2c6: {  	v1 =	vld [tilespmem:s5+$0x19C30];
	[tilespmem:s5+$0x19C20] =	vst v0  }
0x2c7: {  	v0 =	vld.idx.msk [tilespmem:v2+s26+$0x0], vm1;
	_ =	sdelay $0x1  }
0x2c8: {  	vm0 =	vgt.s32 v3, $0xC2FF  }
0x2c9: {  	v2 =	vadd.s32 $0xFFFF3D00, v3  }
0x2ca: {  	v3 =	vld [tilespmem:s10+$0x10]  }
0x2cb: {  	v0 =	vsel vm1, v0, v1  }
0x2cc: {  	[tilespmem:s5+$0x19C30] =	vst v0  }
0x2cd: {  	v1 =	vld [tilespmem:s10+$0x19C00]  }
0x2ce: {  	v0 =	vld.idx.msk [tilespmem:v2+s26+$0x0], vm0  }
0x2cf: {  	vm1 =	vgt.s32 v3, $0xC2FF  }
0x2d0: {  	v2 =	vadd.s32 $0xFFFF3D00, v3  }
0x2d1: {  	v3 =	vld [tilespmem:s10+$0x20];
	_ =	sdelay $0x1  }
0x2d2: {  	v0 =	vsel vm0, v0, v1  }
0x2d3: {  	v1 =	vld [tilespmem:s10+$0x19C10];
	[tilespmem:s10+$0x19C00] =	vst v0  }
0x2d4: {  	v0 =	vld.idx.msk [tilespmem:v2+s26+$0x0], vm1  }
0x2d5: {  	vm0 =	vgt.s32 v3, $0xC2FF  }
0x2d6: {  	v2 =	vadd.s32 $0xFFFF3D00, v3  }
0x2d7: {  	v3 =	vld [tilespmem:s10+$0x30];
	_ =	sdelay $0x1  }
0x2d8: {  	v0 =	vsel vm1, v0, v1  }
0x2d9: {  	v1 =	vld [tilespmem:s10+$0x19C20];
	[tilespmem:s10+$0x19C10] =	vst v0  }
0x2da: {  	v0 =	vld.idx.msk [tilespmem:v2+s26+$0x0], vm0  }
0x2db: {  	vm1 =	vgt.s32 v3, $0xC2FF  }
0x2dc: {  	v2 =	vadd.s32 $0xFFFF3D00, v3;
	_ =	sdelay $0x2  }
0x2dd: {  	v0 =	vsel vm0, v0, v1  }
0x2de: {  	v1 =	vld [tilespmem:s10+$0x19C30];
	[tilespmem:s10+$0x19C20] =	vst v0  }
0x2df: {  	v0 =	vld.idx.msk [tilespmem:v2+s26+$0x0], vm1;
	_ =	sdelay $0x4  }
0x2e0: {  	v0 =	vsel vm1, v0, v1  }
0x2e1: {  	[tilespmem:s10+$0x19C30] =	vst v0;
	s10 =	sadd.s32 $0xC300, s15  }
0x2e2: {  	[tilespmem:s26], [sflag:$0x2] =	stream.strided.gather [hbm4b:s10+s23], $0xC380, s24, s23, $0x38;
	[tilespmem:$0x1BC00] =	vst v63  }
0x2e3: {  	_ = 	snop  }
0x2e4: {  	[hbm4b:s16+s23] =	stream.strided.scatter [tilespmem:s1], [sflag:$0x3], $0x1000, s24, s23, $0x38;
	[tilespmem:$0x1BC00] =	vst v63  }
0x2e5: {  	_ =	swait.ge [sflag:s30], $0xC300  }
0x2e6: {  	[sflag:s30] =	ssyncset.done $0x0  }
0x2e7: {  	[sflag:s30] =	ssyncadd.s32 $0xFFFF3D00  }
0x2e8: {  	_ =	swait.ge [sflag:s29], $0x1000  }
0x2e9: {  	[sflag:s29] =	ssyncset.done $0x0  }
0x2ea: {  	s5 =	simm.s32 $0x0;
	[sflag:s29] =	ssyncadd.s32 $0xFFFFF000  }
0x2eb: {  	v0 =	vld [tilespmem:s5+$0x0];
	_ =	sdelay $0x4  }
0x2ec: {  	vm0 =	vlt.s32 v0, $0xC300  }
0x2ed: {  	v1 =	vld [tilespmem:s5+$0x10];
	_ =	sdelay $0x4  }
0x2ee: {  	v0 =	vld.idx.msk [tilespmem:v0+s25+$0x0], vm0;
	vm0 =	vlt.s32 v1, $0xC300  }
0x2ef: {  	v2 =	vld [tilespmem:s5+$0x20];
	_ =	sdelay $0x3  }
0x2f0: {  	[tilespmem:s5+$0x1AC00] =	vst v0  }
0x2f1: {  	v1 =	vld.idx.msk [tilespmem:v1+s25+$0x0], vm0;
	vm0 =	vlt.s32 v2, $0xC300  }
0x2f2: {  	v0 =	vld [tilespmem:s5+$0x30];
	_ =	sdelay $0x3  }
0x2f3: {  	[tilespmem:s5+$0x1AC10] =	vst v1  }
0x2f4: {  	v1 =	vld.idx.msk [tilespmem:v2+s25+$0x0], vm0;
	vm0 =	vlt.s32 v0, $0xC300  }
0x2f5: {  	s6 =	simm.s32 $0x200;
	s10 =	simm.s32 $0x40  }
.LBB2_22:
0x2f6: {  	p0 =	sne.s32 s6, $0x3F00;
	v2 =	vld [tilespmem:s10+$0x0];
	_ =	sdelay $0x2  }
0x2f7: {  	[tilespmem:s5+$0x1AC20] =	vst v1  }
0x2f8: {  	v0 =	vld.idx.msk [tilespmem:v0+s25+$0x0], vm0  }
0x2f9: {  	vm0 =	vlt.s32 v2, $0xC300;
	_ =	sdelay $0x1  }
0x2fa: {  	v1 =	vld [tilespmem:s10+$0x10];
	_ =	sdelay $0x2  }
0x2fb: {  	[tilespmem:s5+$0x1AC30] =	vst v0;
	s5 =	smov.u32 s10  }
0x2fc: {  	v0 =	vld.idx.msk [tilespmem:v2+s25+$0x0], vm0  }
0x2fd: {  	vm0 =	vlt.s32 v1, $0xC300;
	_ =	sdelay $0x1  }
0x2fe: {  	v2 =	vld [tilespmem:s5+$0x20];
	_ =	sdelay $0x2  }
0x2ff: {  	[tilespmem:s5+$0x1AC00] =	vst v0  }
0x300: {  	v1 =	vld.idx.msk [tilespmem:v1+s25+$0x0], vm0  }
0x301: {  	vm0 =	vlt.s32 v2, $0xC300;
	_ =	sdelay $0x1  }
0x302: {  	v0 =	vld [tilespmem:s5+$0x30];
	_ =	sdelay $0x1  }
.Ltmp10:
0x303: {  	(pc) =	sbr.rel @p0 .LBB2_22-.Ltmp10, $4  }
0x304: {  	[tilespmem:s5+$0x1AC10] =	vst v1  }
0x305: {  	v1 =	vld.idx.msk [tilespmem:v2+s25+$0x0], vm0  }
0x306: {  	vm0 =	vlt.s32 v0, $0xC300  }
0x307: {  	s10 =	sshra.s32 s6, $0x2;
	s6 =	sadd.s32 $0x100, s6  }
0x308: {  	v2 =	vld [tilespmem:s10+$0x0];
	_ =	sdelay $0x3  }
0x309: {  	[tilespmem:s5+$0x1AC20] =	vst v1  }
0x30a: {  	v0 =	vld.idx.msk [tilespmem:v0+s25+$0x0], vm0;
	vm0 =	vlt.s32 v2, $0xC300  }
0x30b: {  	v1 =	vld [tilespmem:s10+$0x10];
	_ =	sdelay $0x3  }
0x30c: {  	[tilespmem:s5+$0x1AC30] =	vst v0  }
0x30d: {  	v0 =	vld.idx.msk [tilespmem:v2+s25+$0x0], vm0;
	vm0 =	vlt.s32 v1, $0xC300  }
0x30e: {  	v2 =	vld [tilespmem:s10+$0x20];
	_ =	sdelay $0x3  }
0x30f: {  	[tilespmem:s10+$0x1AC00] =	vst v0  }
0x310: {  	v0 =	vld.idx.msk [tilespmem:v1+s25+$0x0], vm0;
	vm0 =	vlt.s32 v2, $0xC300  }
0x311: {  	v1 =	vld [tilespmem:s10+$0x30];
	_ =	sdelay $0x3  }
0x312: {  	[tilespmem:s10+$0x1AC10] =	vst v0  }
0x313: {  	v0 =	vld.idx.msk [tilespmem:v2+s25+$0x0], vm0;
	vm0 =	vlt.s32 v1, $0xC300;
	_ =	sdelay $0x4  }
0x314: {  	[tilespmem:s10+$0x1AC20] =	vst v0  }
0x315: {  	v0 =	vld.idx.msk [tilespmem:v1+s25+$0x0], vm0;
	_ =	sdelay $0x4  }
0x316: {  	[tilespmem:s10+$0x1AC30] =	vst v0  }
0x317: {  	[tilespmem:s25], [sflag:$0x1] =	stream.strided.gather [hbm4b:s17+s23], $0xC300, s24, s23, $0x38;
	[tilespmem:$0x1BC00] =	vst v63  }
0x318: {  	_ =	swait.ge [sflag:s31], $0xC380  }
0x319: {  	[sflag:s31] =	ssyncset.done $0x0  }
0x31a: {  	[sflag:s31] =	ssyncadd.s32 $0xFFFF3C80  }
0x31b: {  	v0 =	vld [tilespmem:$0x19A80]  }
0x31c: {  	v1 =	vld [tilespmem:$0x19A90];
	_ =	sdelay $0x3  }
0x31d: {  	[tilespmem:$0x19780] =	vst v0  }
0x31e: {  	s5 =	simm.s32 $0x0;
	[tilespmem:$0x19790] =	vst v1  }
0x31f: {  	v0 =	vld [tilespmem:s5+$0x0];
	_ =	sdelay $0x4  }
0x320: {  	vm0 =	vgt.s32 v0, $0xC2FF  }
0x321: {  	v0 =	vadd.s32 $0xFFFF3D00, v0  }
0x322: {  	v1 =	vld [tilespmem:s5+$0x10];
	_ =	sdelay $0x2  }
0x323: {  	v2 =	vld [tilespmem:s5+$0x1AC00]  }
0x324: {  	v0 =	vld.idx.msk [tilespmem:v0+s26+$0x0], vm0  }
0x325: {  	vm1 =	vgt.s32 v1, $0xC2FF  }
0x326: {  	v1 =	vadd.s32 $0xFFFF3D00, v1;
	_ =	sdelay $0x1  }
0x327: {  	v3 =	vld [tilespmem:s5+$0x20]  }
0x328: {  	v0 =	vsel vm0, v0, v2  }
0x329: {  	[tilespmem:s5+$0x1AC00] =	vst v0  }
0x32a: {  	v0 =	vld.idx.msk [tilespmem:v1+s26+$0x0], vm1  }
0x32b: {  	v1 =	vld [tilespmem:s5+$0x1AC10]  }
0x32c: {  	vm0 =	vgt.s32 v3, $0xC2FF  }
0x32d: {  	v2 =	vadd.s32 $0xFFFF3D00, v3  }
0x32e: {  	v3 =	vld [tilespmem:s5+$0x30];
	_ =	sdelay $0x1  }
0x32f: {  	v0 =	vsel vm1, v0, v1  }
0x330: {  	v1 =	vld [tilespmem:s5+$0x1AC20];
	[tilespmem:s5+$0x1AC10] =	vst v0  }
0x331: {  	v0 =	vld.idx.msk [tilespmem:v2+s26+$0x0], vm0  }
0x332: {  	vm1 =	vgt.s32 v3, $0xC2FF  }
0x333: {  	v2 =	vadd.s32 $0xFFFF3D00, v3  }
0x334: {  	s6 =	simm.s32 $0x200;
	s10 =	simm.s32 $0x40  }
.LBB2_24:
0x335: {  	p0 =	sne.s32 s6, $0x3F00;
	v3 =	vld [tilespmem:s10+$0x0]  }
0x336: {  	v0 =	vsel vm0, v0, v1  }
0x337: {  	[tilespmem:s5+$0x1AC20] =	vst v0  }
0x338: {  	v0 =	vld.idx.msk [tilespmem:v2+s26+$0x0], vm1  }
0x339: {  	v1 =	vld [tilespmem:s5+$0x1AC30]  }
0x33a: {  	vm0 =	vgt.s32 v3, $0xC2FF  }
0x33b: {  	v2 =	vadd.s32 $0xFFFF3D00, v3;
	_ =	sdelay $0x1  }
0x33c: {  	v3 =	vld [tilespmem:s10+$0x10]  }
0x33d: {  	v0 =	vsel vm1, v0, v1  }
0x33e: {  	[tilespmem:s5+$0x1AC30] =	vst v0;
	s5 =	smov.u32 s10  }
0x33f: {  	v0 =	vld.idx.msk [tilespmem:v2+s26+$0x0], vm0  }
0x340: {  	v1 =	vld [tilespmem:s5+$0x1AC00]  }
0x341: {  	vm1 =	vgt.s32 v3, $0xC2FF  }
0x342: {  	v2 =	vadd.s32 $0xFFFF3D00, v3;
	_ =	sdelay $0x1  }
0x343: {  	v3 =	vld [tilespmem:s5+$0x20]  }
0x344: {  	v0 =	vsel vm0, v0, v1  }
0x345: {  	[tilespmem:s5+$0x1AC00] =	vst v0  }
0x346: {  	v0 =	vld.idx.msk [tilespmem:v2+s26+$0x0], vm1  }
0x347: {  	v1 =	vld [tilespmem:s5+$0x1AC10]  }
0x348: {  	vm0 =	vgt.s32 v3, $0xC2FF  }
0x349: {  	v2 =	vadd.s32 $0xFFFF3D00, v3;
	_ =	sdelay $0x1  }
0x34a: {  	v3 =	vld [tilespmem:s5+$0x30]  }
0x34b: {  	v0 =	vsel vm1, v0, v1  }
0x34c: {  	[tilespmem:s5+$0x1AC10] =	vst v0  }
.Ltmp11:
0x34d: {  	v0 =	vld.idx.msk [tilespmem:v2+s26+$0x0], vm0;
	(pc) =	sbr.rel @p0 .LBB2_24-.Ltmp11, $4  }
0x34e: {  	v1 =	vld [tilespmem:s5+$0x1AC20]  }
0x34f: {  	vm1 =	vgt.s32 v3, $0xC2FF  }
0x350: {  	v2 =	vadd.s32 $0xFFFF3D00, v3  }
0x351: {  	s10 =	sshra.s32 s6, $0x2;
	s6 =	sadd.s32 $0x100, s6  }
0x352: {  	_ =	sdelay $0x1  }
0x353: {  	v3 =	vld [tilespmem:s10+$0x0]  }
0x354: {  	v0 =	vsel vm0, v0, v1  }
0x355: {  	v1 =	vld [tilespmem:s5+$0x1AC30];
	[tilespmem:s5+$0x1AC20] =	vst v0  }
0x356: {  	v0 =	vld.idx.msk [tilespmem:v2+s26+$0x0], vm1;
	_ =	sdelay $0x1  }
0x357: {  	vm0 =	vgt.s32 v3, $0xC2FF  }
0x358: {  	v2 =	vadd.s32 $0xFFFF3D00, v3  }
0x359: {  	v3 =	vld [tilespmem:s10+$0x10]  }
0x35a: {  	v0 =	vsel vm1, v0, v1  }
0x35b: {  	[tilespmem:s5+$0x1AC30] =	vst v0  }
0x35c: {  	v1 =	vld [tilespmem:s10+$0x1AC00]  }
0x35d: {  	v0 =	vld.idx.msk [tilespmem:v2+s26+$0x0], vm0  }
0x35e: {  	vm1 =	vgt.s32 v3, $0xC2FF  }
0x35f: {  	v2 =	vadd.s32 $0xFFFF3D00, v3  }
0x360: {  	v3 =	vld [tilespmem:s10+$0x20];
	_ =	sdelay $0x1  }
0x361: {  	v0 =	vsel vm0, v0, v1  }
0x362: {  	v1 =	vld [tilespmem:s10+$0x1AC10];
	[tilespmem:s10+$0x1AC00] =	vst v0  }
0x363: {  	v0 =	vld.idx.msk [tilespmem:v2+s26+$0x0], vm1  }
0x364: {  	vm0 =	vgt.s32 v3, $0xC2FF  }
0x365: {  	v2 =	vadd.s32 $0xFFFF3D00, v3  }
0x366: {  	v3 =	vld [tilespmem:s10+$0x30];
	_ =	sdelay $0x1  }
0x367: {  	v0 =	vsel vm1, v0, v1  }
0x368: {  	v1 =	vld [tilespmem:s10+$0x1AC20];
	[tilespmem:s10+$0x1AC10] =	vst v0  }
0x369: {  	v0 =	vld.idx.msk [tilespmem:v2+s26+$0x0], vm0  }
0x36a: {  	vm1 =	vgt.s32 v3, $0xC2FF  }
0x36b: {  	v2 =	vadd.s32 $0xFFFF3D00, v3;
	_ =	sdelay $0x2  }
0x36c: {  	v0 =	vsel vm0, v0, v1  }
0x36d: {  	v1 =	vld [tilespmem:s10+$0x1AC30];
	[tilespmem:s10+$0x1AC20] =	vst v0  }
0x36e: {  	v0 =	vld.idx.msk [tilespmem:v2+s26+$0x0], vm1;
	_ =	sdelay $0x4  }
0x36f: {  	v0 =	vsel vm1, v0, v1  }
0x370: {  	[tilespmem:s10+$0x1AC30] =	vst v0;
	s10 =	sadd.s32 $0xC300, s17  }
0x371: {  	[tilespmem:s26], [sflag:$0x2] =	stream.strided.gather [hbm4b:s10+s23], $0xC380, s24, s23, $0x38;
	[tilespmem:$0x1BC00] =	vst v63  }
0x372: {  	_ = 	snop  }
0x373: {  	[hbm4b:s18+s23] =	stream.strided.scatter [tilespmem:s0], [sflag:$0x4], $0x1000, s24, s23, $0x38;
	[tilespmem:$0x1BC00] =	vst v63  }
0x374: {  	_ =	swait.ge [sflag:s30], $0xC300  }
0x375: {  	[sflag:s30] =	ssyncset.done $0x0  }
0x376: {  	[sflag:s30] =	ssyncadd.s32 $0xFFFF3D00  }
0x377: {  	_ =	swait.ge [sflag:s2], $0x1000  }
0x378: {  	[sflag:s2] =	ssyncset.done $0x0  }
0x379: {  	s5 =	simm.s32 $0x0;
	[sflag:s2] =	ssyncadd.s32 $0xFFFFF000  }
0x37a: {  	v0 =	vld [tilespmem:s5+$0x0];
	_ =	sdelay $0x4  }
0x37b: {  	vm0 =	vlt.s32 v0, $0xC300  }
0x37c: {  	v1 =	vld [tilespmem:s5+$0x10];
	_ =	sdelay $0x4  }
0x37d: {  	v0 =	vld.idx.msk [tilespmem:v0+s25+$0x0], vm0;
	vm0 =	vlt.s32 v1, $0xC300  }
0x37e: {  	v2 =	vld [tilespmem:s5+$0x20];
	_ =	sdelay $0x3  }
0x37f: {  	[tilespmem:s5+$0x19C00] =	vst v0  }
0x380: {  	v1 =	vld.idx.msk [tilespmem:v1+s25+$0x0], vm0;
	vm0 =	vlt.s32 v2, $0xC300  }
0x381: {  	v0 =	vld [tilespmem:s5+$0x30];
	_ =	sdelay $0x3  }
0x382: {  	[tilespmem:s5+$0x19C10] =	vst v1  }
0x383: {  	v1 =	vld.idx.msk [tilespmem:v2+s25+$0x0], vm0;
	vm0 =	vlt.s32 v0, $0xC300  }
0x384: {  	s6 =	simm.s32 $0x200;
	s10 =	simm.s32 $0x40  }
.LBB2_26:
0x385: {  	p0 =	sne.s32 s6, $0x3F00;
	v2 =	vld [tilespmem:s10+$0x0];
	_ =	sdelay $0x2  }
0x386: {  	[tilespmem:s5+$0x19C20] =	vst v1  }
0x387: {  	v0 =	vld.idx.msk [tilespmem:v0+s25+$0x0], vm0  }
0x388: {  	vm0 =	vlt.s32 v2, $0xC300;
	_ =	sdelay $0x1  }
0x389: {  	v1 =	vld [tilespmem:s10+$0x10];
	_ =	sdelay $0x2  }
0x38a: {  	[tilespmem:s5+$0x19C30] =	vst v0;
	s5 =	smov.u32 s10  }
0x38b: {  	v0 =	vld.idx.msk [tilespmem:v2+s25+$0x0], vm0  }
0x38c: {  	vm0 =	vlt.s32 v1, $0xC300;
	_ =	sdelay $0x1  }
0x38d: {  	v2 =	vld [tilespmem:s5+$0x20];
	_ =	sdelay $0x2  }
0x38e: {  	[tilespmem:s5+$0x19C00] =	vst v0  }
0x38f: {  	v1 =	vld.idx.msk [tilespmem:v1+s25+$0x0], vm0  }
0x390: {  	vm0 =	vlt.s32 v2, $0xC300;
	_ =	sdelay $0x1  }
0x391: {  	v0 =	vld [tilespmem:s5+$0x30];
	_ =	sdelay $0x1  }
.Ltmp12:
0x392: {  	(pc) =	sbr.rel @p0 .LBB2_26-.Ltmp12, $4  }
0x393: {  	[tilespmem:s5+$0x19C10] =	vst v1  }
0x394: {  	v1 =	vld.idx.msk [tilespmem:v2+s25+$0x0], vm0  }
0x395: {  	vm0 =	vlt.s32 v0, $0xC300  }
0x396: {  	s10 =	sshra.s32 s6, $0x2;
	s6 =	sadd.s32 $0x100, s6  }
0x397: {  	v2 =	vld [tilespmem:s10+$0x0];
	_ =	sdelay $0x3  }
0x398: {  	[tilespmem:s5+$0x19C20] =	vst v1  }
0x399: {  	v0 =	vld.idx.msk [tilespmem:v0+s25+$0x0], vm0;
	vm0 =	vlt.s32 v2, $0xC300  }
0x39a: {  	v1 =	vld [tilespmem:s10+$0x10];
	_ =	sdelay $0x3  }
0x39b: {  	[tilespmem:s5+$0x19C30] =	vst v0  }
0x39c: {  	v0 =	vld.idx.msk [tilespmem:v2+s25+$0x0], vm0;
	vm0 =	vlt.s32 v1, $0xC300  }
0x39d: {  	v2 =	vld [tilespmem:s10+$0x20];
	_ =	sdelay $0x3  }
0x39e: {  	[tilespmem:s10+$0x19C00] =	vst v0  }
0x39f: {  	v0 =	vld.idx.msk [tilespmem:v1+s25+$0x0], vm0;
	vm0 =	vlt.s32 v2, $0xC300  }
0x3a0: {  	v1 =	vld [tilespmem:s10+$0x30];
	_ =	sdelay $0x3  }
0x3a1: {  	[tilespmem:s10+$0x19C10] =	vst v0  }
0x3a2: {  	v0 =	vld.idx.msk [tilespmem:v2+s25+$0x0], vm0;
	vm0 =	vlt.s32 v1, $0xC300;
	_ =	sdelay $0x4  }
0x3a3: {  	[tilespmem:s10+$0x19C20] =	vst v0  }
0x3a4: {  	v0 =	vld.idx.msk [tilespmem:v1+s25+$0x0], vm0;
	_ =	sdelay $0x4  }
0x3a5: {  	[tilespmem:s10+$0x19C30] =	vst v0  }
0x3a6: {  	[tilespmem:s25], [sflag:$0x1] =	stream.strided.gather [hbm4b:s19+s23], $0xC300, s24, s23, $0x38;
	[tilespmem:$0x1BC00] =	vst v63  }
0x3a7: {  	_ =	swait.ge [sflag:s31], $0xC380  }
0x3a8: {  	[sflag:s31] =	ssyncset.done $0x0  }
0x3a9: {  	[sflag:s31] =	ssyncadd.s32 $0xFFFF3C80  }
0x3aa: {  	v0 =	vld [tilespmem:$0x19B00]  }
0x3ab: {  	v1 =	vld [tilespmem:$0x19B10];
	_ =	sdelay $0x3  }
0x3ac: {  	[tilespmem:$0x19780] =	vst v0  }
0x3ad: {  	s5 =	simm.s32 $0x0;
	[tilespmem:$0x19790] =	vst v1  }
0x3ae: {  	v0 =	vld [tilespmem:s5+$0x0];
	_ =	sdelay $0x4  }
0x3af: {  	vm0 =	vgt.s32 v0, $0xC2FF  }
0x3b0: {  	v0 =	vadd.s32 $0xFFFF3D00, v0  }
0x3b1: {  	v1 =	vld [tilespmem:s5+$0x10];
	_ =	sdelay $0x2  }
0x3b2: {  	v2 =	vld [tilespmem:s5+$0x19C00]  }
0x3b3: {  	v0 =	vld.idx.msk [tilespmem:v0+s26+$0x0], vm0  }
0x3b4: {  	vm1 =	vgt.s32 v1, $0xC2FF  }
0x3b5: {  	v1 =	vadd.s32 $0xFFFF3D00, v1;
	_ =	sdelay $0x1  }
0x3b6: {  	v3 =	vld [tilespmem:s5+$0x20]  }
0x3b7: {  	v0 =	vsel vm0, v0, v2  }
0x3b8: {  	[tilespmem:s5+$0x19C00] =	vst v0  }
0x3b9: {  	v0 =	vld.idx.msk [tilespmem:v1+s26+$0x0], vm1  }
0x3ba: {  	v1 =	vld [tilespmem:s5+$0x19C10]  }
0x3bb: {  	vm0 =	vgt.s32 v3, $0xC2FF  }
0x3bc: {  	v2 =	vadd.s32 $0xFFFF3D00, v3  }
0x3bd: {  	v3 =	vld [tilespmem:s5+$0x30];
	_ =	sdelay $0x1  }
0x3be: {  	v0 =	vsel vm1, v0, v1  }
0x3bf: {  	v1 =	vld [tilespmem:s5+$0x19C20];
	[tilespmem:s5+$0x19C10] =	vst v0  }
0x3c0: {  	v0 =	vld.idx.msk [tilespmem:v2+s26+$0x0], vm0  }
0x3c1: {  	vm1 =	vgt.s32 v3, $0xC2FF  }
0x3c2: {  	v2 =	vadd.s32 $0xFFFF3D00, v3  }
0x3c3: {  	s6 =	simm.s32 $0x200;
	s10 =	simm.s32 $0x40  }
.LBB2_28:
0x3c4: {  	p0 =	sne.s32 s6, $0x3F00;
	v3 =	vld [tilespmem:s10+$0x0]  }
0x3c5: {  	v0 =	vsel vm0, v0, v1  }
0x3c6: {  	[tilespmem:s5+$0x19C20] =	vst v0  }
0x3c7: {  	v0 =	vld.idx.msk [tilespmem:v2+s26+$0x0], vm1  }
0x3c8: {  	v1 =	vld [tilespmem:s5+$0x19C30]  }
0x3c9: {  	vm0 =	vgt.s32 v3, $0xC2FF  }
0x3ca: {  	v2 =	vadd.s32 $0xFFFF3D00, v3;
	_ =	sdelay $0x1  }
0x3cb: {  	v3 =	vld [tilespmem:s10+$0x10]  }
0x3cc: {  	v0 =	vsel vm1, v0, v1  }
0x3cd: {  	[tilespmem:s5+$0x19C30] =	vst v0;
	s5 =	smov.u32 s10  }
0x3ce: {  	v0 =	vld.idx.msk [tilespmem:v2+s26+$0x0], vm0  }
0x3cf: {  	v1 =	vld [tilespmem:s5+$0x19C00]  }
0x3d0: {  	vm1 =	vgt.s32 v3, $0xC2FF  }
0x3d1: {  	v2 =	vadd.s32 $0xFFFF3D00, v3;
	_ =	sdelay $0x1  }
0x3d2: {  	v3 =	vld [tilespmem:s5+$0x20]  }
0x3d3: {  	v0 =	vsel vm0, v0, v1  }
0x3d4: {  	[tilespmem:s5+$0x19C00] =	vst v0  }
0x3d5: {  	v0 =	vld.idx.msk [tilespmem:v2+s26+$0x0], vm1  }
0x3d6: {  	v1 =	vld [tilespmem:s5+$0x19C10]  }
0x3d7: {  	vm0 =	vgt.s32 v3, $0xC2FF  }
0x3d8: {  	v2 =	vadd.s32 $0xFFFF3D00, v3;
	_ =	sdelay $0x1  }
0x3d9: {  	v3 =	vld [tilespmem:s5+$0x30]  }
0x3da: {  	v0 =	vsel vm1, v0, v1  }
0x3db: {  	[tilespmem:s5+$0x19C10] =	vst v0  }
.Ltmp13:
0x3dc: {  	v0 =	vld.idx.msk [tilespmem:v2+s26+$0x0], vm0;
	(pc) =	sbr.rel @p0 .LBB2_28-.Ltmp13, $4  }
0x3dd: {  	v1 =	vld [tilespmem:s5+$0x19C20]  }
0x3de: {  	vm1 =	vgt.s32 v3, $0xC2FF  }
0x3df: {  	v2 =	vadd.s32 $0xFFFF3D00, v3  }
0x3e0: {  	s10 =	sshra.s32 s6, $0x2;
	s6 =	sadd.s32 $0x100, s6  }
0x3e1: {  	_ =	sdelay $0x1  }
0x3e2: {  	v3 =	vld [tilespmem:s10+$0x0]  }
0x3e3: {  	v0 =	vsel vm0, v0, v1  }
0x3e4: {  	v1 =	vld [tilespmem:s5+$0x19C30];
	[tilespmem:s5+$0x19C20] =	vst v0  }
0x3e5: {  	v0 =	vld.idx.msk [tilespmem:v2+s26+$0x0], vm1;
	_ =	sdelay $0x1  }
0x3e6: {  	vm0 =	vgt.s32 v3, $0xC2FF  }
0x3e7: {  	v2 =	vadd.s32 $0xFFFF3D00, v3  }
0x3e8: {  	v3 =	vld [tilespmem:s10+$0x10]  }
0x3e9: {  	v0 =	vsel vm1, v0, v1  }
0x3ea: {  	[tilespmem:s5+$0x19C30] =	vst v0  }
0x3eb: {  	v1 =	vld [tilespmem:s10+$0x19C00]  }
0x3ec: {  	v0 =	vld.idx.msk [tilespmem:v2+s26+$0x0], vm0  }
0x3ed: {  	vm1 =	vgt.s32 v3, $0xC2FF  }
0x3ee: {  	v2 =	vadd.s32 $0xFFFF3D00, v3  }
0x3ef: {  	v3 =	vld [tilespmem:s10+$0x20];
	_ =	sdelay $0x1  }
0x3f0: {  	v0 =	vsel vm0, v0, v1  }
0x3f1: {  	v1 =	vld [tilespmem:s10+$0x19C10];
	[tilespmem:s10+$0x19C00] =	vst v0  }
0x3f2: {  	v0 =	vld.idx.msk [tilespmem:v2+s26+$0x0], vm1  }
0x3f3: {  	vm0 =	vgt.s32 v3, $0xC2FF  }
0x3f4: {  	v2 =	vadd.s32 $0xFFFF3D00, v3  }
0x3f5: {  	v3 =	vld [tilespmem:s10+$0x30];
	_ =	sdelay $0x1  }
0x3f6: {  	v0 =	vsel vm1, v0, v1  }
0x3f7: {  	v1 =	vld [tilespmem:s10+$0x19C20];
	[tilespmem:s10+$0x19C10] =	vst v0  }
0x3f8: {  	v0 =	vld.idx.msk [tilespmem:v2+s26+$0x0], vm0  }
0x3f9: {  	vm1 =	vgt.s32 v3, $0xC2FF  }
0x3fa: {  	v2 =	vadd.s32 $0xFFFF3D00, v3;
	_ =	sdelay $0x2  }
0x3fb: {  	v0 =	vsel vm0, v0, v1  }
0x3fc: {  	v1 =	vld [tilespmem:s10+$0x19C30];
	[tilespmem:s10+$0x19C20] =	vst v0  }
0x3fd: {  	v0 =	vld.idx.msk [tilespmem:v2+s26+$0x0], vm1;
	_ =	sdelay $0x4  }
0x3fe: {  	v0 =	vsel vm1, v0, v1  }
0x3ff: {  	[tilespmem:s10+$0x19C30] =	vst v0;
	s10 =	sadd.s32 $0xC300, s19  }
0x400: {  	[tilespmem:s26], [sflag:$0x2] =	stream.strided.gather [hbm4b:s10+s23], $0xC380, s24, s23, $0x38;
	[tilespmem:$0x1BC00] =	vst v63  }
0x401: {  	_ = 	snop  }
0x402: {  	[hbm4b:s20+s23] =	stream.strided.scatter [tilespmem:s1], [sflag:$0x3], $0x1000, s24, s23, $0x38;
	[tilespmem:$0x1BC00] =	vst v63  }
0x403: {  	_ =	swait.ge [sflag:s30], $0xC300  }
0x404: {  	[sflag:s30] =	ssyncset.done $0x0  }
0x405: {  	[sflag:s30] =	ssyncadd.s32 $0xFFFF3D00  }
0x406: {  	_ =	swait.ge [sflag:s29], $0x1000  }
0x407: {  	[sflag:s29] =	ssyncset.done $0x0  }
0x408: {  	s5 =	simm.s32 $0x0;
	[sflag:s29] =	ssyncadd.s32 $0xFFFFF000  }
0x409: {  	v0 =	vld [tilespmem:s5+$0x0];
	_ =	sdelay $0x4  }
0x40a: {  	vm0 =	vlt.s32 v0, $0xC300  }
0x40b: {  	v1 =	vld [tilespmem:s5+$0x10];
	_ =	sdelay $0x4  }
0x40c: {  	v0 =	vld.idx.msk [tilespmem:v0+s25+$0x0], vm0;
	vm0 =	vlt.s32 v1, $0xC300  }
0x40d: {  	v2 =	vld [tilespmem:s5+$0x20];
	_ =	sdelay $0x3  }
0x40e: {  	[tilespmem:s5+$0x1AC00] =	vst v0  }
0x40f: {  	v1 =	vld.idx.msk [tilespmem:v1+s25+$0x0], vm0;
	vm0 =	vlt.s32 v2, $0xC300  }
0x410: {  	v0 =	vld [tilespmem:s5+$0x30];
	_ =	sdelay $0x3  }
0x411: {  	[tilespmem:s5+$0x1AC10] =	vst v1  }
0x412: {  	v1 =	vld.idx.msk [tilespmem:v2+s25+$0x0], vm0;
	vm0 =	vlt.s32 v0, $0xC300  }
0x413: {  	s6 =	simm.s32 $0x200;
	s10 =	simm.s32 $0x40  }
.LBB2_30:
0x414: {  	p0 =	sne.s32 s6, $0x3F00;
	v2 =	vld [tilespmem:s10+$0x0];
	_ =	sdelay $0x2  }
0x415: {  	[tilespmem:s5+$0x1AC20] =	vst v1  }
0x416: {  	v0 =	vld.idx.msk [tilespmem:v0+s25+$0x0], vm0  }
0x417: {  	vm0 =	vlt.s32 v2, $0xC300;
	_ =	sdelay $0x1  }
0x418: {  	v1 =	vld [tilespmem:s10+$0x10];
	_ =	sdelay $0x2  }
0x419: {  	[tilespmem:s5+$0x1AC30] =	vst v0;
	s5 =	smov.u32 s10  }
0x41a: {  	v0 =	vld.idx.msk [tilespmem:v2+s25+$0x0], vm0  }
0x41b: {  	vm0 =	vlt.s32 v1, $0xC300;
	_ =	sdelay $0x1  }
0x41c: {  	v2 =	vld [tilespmem:s5+$0x20];
	_ =	sdelay $0x2  }
0x41d: {  	[tilespmem:s5+$0x1AC00] =	vst v0  }
0x41e: {  	v1 =	vld.idx.msk [tilespmem:v1+s25+$0x0], vm0  }
0x41f: {  	vm0 =	vlt.s32 v2, $0xC300;
	_ =	sdelay $0x1  }
0x420: {  	v0 =	vld [tilespmem:s5+$0x30];
	_ =	sdelay $0x1  }
.Ltmp14:
0x421: {  	(pc) =	sbr.rel @p0 .LBB2_30-.Ltmp14, $4  }
0x422: {  	[tilespmem:s5+$0x1AC10] =	vst v1  }
0x423: {  	v1 =	vld.idx.msk [tilespmem:v2+s25+$0x0], vm0  }
0x424: {  	vm0 =	vlt.s32 v0, $0xC300  }
0x425: {  	s10 =	sshra.s32 s6, $0x2;
	s6 =	sadd.s32 $0x100, s6  }
0x426: {  	v2 =	vld [tilespmem:s10+$0x0];
	_ =	sdelay $0x3  }
0x427: {  	[tilespmem:s5+$0x1AC20] =	vst v1  }
0x428: {  	v0 =	vld.idx.msk [tilespmem:v0+s25+$0x0], vm0;
	vm0 =	vlt.s32 v2, $0xC300  }
0x429: {  	v1 =	vld [tilespmem:s10+$0x10];
	_ =	sdelay $0x3  }
0x42a: {  	[tilespmem:s5+$0x1AC30] =	vst v0  }
0x42b: {  	v0 =	vld.idx.msk [tilespmem:v2+s25+$0x0], vm0;
	vm0 =	vlt.s32 v1, $0xC300  }
0x42c: {  	v2 =	vld [tilespmem:s10+$0x20];
	_ =	sdelay $0x3  }
0x42d: {  	[tilespmem:s10+$0x1AC00] =	vst v0  }
0x42e: {  	v0 =	vld.idx.msk [tilespmem:v1+s25+$0x0], vm0;
	vm0 =	vlt.s32 v2, $0xC300  }
0x42f: {  	v1 =	vld [tilespmem:s10+$0x30];
	_ =	sdelay $0x3  }
0x430: {  	[tilespmem:s10+$0x1AC10] =	vst v0  }
0x431: {  	v0 =	vld.idx.msk [tilespmem:v2+s25+$0x0], vm0;
	vm0 =	vlt.s32 v1, $0xC300;
	_ =	sdelay $0x4  }
0x432: {  	[tilespmem:s10+$0x1AC20] =	vst v0  }
0x433: {  	v0 =	vld.idx.msk [tilespmem:v1+s25+$0x0], vm0;
	_ =	sdelay $0x4  }
0x434: {  	[tilespmem:s10+$0x1AC30] =	vst v0  }
0x435: {  	_ =	swait.ge [sflag:s31], $0xC380  }
0x436: {  	[sflag:s31] =	ssyncset.done $0x0  }
0x437: {  	[sflag:s31] =	ssyncadd.s32 $0xFFFF3C80  }
0x438: {  	v0 =	vld [tilespmem:$0x19B80]  }
0x439: {  	v1 =	vld [tilespmem:$0x19B90];
	_ =	sdelay $0x3  }
0x43a: {  	[tilespmem:$0x19780] =	vst v0  }
0x43b: {  	s5 =	simm.s32 $0x0;
	[tilespmem:$0x19790] =	vst v1  }
0x43c: {  	v0 =	vld [tilespmem:s5+$0x0];
	_ =	sdelay $0x4  }
0x43d: {  	vm0 =	vgt.s32 v0, $0xC2FF  }
0x43e: {  	v0 =	vadd.s32 $0xFFFF3D00, v0  }
0x43f: {  	v1 =	vld [tilespmem:s5+$0x10];
	_ =	sdelay $0x2  }
0x440: {  	v2 =	vld [tilespmem:s5+$0x1AC00]  }
0x441: {  	v0 =	vld.idx.msk [tilespmem:v0+s26+$0x0], vm0  }
0x442: {  	vm1 =	vgt.s32 v1, $0xC2FF  }
0x443: {  	v1 =	vadd.s32 $0xFFFF3D00, v1;
	_ =	sdelay $0x1  }
0x444: {  	v3 =	vld [tilespmem:s5+$0x20]  }
0x445: {  	v0 =	vsel vm0, v0, v2  }
0x446: {  	[tilespmem:s5+$0x1AC00] =	vst v0  }
0x447: {  	v0 =	vld.idx.msk [tilespmem:v1+s26+$0x0], vm1  }
0x448: {  	v1 =	vld [tilespmem:s5+$0x1AC10]  }
0x449: {  	vm0 =	vgt.s32 v3, $0xC2FF  }
0x44a: {  	v2 =	vadd.s32 $0xFFFF3D00, v3  }
0x44b: {  	v3 =	vld [tilespmem:s5+$0x30];
	_ =	sdelay $0x1  }
0x44c: {  	v0 =	vsel vm1, v0, v1  }
0x44d: {  	v1 =	vld [tilespmem:s5+$0x1AC20];
	[tilespmem:s5+$0x1AC10] =	vst v0  }
0x44e: {  	v0 =	vld.idx.msk [tilespmem:v2+s26+$0x0], vm0  }
0x44f: {  	vm1 =	vgt.s32 v3, $0xC2FF  }
0x450: {  	v2 =	vadd.s32 $0xFFFF3D00, v3  }
0x451: {  	s6 =	simm.s32 $0x200;
	s10 =	simm.s32 $0x40  }
.LBB2_32:
0x452: {  	p0 =	sne.s32 s6, $0x3F00;
	v3 =	vld [tilespmem:s10+$0x0]  }
0x453: {  	v0 =	vsel vm0, v0, v1  }
0x454: {  	[tilespmem:s5+$0x1AC20] =	vst v0  }
0x455: {  	v0 =	vld.idx.msk [tilespmem:v2+s26+$0x0], vm1  }
0x456: {  	v1 =	vld [tilespmem:s5+$0x1AC30]  }
0x457: {  	vm0 =	vgt.s32 v3, $0xC2FF  }
0x458: {  	v2 =	vadd.s32 $0xFFFF3D00, v3;
	_ =	sdelay $0x1  }
0x459: {  	v3 =	vld [tilespmem:s10+$0x10]  }
0x45a: {  	v0 =	vsel vm1, v0, v1  }
0x45b: {  	[tilespmem:s5+$0x1AC30] =	vst v0;
	s5 =	smov.u32 s10  }
0x45c: {  	v0 =	vld.idx.msk [tilespmem:v2+s26+$0x0], vm0  }
0x45d: {  	v1 =	vld [tilespmem:s5+$0x1AC00]  }
0x45e: {  	vm1 =	vgt.s32 v3, $0xC2FF  }
0x45f: {  	v2 =	vadd.s32 $0xFFFF3D00, v3;
	_ =	sdelay $0x1  }
0x460: {  	v3 =	vld [tilespmem:s5+$0x20]  }
0x461: {  	v0 =	vsel vm0, v0, v1  }
0x462: {  	[tilespmem:s5+$0x1AC00] =	vst v0  }
0x463: {  	v0 =	vld.idx.msk [tilespmem:v2+s26+$0x0], vm1  }
0x464: {  	v1 =	vld [tilespmem:s5+$0x1AC10]  }
0x465: {  	vm0 =	vgt.s32 v3, $0xC2FF  }
0x466: {  	v2 =	vadd.s32 $0xFFFF3D00, v3;
	_ =	sdelay $0x1  }
0x467: {  	v3 =	vld [tilespmem:s5+$0x30]  }
0x468: {  	v0 =	vsel vm1, v0, v1  }
0x469: {  	[tilespmem:s5+$0x1AC10] =	vst v0  }
.Ltmp15:
0x46a: {  	v0 =	vld.idx.msk [tilespmem:v2+s26+$0x0], vm0;
	(pc) =	sbr.rel @p0 .LBB2_32-.Ltmp15, $4  }
0x46b: {  	v1 =	vld [tilespmem:s5+$0x1AC20]  }
0x46c: {  	vm1 =	vgt.s32 v3, $0xC2FF  }
0x46d: {  	v2 =	vadd.s32 $0xFFFF3D00, v3  }
0x46e: {  	s10 =	sshra.s32 s6, $0x2;
	s6 =	sadd.s32 $0x100, s6  }
0x46f: {  	_ =	sdelay $0x1  }
0x470: {  	v3 =	vld [tilespmem:s10+$0x0]  }
0x471: {  	v0 =	vsel vm0, v0, v1  }
0x472: {  	v52 =	vld [tilespmem:s5+$0x1AC30];
	[tilespmem:s5+$0x1AC20] =	vst v0  }
0x473: {  	v0 =	vld.idx.msk [tilespmem:v2+s26+$0x0], vm1;
	_ =	sdelay $0x1  }
0x474: {  	vm12 =	vgt.s32 v3, $0xC2FF  }
0x475: {  	v53 =	vadd.s32 $0xFFFF3D00, v3  }
0x476: {  	v54 =	vld [tilespmem:s10+$0x10]  }
0x477: {  	v0 =	vsel vm1, v0, v52  }
0x478: {  	[tilespmem:s5+$0x1AC30] =	vst v0  }
0x479: {  	v55 =	vld [tilespmem:s10+$0x1AC00]  }
0x47a: {  	v0 =	vld.idx.msk [tilespmem:v53+s26+$0x0], vm12  }
0x47b: {  	vm13 =	vgt.s32 v54, $0xC2FF  }
0x47c: {  	v56 =	vadd.s32 $0xFFFF3D00, v54  }
0x47d: {  	v57 =	vld [tilespmem:s10+$0x20];
	_ =	sdelay $0x1  }
0x47e: {  	v0 =	vsel vm12, v0, v55  }
0x47f: {  	v58 =	vld [tilespmem:s10+$0x1AC10];
	[tilespmem:s10+$0x1AC00] =	vst v0  }
0x480: {  	v0 =	vld.idx.msk [tilespmem:v56+s26+$0x0], vm13  }
0x481: {  	vm14 =	vgt.s32 v57, $0xC2FF  }
0x482: {  	v59 =	vadd.s32 $0xFFFF3D00, v57  }
0x483: {  	v60 =	vld [tilespmem:s10+$0x30];
	_ =	sdelay $0x1  }
0x484: {  	v0 =	vsel vm13, v0, v58  }
0x485: {  	v61 =	vld [tilespmem:s10+$0x1AC20];
	[tilespmem:s10+$0x1AC10] =	vst v0  }
0x486: {  	v0 =	vld.idx.msk [tilespmem:v59+s26+$0x0], vm14  }
0x487: {  	vm15 =	vgt.s32 v60, $0xC2FF  }
0x488: {  	v62 =	vadd.s32 $0xFFFF3D00, v60;
	_ =	sdelay $0x2  }
0x489: {  	v0 =	vsel vm14, v0, v61  }
0x48a: {  	v63 =	vld [tilespmem:s10+$0x1AC30];
	[tilespmem:s10+$0x1AC20] =	vst v0  }
0x48b: {  	v0 =	vld.idx.msk [tilespmem:v62+s26+$0x0], vm15;
	_ =	sdelay $0x4  }
0x48c: {  	v0 =	vsel vm15, v0, v63  }
0x48d: {  	s3 =	sadd.s32 $0x1, s3;
	[tilespmem:s10+$0x1AC30] =	vst v0  }
0x48e: {  	[hbm4b:s21+s23] =	stream.strided.scatter [tilespmem:s0], [sflag:$0x4], $0x1000, s24, s23, $0x38;
	[tilespmem:$0x1BC00] =	vst v63  }
0x48f: {  	p0 =	sne.s32 s3, s22;
	_ =	swait.ge [sflag:s2], $0x1000  }
.Ltmp16:
0x490: {  	[sflag:s2] =	ssyncset.done $0x0;
	(pc) =	sbr.rel @p0 .LBB2_1-.Ltmp16, $4  }
0x491: {  	[sflag:s2] =	ssyncadd.s32 $0xFFFFF000  }
0x492: {  	_ =	swait.ge [sflag:s29], $0x1000  }
0x493: {  	[sflag:s29] =	ssyncset.done $0x0  }
0x494: {  	[sflag:s29] =	ssyncadd.s32 $0xFFFFF000  }
0x495: {  	_ =	sfence.sel $0x180000  }
0x496: {  	[bflag:$0x0] =	sbarrier.arrive $0xFFFF  }
0x497: {  	_ =	strace $0x90000047  }
0x498: {  	s0 =	stileid.u32;
	[bflag:$0x2] =	sbarrier.arrive $0xFFFF  }
0x499: {  	p0 =	sne.s32 s0, $0x0;
	s0 =	rddreg [dreg:$0x4]  }
0x49a: {  	s0 =	sadd.s32 @!p0 $0x100000, s0  }
0x49b: {  	[sflag:s0] =	ssyncadd.tile.s32 @!p0 $0x1;
	_ =	shalt  }
.Lfunc_end2:
_tile_overlayer_lowered:
.L_overlay_start_2:
0x49c: {  	(tag) =	ssettag $0x2  }
0x49d: {  	s0 =	rddreg [dreg:$0x0];
	s2 =	stileid.u32  }
0x49e: {  	s1 =	rddreg [dreg:$0x1];
	p0 =	sne.s32 s2, $0x0  }
0x49f: {  	s3 =	rddreg [dreg:$0x2];
	[bflag:$0x3] =	sbarrier.arrive $0xFFFF;
	s2 =	simm.s32 @!p0 $0x1C05  }
0x4a0: {  	[timem:s3], [sflag:s2] =	dma.local @!p0 [hbm:s0], s1  }
0x4a1: {  	s0 =	simm.s32 @!p0 $0x5  }
0x4a2: {  	_ =	swait.ge @!p0 [sflag:s0], s1  }
0x4a3: {  	s1 =	ssub.s32 @!p0 $0x0, s1;
	[sflag:s0] =	ssyncset.done @!p0 $0x0  }
0x4a4: {  	[sflag:s0] =	ssyncadd.s32 @!p0 s1  }
0x4a5: {  	[bflag:$0x3] =	sbarrier.arrive $0xFFFF  }
0x4a6: {  	_ =	shalt  }

</sc_bundles>
